<compile_context>
chip_gen: v7x
topology: tpu7x:2x2x1
jax: 0.10.2.dev20260603
libtpu: 0.0.44.dev20260713+nightly
codegen_flags: <defaults>
</compile_context>

<pallas_src>
import functools

import jax
import jax.numpy as jnp
from jax import lax
from jax.experimental import pallas as pl
from jax.experimental.pallas import tpu as pltpu
from jax.experimental.pallas import tpu_sc as plsc

_NC = 2
_NS = 16
_NW = _NC * _NS
_NBUF = 6
_SLACK = 0


def _build(batch, seq, hidden, chunk):
    n_per_w = batch * seq // _NW
    n_ch = n_per_w // chunk
    w_per_b = _NW // batch
    mesh = plsc.VectorSubcoreMesh(core_axis_name="c", subcore_axis_name="s")

    @functools.partial(
        pl.kernel,
        mesh=mesh,
        out_type=jax.ShapeDtypeStruct((batch, seq, hidden), jnp.float32),
        scratch_types=(
            [pltpu.VMEM((n_per_w,), jnp.int32)]
            + [pltpu.VMEM((chunk, hidden), jnp.float32) for _ in range(_NBUF)]
            + [pltpu.SemaphoreType.DMA for _ in range(2 * _NBUF)]
        ),
    )
    def emb(idx_hbm, table_hbm, out_hbm, idx_v, *rest):
        bufs = rest[:_NBUF]
        gsems = rest[_NBUF:2 * _NBUF]
        wsems = rest[2 * _NBUF:]
        wid = lax.axis_index("s") * _NC + lax.axis_index("c")
        bb = wid // w_per_b
        col = (wid % w_per_b) * n_per_w
        pltpu.sync_copy(idx_hbm.at[bb, pl.ds(col, n_per_w)], idx_v)

        def start_gather(i):
            return pltpu.async_copy(table_hbm.at[idx_v.at[pl.ds(i * chunk, chunk)]],
                                    bufs[i % _NBUF], gsems[i % _NBUF])

        lookahead = _NBUF - 1 - _SLACK
        gathers = {j: start_gather(j) for j in range(min(lookahead, n_ch))}
        writebacks = {}
        for i in range(n_ch):
            b = i % _NBUF
            gathers.pop(i).wait()
            j = i + lookahead
            if j < n_ch:
                if i - 1 - _SLACK in writebacks:
                    writebacks.pop(i - 1 - _SLACK).wait()
                gathers[j] = start_gather(j)
            writebacks[i] = pltpu.async_copy(
                bufs[b], out_hbm.at[bb, pl.ds(col + i * chunk, chunk)], wsems[b])
        for i in sorted(writebacks):
            writebacks[i].wait()

    return emb


def kernel(input, word_embeddings):
    b, s = input.shape
    v, d = word_embeddings.shape
    idx = input.astype(jnp.int32)
    return _build(b, s, d, 16)(idx, word_embeddings)

# --- scband reference (transcript-rebuilt; emitter-appended) ---
"""Pipeline reference for scband-embedding-48095043781201 (READ-ONLY COPY).

The authoritative reference and input builder live on the scoring server;
editing this copy changes nothing except your own understanding.
"""

import jax, jax.numpy as jnp
import numpy as np

VOCAB = 100000
HIDDEN = 1024
BATCH = 4
SEQ = 4096

def setup_inputs(seed: int = 0) -> dict:
    key = jax.random.key(seed)
    k_idx, k_w = jax.random.split(key)
    input_ids = jax.random.randint(k_idx, (BATCH, SEQ), 0, VOCAB, dtype=jnp.int64 if jax.config.jax_enable_x64 else jnp.int32)
    word_embeddings = jax.random.normal(k_w, (VOCAB, HIDDEN), dtype=jnp.float32)
    return {"input": input_ids, "word_embeddings": word_embeddings}

def reference(input, word_embeddings):
    # nn.Embedding forward: row gather from the embedding table
    embeddings = jnp.take(word_embeddings, input, axis=0)
    return embeddings

if __name__ == "__main__":
    import jax
    _d = setup_inputs()
    print(jax.jit(kernel)(*tuple(_d.values())))

</pallas_src>

<mosaic_0001>
#map = affine_map<(d0, d1) -> (0, 0)>
#map1 = affine_map<(d0, d1) -> (0, 0, 0)>
module attributes {stable_mosaic.version = 14 : i64} {
  func.func @emb(%arg0: i32, %arg1: i32, %arg2: memref<4x4096xi32, #tpu.memory_space<hbm>>, %arg3: memref<100000x1024xf32, #tpu.memory_space<hbm>>, %arg4: memref<4x4096x1024xf32, #tpu.memory_space<hbm>>, %arg5: memref<512xi32, #tpu.memory_space<vmem>>, %arg6: memref<16x1024xf32, #tpu.memory_space<vmem>>, %arg7: memref<16x1024xf32, #tpu.memory_space<vmem>>, %arg8: memref<16x1024xf32, #tpu.memory_space<vmem>>, %arg9: memref<16x1024xf32, #tpu.memory_space<vmem>>, %arg10: memref<16x1024xf32, #tpu.memory_space<vmem>>, %arg11: memref<16x1024xf32, #tpu.memory_space<vmem>>, %arg12: memref<!tpu.dma_semaphore, #tpu.memory_space<semaphore_mem>>, %arg13: memref<!tpu.dma_semaphore, #tpu.memory_space<semaphore_mem>>, %arg14: memref<!tpu.dma_semaphore, #tpu.memory_space<semaphore_mem>>, %arg15: memref<!tpu.dma_semaphore, #tpu.memory_space<semaphore_mem>>, %arg16: memref<!tpu.dma_semaphore, #tpu.memory_space<semaphore_mem>>, %arg17: memref<!tpu.dma_semaphore, #tpu.memory_space<semaphore_mem>>, %arg18: memref<!tpu.dma_semaphore, #tpu.memory_space<semaphore_mem>>, %arg19: memref<!tpu.dma_semaphore, #tpu.memory_space<semaphore_mem>>, %arg20: memref<!tpu.dma_semaphore, #tpu.memory_space<semaphore_mem>>, %arg21: memref<!tpu.dma_semaphore, #tpu.memory_space<semaphore_mem>>, %arg22: memref<!tpu.dma_semaphore, #tpu.memory_space<semaphore_mem>>, %arg23: memref<!tpu.dma_semaphore, #tpu.memory_space<semaphore_mem>>) attributes {dimension_semantics = [#tpu.dimension_semantics<core_parallel>, #tpu.dimension_semantics<subcore_parallel>], iteration_bounds = array<i64: 2, 16>, scalar_prefetch = 0 : i64, scratch_operands = 19 : i64, tpu.core_type = #tpu.core_type<sc_vector_subcore>, window_params = [{transform_indices = #map}, {transform_indices = #map}, {transform_indices = #map1}]} {
    %mul3A = arith.constant 2 : i32
    %mul3A_0 = arith.muli %arg1, %mul3A : i32
    %add3A = arith.addi %mul3A_0, %arg0 : i32
    %jit3A = arith.constant 8 : i32
    %div3A = arith.divsi %add3A, %jit3A : i32
    %sign3A = arith.constant 0 : i32
    %sign3A_1 = arith.cmpi sgt, %add3A, %sign3A : i32
    %sign3A_2 = arith.extui %sign3A_1 : i1 to i32
    %sign3A_3 = arith.constant 0 : i32
    %sign3A_4 = arith.cmpi slt, %add3A, %sign3A_3 : i32
    %sign3A_5 = arith.extui %sign3A_4 : i1 to i32
    %sign3A_6 = arith.subi %sign3A_2, %sign3A_5 : i32
    %sign3A_7 = arith.constant 0 : i32
    %sign3A_8 = arith.cmpi sgt, %jit3A, %sign3A_7 : i32
    %sign3A_9 = arith.extui %sign3A_8 : i1 to i32
    %sign3A_10 = arith.constant 0 : i32
    %sign3A_11 = arith.cmpi slt, %jit3A, %sign3A_10 : i32
    %sign3A_12 = arith.extui %sign3A_11 : i1 to i32
    %sign3A_13 = arith.subi %sign3A_9, %sign3A_12 : i32
    %ne3A = arith.cmpi ne, %sign3A_6, %sign3A_13 : i32
    %rem3A = arith.remsi %add3A, %jit3A : i32
    %ne3A_14 = arith.constant 0 : i32
    %ne3A_15 = arith.cmpi ne, %rem3A, %ne3A_14 : i32
    %and3A = arith.andi %ne3A, %ne3A_15 : i1
    %sub3A = arith.constant 1 : i32
    %sub3A_16 = arith.subi %div3A, %sub3A : i32
    %select_n3A = arith.select %and3A, %sub3A_16, %div3A : i32
    %jit3A_17 = arith.constant 8 : i32
    %eq3A = arith.constant 0 : i32
    %eq3A_18 = arith.cmpi eq, %jit3A_17, %eq3A : i32
    %jit3A_19 = arith.constant 1 : i32
    %select_n3A_20 = arith.select %eq3A_18, %jit3A_19, %jit3A_17 : i32
    %rem3A_21 = arith.remsi %add3A, %select_n3A_20 : i32
    %ne3A_22 = arith.constant 0 : i32
    %ne3A_23 = arith.cmpi ne, %rem3A_21, %ne3A_22 : i32
    %lt3A = arith.constant 0 : i32
    %lt3A_24 = arith.cmpi slt, %rem3A_21, %lt3A : i32
    %lt3A_25 = arith.constant 0 : i32
    %lt3A_26 = arith.cmpi slt, %select_n3A_20, %lt3A_25 : i32
    %ne3A_27 = arith.xori %lt3A_24, %lt3A_26 : i1
    %and3A_28 = arith.andi %ne3A_27, %ne3A_23 : i1
    %add3A_29 = arith.addi %rem3A_21, %select_n3A_20 : i32
    %select_n3A_30 = arith.select %and3A_28, %add3A_29, %rem3A_21 : i32
    %mul3A_31 = arith.constant 512 : i32
    %mul3A_32 = arith.muli %select_n3A_30, %mul3A_31 : i32
    "tpu.region"() ({
      %run_scoped3A = tpu.sem_alloc : memref<!tpu.dma_semaphore, #tpu.memory_space<semaphore_mem>>
      %dma_start3A_799 = tpu.memref_slice %arg2[%select_n3A, %mul3A_32] : memref<4x4096xi32, #tpu.memory_space<hbm>> -> memref<1x512xi32, #tpu.memory_space<hbm>>
      %dma_start3A_800 = tpu.memref_squeeze %dma_start3A_799 : memref<1x512xi32, #tpu.memory_space<hbm>> -> memref<512xi32, #tpu.memory_space<hbm>>
      %dma_start3A_801 = tpu.memref_slice %arg2[%select_n3A, %mul3A_32] : memref<4x4096xi32, #tpu.memory_space<hbm>> -> memref<1x512xi32, #tpu.memory_space<hbm>>
      %dma_start3A_802 = tpu.memref_squeeze %dma_start3A_801 : memref<1x512xi32, #tpu.memory_space<hbm>> -> memref<512xi32, #tpu.memory_space<hbm>>
      tpu.enqueue_dma source(%dma_start3A_802 : memref<512xi32, #tpu.memory_space<hbm>>) target(%arg5 : memref<512xi32, #tpu.memory_space<vmem>>) target_semaphore(%run_scoped3A : memref<!tpu.dma_semaphore, #tpu.memory_space<semaphore_mem>>)
      %dma_wait3A_803 = tpu.memref_slice %arg2[%select_n3A, %mul3A_32] : memref<4x4096xi32, #tpu.memory_space<hbm>> -> memref<1x512xi32, #tpu.memory_space<hbm>>
      %dma_wait3A_804 = tpu.memref_squeeze %dma_wait3A_803 : memref<1x512xi32, #tpu.memory_space<hbm>> -> memref<512xi32, #tpu.memory_space<hbm>>
      %dma_wait3A_805 = tpu.memref_slice %arg2[%select_n3A, %mul3A_32] : memref<4x4096xi32, #tpu.memory_space<hbm>> -> memref<1x512xi32, #tpu.memory_space<hbm>>
      %dma_wait3A_806 = tpu.memref_squeeze %dma_wait3A_805 : memref<1x512xi32, #tpu.memory_space<hbm>> -> memref<512xi32, #tpu.memory_space<hbm>>
      tpu.wait_dma2 semaphore(%run_scoped3A : memref<!tpu.dma_semaphore, #tpu.memory_space<semaphore_mem>>) src(%dma_wait3A_806 : memref<512xi32, #tpu.memory_space<hbm>>) dst(%arg5 : memref<512xi32, #tpu.memory_space<vmem>>)
      tpu.yield
    }) : () -> ()
    %dma_start3A = arith.constant 0 : i32
    %dma_start3A_33 = tpu.memref_slice %arg5[%dma_start3A] : memref<512xi32, #tpu.memory_space<vmem>> -> memref<16xi32, #tpu.memory_space<vmem>>
    %dma_start3A_34 = arith.constant 0 : i32
    %dma_start3A_35 = arith.constant 0 : i32
    %dma_start3A_36 = tpu.memref_slice %arg3[%dma_start3A_34, %dma_start3A_35] : memref<100000x1024xf32, #tpu.memory_space<hbm>> -> memref<100000x1024xf32, #tpu.memory_space<hbm>>
    tpu.enqueue_indirect_dma source(%dma_start3A_36 : memref<100000x1024xf32, #tpu.memory_space<hbm>>) target(%arg6 : memref<16x1024xf32, #tpu.memory_space<vmem>>) offsets(%dma_start3A_33 : memref<16xi32, #tpu.memory_space<vmem>>) semaphore(%arg12 : memref<!tpu.dma_semaphore, #tpu.memory_space<semaphore_mem>>)
    %dma_start3A_37 = arith.constant 16 : i32
    %dma_start3A_38 = tpu.memref_slice %arg5[%dma_start3A_37] : memref<512xi32, #tpu.memory_space<vmem>> -> memref<16xi32, #tpu.memory_space<vmem>>
    %dma_start3A_39 = arith.constant 0 : i32
    %dma_start3A_40 = arith.constant 0 : i32
    %dma_start3A_41 = tpu.memref_slice %arg3[%dma_start3A_39, %dma_start3A_40] : memref<100000x1024xf32, #tpu.memory_space<hbm>> -> memref<100000x1024xf32, #tpu.memory_space<hbm>>
    tpu.enqueue_indirect_dma source(%dma_start3A_41 : memref<100000x1024xf32, #tpu.memory_space<hbm>>) target(%arg7 : memref<16x1024xf32, #tpu.memory_space<vmem>>) offsets(%dma_start3A_38 : memref<16xi32, #tpu.memory_space<vmem>>) semaphore(%arg13 : memref<!tpu.dma_semaphore, #tpu.memory_space<semaphore_mem>>)
    %dma_start3A_42 = arith.constant 32 : i32
    %dma_start3A_43 = tpu.memref_slice %arg5[%dma_start3A_42] : memref<512xi32, #tpu.memory_space<vmem>> -> memref<16xi32, #tpu.memory_space<vmem>>
    %dma_start3A_44 = arith.constant 0 : i32
    %dma_start3A_45 = arith.constant 0 : i32
    %dma_start3A_46 = tpu.memref_slice %arg3[%dma_start3A_44, %dma_start3A_45] : memref<100000x1024xf32, #tpu.memory_space<hbm>> -> memref<100000x1024xf32, #tpu.memory_space<hbm>>
    tpu.enqueue_indirect_dma source(%dma_start3A_46 : memref<100000x1024xf32, #tpu.memory_space<hbm>>) target(%arg8 : memref<16x1024xf32, #tpu.memory_space<vmem>>) offsets(%dma_start3A_43 : memref<16xi32, #tpu.memory_space<vmem>>) semaphore(%arg14 : memref<!tpu.dma_semaphore, #tpu.memory_space<semaphore_mem>>)
    %dma_start3A_47 = arith.constant 48 : i32
    %dma_start3A_48 = tpu.memref_slice %arg5[%dma_start3A_47] : memref<512xi32, #tpu.memory_space<vmem>> -> memref<16xi32, #tpu.memory_space<vmem>>
    %dma_start3A_49 = arith.constant 0 : i32
    %dma_start3A_50 = arith.constant 0 : i32
    %dma_start3A_51 = tpu.memref_slice %arg3[%dma_start3A_49, %dma_start3A_50] : memref<100000x1024xf32, #tpu.memory_space<hbm>> -> memref<100000x1024xf32, #tpu.memory_space<hbm>>
    tpu.enqueue_indirect_dma source(%dma_start3A_51 : memref<100000x1024xf32, #tpu.memory_space<hbm>>) target(%arg9 : memref<16x1024xf32, #tpu.memory_space<vmem>>) offsets(%dma_start3A_48 : memref<16xi32, #tpu.memory_space<vmem>>) semaphore(%arg15 : memref<!tpu.dma_semaphore, #tpu.memory_space<semaphore_mem>>)
    %dma_start3A_52 = arith.constant 64 : i32
    %dma_start3A_53 = tpu.memref_slice %arg5[%dma_start3A_52] : memref<512xi32, #tpu.memory_space<vmem>> -> memref<16xi32, #tpu.memory_space<vmem>>
    %dma_start3A_54 = arith.constant 0 : i32
    %dma_start3A_55 = arith.constant 0 : i32
    %dma_start3A_56 = tpu.memref_slice %arg3[%dma_start3A_54, %dma_start3A_55] : memref<100000x1024xf32, #tpu.memory_space<hbm>> -> memref<100000x1024xf32, #tpu.memory_space<hbm>>
    tpu.enqueue_indirect_dma source(%dma_start3A_56 : memref<100000x1024xf32, #tpu.memory_space<hbm>>) target(%arg10 : memref<16x1024xf32, #tpu.memory_space<vmem>>) offsets(%dma_start3A_53 : memref<16xi32, #tpu.memory_space<vmem>>) semaphore(%arg16 : memref<!tpu.dma_semaphore, #tpu.memory_space<semaphore_mem>>)
    %dma_wait3A = arith.constant 0 : i32
    %dma_wait3A_57 = tpu.memref_slice %arg5[%dma_wait3A] : memref<512xi32, #tpu.memory_space<vmem>> -> memref<16xi32, #tpu.memory_space<vmem>>
    %dma_wait3A_58 = arith.constant 0 : i32
    %dma_wait3A_59 = arith.constant 0 : i32
    %dma_wait3A_60 = tpu.memref_slice %arg3[%dma_wait3A_58, %dma_wait3A_59] : memref<100000x1024xf32, #tpu.memory_space<hbm>> -> memref<100000x1024xf32, #tpu.memory_space<hbm>>
    tpu.wait_indirect_dma semaphore(%arg12 : memref<!tpu.dma_semaphore, #tpu.memory_space<semaphore_mem>>) src(%dma_wait3A_60 : memref<100000x1024xf32, #tpu.memory_space<hbm>>) dst(%arg6 : memref<16x1024xf32, #tpu.memory_space<vmem>>)
    %dma_start3A_61 = arith.constant 80 : i32
    %dma_start3A_62 = tpu.memref_slice %arg5[%dma_start3A_61] : memref<512xi32, #tpu.memory_space<vmem>> -> memref<16xi32, #tpu.memory_space<vmem>>
    %dma_start3A_63 = arith.constant 0 : i32
    %dma_start3A_64 = arith.constant 0 : i32
    %dma_start3A_65 = tpu.memref_slice %arg3[%dma_start3A_63, %dma_start3A_64] : memref<100000x1024xf32, #tpu.memory_space<hbm>> -> memref<100000x1024xf32, #tpu.memory_space<hbm>>
    tpu.enqueue_indirect_dma source(%dma_start3A_65 : memref<100000x1024xf32, #tpu.memory_space<hbm>>) target(%arg11 : memref<16x1024xf32, #tpu.memory_space<vmem>>) offsets(%dma_start3A_62 : memref<16xi32, #tpu.memory_space<vmem>>) semaphore(%arg17 : memref<!tpu.dma_semaphore, #tpu.memory_space<semaphore_mem>>)
    %add3A_66 = arith.constant 0 : i32
    %add3A_67 = arith.addi %mul3A_32, %add3A_66 : i32
    %dma_start3A_68 = arith.constant 0 : i32
    %dma_start3A_69 = tpu.memref_slice %arg4[%select_n3A, %add3A_67, %dma_start3A_68] : memref<4x4096x1024xf32, #tpu.memory_space<hbm>> -> memref<1x16x1024xf32, #tpu.memory_space<hbm>>
    %dma_start3A_70 = tpu.memref_squeeze %dma_start3A_69 : memref<1x16x1024xf32, #tpu.memory_space<hbm>> -> memref<16x1024xf32, #tpu.memory_space<hbm>>
    %dma_start3A_71 = arith.constant 0 : i32
    %dma_start3A_72 = tpu.memref_slice %arg4[%select_n3A, %add3A_67, %dma_start3A_71] : memref<4x4096x1024xf32, #tpu.memory_space<hbm>> -> memref<1x16x1024xf32, #tpu.memory_space<hbm>>
    %dma_start3A_73 = tpu.memref_squeeze %dma_start3A_72 : memref<1x16x1024xf32, #tpu.memory_space<hbm>> -> memref<16x1024xf32, #tpu.memory_space<hbm>>
    tpu.enqueue_dma source(%arg6 : memref<16x1024xf32, #tpu.memory_space<vmem>>) target(%dma_start3A_73 : memref<16x1024xf32, #tpu.memory_space<hbm>>) target_semaphore(%arg18 : memref<!tpu.dma_semaphore, #tpu.memory_space<semaphore_mem>>)
    %dma_wait3A_74 = arith.constant 16 : i32
    %dma_wait3A_75 = tpu.memref_slice %arg5[%dma_wait3A_74] : memref<512xi32, #tpu.memory_space<vmem>> -> memref<16xi32, #tpu.memory_space<vmem>>
    %dma_wait3A_76 = arith.constant 0 : i32
    %dma_wait3A_77 = arith.constant 0 : i32
    %dma_wait3A_78 = tpu.memref_slice %arg3[%dma_wait3A_76, %dma_wait3A_77] : memref<100000x1024xf32, #tpu.memory_space<hbm>> -> memref<100000x1024xf32, #tpu.memory_space<hbm>>
    tpu.wait_indirect_dma semaphore(%arg13 : memref<!tpu.dma_semaphore, #tpu.memory_space<semaphore_mem>>) src(%dma_wait3A_78 : memref<100000x1024xf32, #tpu.memory_space<hbm>>) dst(%arg7 : memref<16x1024xf32, #tpu.memory_space<vmem>>)
    %dma_wait3A_79 = arith.constant 0 : i32
    %dma_wait3A_80 = tpu.memref_slice %arg4[%select_n3A, %add3A_67, %dma_wait3A_79] : memref<4x4096x1024xf32, #tpu.memory_space<hbm>> -> memref<1x16x1024xf32, #tpu.memory_space<hbm>>
    %dma_wait3A_81 = tpu.memref_squeeze %dma_wait3A_80 : memref<1x16x1024xf32, #tpu.memory_space<hbm>> -> memref<16x1024xf32, #tpu.memory_space<hbm>>
    %dma_wait3A_82 = arith.constant 0 : i32
    %dma_wait3A_83 = tpu.memref_slice %arg4[%select_n3A, %add3A_67, %dma_wait3A_82] : memref<4x4096x1024xf32, #tpu.memory_space<hbm>> -> memref<1x16x1024xf32, #tpu.memory_space<hbm>>
    %dma_wait3A_84 = tpu.memref_squeeze %dma_wait3A_83 : memref<1x16x1024xf32, #tpu.memory_space<hbm>> -> memref<16x1024xf32, #tpu.memory_space<hbm>>
    tpu.wait_dma2 semaphore(%arg18 : memref<!tpu.dma_semaphore, #tpu.memory_space<semaphore_mem>>) src(%arg6 : memref<16x1024xf32, #tpu.memory_space<vmem>>) dst(%dma_wait3A_84 : memref<16x1024xf32, #tpu.memory_space<hbm>>)
    %dma_start3A_85 = arith.constant 96 : i32
    %dma_start3A_86 = tpu.memref_slice %arg5[%dma_start3A_85] : memref<512xi32, #tpu.memory_space<vmem>> -> memref<16xi32, #tpu.memory_space<vmem>>
    %dma_start3A_87 = arith.constant 0 : i32
    %dma_start3A_88 = arith.constant 0 : i32
    %dma_start3A_89 = tpu.memref_slice %arg3[%dma_start3A_87, %dma_start3A_88] : memref<100000x1024xf32, #tpu.memory_space<hbm>> -> memref<100000x1024xf32, #tpu.memory_space<hbm>>
    tpu.enqueue_indirect_dma source(%dma_start3A_89 : memref<100000x1024xf32, #tpu.memory_space<hbm>>) target(%arg6 : memref<16x1024xf32, #tpu.memory_space<vmem>>) offsets(%dma_start3A_86 : memref<16xi32, #tpu.memory_space<vmem>>) semaphore(%arg12 : memref<!tpu.dma_semaphore, #tpu.memory_space<semaphore_mem>>)
    %add3A_90 = arith.constant 16 : i32
    %add3A_91 = arith.addi %mul3A_32, %add3A_90 : i32
    %dma_start3A_92 = arith.constant 0 : i32
    %dma_start3A_93 = tpu.memref_slice %arg4[%select_n3A, %add3A_91, %dma_start3A_92] : memref<4x4096x1024xf32, #tpu.memory_space<hbm>> -> memref<1x16x1024xf32, #tpu.memory_space<hbm>>
    %dma_start3A_94 = tpu.memref_squeeze %dma_start3A_93 : memref<1x16x1024xf32, #tpu.memory_space<hbm>> -> memref<16x1024xf32, #tpu.memory_space<hbm>>
    %dma_start3A_95 = arith.constant 0 : i32
    %dma_start3A_96 = tpu.memref_slice %arg4[%select_n3A, %add3A_91, %dma_start3A_95] : memref<4x4096x1024xf32, #tpu.memory_space<hbm>> -> memref<1x16x1024xf32, #tpu.memory_space<hbm>>
    %dma_start3A_97 = tpu.memref_squeeze %dma_start3A_96 : memref<1x16x1024xf32, #tpu.memory_space<hbm>> -> memref<16x1024xf32, #tpu.memory_space<hbm>>
    tpu.enqueue_dma source(%arg7 : memref<16x1024xf32, #tpu.memory_space<vmem>>) target(%dma_start3A_97 : memref<16x1024xf32, #tpu.memory_space<hbm>>) target_semaphore(%arg19 : memref<!tpu.dma_semaphore, #tpu.memory_space<semaphore_mem>>)
    %dma_wait3A_98 = arith.constant 32 : i32
    %dma_wait3A_99 = tpu.memref_slice %arg5[%dma_wait3A_98] : memref<512xi32, #tpu.memory_space<vmem>> -> memref<16xi32, #tpu.memory_space<vmem>>
    %dma_wait3A_100 = arith.constant 0 : i32
    %dma_wait3A_101 = arith.constant 0 : i32
    %dma_wait3A_102 = tpu.memref_slice %arg3[%dma_wait3A_100, %dma_wait3A_101] : memref<100000x1024xf32, #tpu.memory_space<hbm>> -> memref<100000x1024xf32, #tpu.memory_space<hbm>>
    tpu.wait_indirect_dma semaphore(%arg14 : memref<!tpu.dma_semaphore, #tpu.memory_space<semaphore_mem>>) src(%dma_wait3A_102 : memref<100000x1024xf32, #tpu.memory_space<hbm>>) dst(%arg8 : memref<16x1024xf32, #tpu.memory_space<vmem>>)
    %dma_wait3A_103 = arith.constant 0 : i32
    %dma_wait3A_104 = tpu.memref_slice %arg4[%select_n3A, %add3A_91, %dma_wait3A_103] : memref<4x4096x1024xf32, #tpu.memory_space<hbm>> -> memref<1x16x1024xf32, #tpu.memory_space<hbm>>
    %dma_wait3A_105 = tpu.memref_squeeze %dma_wait3A_104 : memref<1x16x1024xf32, #tpu.memory_space<hbm>> -> memref<16x1024xf32, #tpu.memory_space<hbm>>
    %dma_wait3A_106 = arith.constant 0 : i32
    %dma_wait3A_107 = tpu.memref_slice %arg4[%select_n3A, %add3A_91, %dma_wait3A_106] : memref<4x4096x1024xf32, #tpu.memory_space<hbm>> -> memref<1x16x1024xf32, #tpu.memory_space<hbm>>
    %dma_wait3A_108 = tpu.memref_squeeze %dma_wait3A_107 : memref<1x16x1024xf32, #tpu.memory_space<hbm>> -> memref<16x1024xf32, #tpu.memory_space<hbm>>
    tpu.wait_dma2 semaphore(%arg19 : memref<!tpu.dma_semaphore, #tpu.memory_space<semaphore_mem>>) src(%arg7 : memref<16x1024xf32, #tpu.memory_space<vmem>>) dst(%dma_wait3A_108 : memref<16x1024xf32, #tpu.memory_space<hbm>>)
    %dma_start3A_109 = arith.constant 112 : i32
    %dma_start3A_110 = tpu.memref_slice %arg5[%dma_start3A_109] : memref<512xi32, #tpu.memory_space<vmem>> -> memref<16xi32, #tpu.memory_space<vmem>>
    %dma_start3A_111 = arith.constant 0 : i32
    %dma_start3A_112 = arith.constant 0 : i32
    %dma_start3A_113 = tpu.memref_slice %arg3[%dma_start3A_111, %dma_start3A_112] : memref<100000x1024xf32, #tpu.memory_space<hbm>> -> memref<100000x1024xf32, #tpu.memory_space<hbm>>
    tpu.enqueue_indirect_dma source(%dma_start3A_113 : memref<100000x1024xf32, #tpu.memory_space<hbm>>) target(%arg7 : memref<16x1024xf32, #tpu.memory_space<vmem>>) offsets(%dma_start3A_110 : memref<16xi32, #tpu.memory_space<vmem>>) semaphore(%arg13 : memref<!tpu.dma_semaphore, #tpu.memory_space<semaphore_mem>>)
    %add3A_114 = arith.constant 32 : i32
    %add3A_115 = arith.addi %mul3A_32, %add3A_114 : i32
    %dma_start3A_116 = arith.constant 0 : i32
    %dma_start3A_117 = tpu.memref_slice %arg4[%select_n3A, %add3A_115, %dma_start3A_116] : memref<4x4096x1024xf32, #tpu.memory_space<hbm>> -> memref<1x16x1024xf32, #tpu.memory_space<hbm>>
    %dma_start3A_118 = tpu.memref_squeeze %dma_start3A_117 : memref<1x16x1024xf32, #tpu.memory_space<hbm>> -> memref<16x1024xf32, #tpu.memory_space<hbm>>
    %dma_start3A_119 = arith.constant 0 : i32
    %dma_start3A_120 = tpu.memref_slice %arg4[%select_n3A, %add3A_115, %dma_start3A_119] : memref<4x4096x1024xf32, #tpu.memory_space<hbm>> -> memref<1x16x1024xf32, #tpu.memory_space<hbm>>
    %dma_start3A_121 = tpu.memref_squeeze %dma_start3A_120 : memref<1x16x1024xf32, #tpu.memory_space<hbm>> -> memref<16x1024xf32, #tpu.memory_space<hbm>>
    tpu.enqueue_dma source(%arg8 : memref<16x1024xf32, #tpu.memory_space<vmem>>) target(%dma_start3A_121 : memref<16x1024xf32, #tpu.memory_space<hbm>>) target_semaphore(%arg20 : memref<!tpu.dma_semaphore, #tpu.memory_space<semaphore_mem>>)
    %dma_wait3A_122 = arith.constant 48 : i32
    %dma_wait3A_123 = tpu.memref_slice %arg5[%dma_wait3A_122] : memref<512xi32, #tpu.memory_space<vmem>> -> memref<16xi32, #tpu.memory_space<vmem>>
    %dma_wait3A_124 = arith.constant 0 : i32
    %dma_wait3A_125 = arith.constant 0 : i32
    %dma_wait3A_126 = tpu.memref_slice %arg3[%dma_wait3A_124, %dma_wait3A_125] : memref<100000x1024xf32, #tpu.memory_space<hbm>> -> memref<100000x1024xf32, #tpu.memory_space<hbm>>
    tpu.wait_indirect_dma semaphore(%arg15 : memref<!tpu.dma_semaphore, #tpu.memory_space<semaphore_mem>>) src(%dma_wait3A_126 : memref<100000x1024xf32, #tpu.memory_space<hbm>>) dst(%arg9 : memref<16x1024xf32, #tpu.memory_space<vmem>>)
    %dma_wait3A_127 = arith.constant 0 : i32
    %dma_wait3A_128 = tpu.memref_slice %arg4[%select_n3A, %add3A_115, %dma_wait3A_127] : memref<4x4096x1024xf32, #tpu.memory_space<hbm>> -> memref<1x16x1024xf32, #tpu.memory_space<hbm>>
    %dma_wait3A_129 = tpu.memref_squeeze %dma_wait3A_128 : memref<1x16x1024xf32, #tpu.memory_space<hbm>> -> memref<16x1024xf32, #tpu.memory_space<hbm>>
    %dma_wait3A_130 = arith.constant 0 : i32
    %dma_wait3A_131 = tpu.memref_slice %arg4[%select_n3A, %add3A_115, %dma_wait3A_130] : memref<4x4096x1024xf32, #tpu.memory_space<hbm>> -> memref<1x16x1024xf32, #tpu.memory_space<hbm>>
    %dma_wait3A_132 = tpu.memref_squeeze %dma_wait3A_131 : memref<1x16x1024xf32, #tpu.memory_space<hbm>> -> memref<16x1024xf32, #tpu.memory_space<hbm>>
    tpu.wait_dma2 semaphore(%arg20 : memref<!tpu.dma_semaphore, #tpu.memory_space<semaphore_mem>>) src(%arg8 : memref<16x1024xf32, #tpu.memory_space<vmem>>) dst(%dma_wait3A_132 : memref<16x1024xf32, #tpu.memory_space<hbm>>)
    %dma_start3A_133 = arith.constant 128 : i32
    %dma_start3A_134 = tpu.memref_slice %arg5[%dma_start3A_133] : memref<512xi32, #tpu.memory_space<vmem>> -> memref<16xi32, #tpu.memory_space<vmem>>
    %dma_start3A_135 = arith.constant 0 : i32
    %dma_start3A_136 = arith.constant 0 : i32
    %dma_start3A_137 = tpu.memref_slice %arg3[%dma_start3A_135, %dma_start3A_136] : memref<100000x1024xf32, #tpu.memory_space<hbm>> -> memref<100000x1024xf32, #tpu.memory_space<hbm>>
    tpu.enqueue_indirect_dma source(%dma_start3A_137 : memref<100000x1024xf32, #tpu.memory_space<hbm>>) target(%arg8 : memref<16x1024xf32, #tpu.memory_space<vmem>>) offsets(%dma_start3A_134 : memref<16xi32, #tpu.memory_space<vmem>>) semaphore(%arg14 : memref<!tpu.dma_semaphore, #tpu.memory_space<semaphore_mem>>)
    %add3A_138 = arith.constant 48 : i32
    %add3A_139 = arith.addi %mul3A_32, %add3A_138 : i32
    %dma_start3A_140 = arith.constant 0 : i32
    %dma_start3A_141 = tpu.memref_slice %arg4[%select_n3A, %add3A_139, %dma_start3A_140] : memref<4x4096x1024xf32, #tpu.memory_space<hbm>> -> memref<1x16x1024xf32, #tpu.memory_space<hbm>>
    %dma_start3A_142 = tpu.memref_squeeze %dma_start3A_141 : memref<1x16x1024xf32, #tpu.memory_space<hbm>> -> memref<16x1024xf32, #tpu.memory_space<hbm>>
    %dma_start3A_143 = arith.constant 0 : i32
    %dma_start3A_144 = tpu.memref_slice %arg4[%select_n3A, %add3A_139, %dma_start3A_143] : memref<4x4096x1024xf32, #tpu.memory_space<hbm>> -> memref<1x16x1024xf32, #tpu.memory_space<hbm>>
    %dma_start3A_145 = tpu.memref_squeeze %dma_start3A_144 : memref<1x16x1024xf32, #tpu.memory_space<hbm>> -> memref<16x1024xf32, #tpu.memory_space<hbm>>
    tpu.enqueue_dma source(%arg9 : memref<16x1024xf32, #tpu.memory_space<vmem>>) target(%dma_start3A_145 : memref<16x1024xf32, #tpu.memory_space<hbm>>) target_semaphore(%arg21 : memref<!tpu.dma_semaphore, #tpu.memory_space<semaphore_mem>>)
    %dma_wait3A_146 = arith.constant 64 : i32
    %dma_wait3A_147 = tpu.memref_slice %arg5[%dma_wait3A_146] : memref<512xi32, #tpu.memory_space<vmem>> -> memref<16xi32, #tpu.memory_space<vmem>>
    %dma_wait3A_148 = arith.constant 0 : i32
    %dma_wait3A_149 = arith.constant 0 : i32
    %dma_wait3A_150 = tpu.memref_slice %arg3[%dma_wait3A_148, %dma_wait3A_149] : memref<100000x1024xf32, #tpu.memory_space<hbm>> -> memref<100000x1024xf32, #tpu.memory_space<hbm>>
    tpu.wait_indirect_dma semaphore(%arg16 : memref<!tpu.dma_semaphore, #tpu.memory_space<semaphore_mem>>) src(%dma_wait3A_150 : memref<100000x1024xf32, #tpu.memory_space<hbm>>) dst(%arg10 : memref<16x1024xf32, #tpu.memory_space<vmem>>)
    %dma_wait3A_151 = arith.constant 0 : i32
    %dma_wait3A_152 = tpu.memref_slice %arg4[%select_n3A, %add3A_139, %dma_wait3A_151] : memref<4x4096x1024xf32, #tpu.memory_space<hbm>> -> memref<1x16x1024xf32, #tpu.memory_space<hbm>>
    %dma_wait3A_153 = tpu.memref_squeeze %dma_wait3A_152 : memref<1x16x1024xf32, #tpu.memory_space<hbm>> -> memref<16x1024xf32, #tpu.memory_space<hbm>>
    %dma_wait3A_154 = arith.constant 0 : i32
    %dma_wait3A_155 = tpu.memref_slice %arg4[%select_n3A, %add3A_139, %dma_wait3A_154] : memref<4x4096x1024xf32, #tpu.memory_space<hbm>> -> memref<1x16x1024xf32, #tpu.memory_space<hbm>>
    %dma_wait3A_156 = tpu.memref_squeeze %dma_wait3A_155 : memref<1x16x1024xf32, #tpu.memory_space<hbm>> -> memref<16x1024xf32, #tpu.memory_space<hbm>>
    tpu.wait_dma2 semaphore(%arg21 : memref<!tpu.dma_semaphore, #tpu.memory_space<semaphore_mem>>) src(%arg9 : memref<16x1024xf32, #tpu.memory_space<vmem>>) dst(%dma_wait3A_156 : memref<16x1024xf32, #tpu.memory_space<hbm>>)
    %dma_start3A_157 = arith.constant 144 : i32
    %dma_start3A_158 = tpu.memref_slice %arg5[%dma_start3A_157] : memref<512xi32, #tpu.memory_space<vmem>> -> memref<16xi32, #tpu.memory_space<vmem>>
    %dma_start3A_159 = arith.constant 0 : i32
    %dma_start3A_160 = arith.constant 0 : i32
    %dma_start3A_161 = tpu.memref_slice %arg3[%dma_start3A_159, %dma_start3A_160] : memref<100000x1024xf32, #tpu.memory_space<hbm>> -> memref<100000x1024xf32, #tpu.memory_space<hbm>>
    tpu.enqueue_indirect_dma source(%dma_start3A_161 : memref<100000x1024xf32, #tpu.memory_space<hbm>>) target(%arg9 : memref<16x1024xf32, #tpu.memory_space<vmem>>) offsets(%dma_start3A_158 : memref<16xi32, #tpu.memory_space<vmem>>) semaphore(%arg15 : memref<!tpu.dma_semaphore, #tpu.memory_space<semaphore_mem>>)
    %add3A_162 = arith.constant 64 : i32
    %add3A_163 = arith.addi %mul3A_32, %add3A_162 : i32
    %dma_start3A_164 = arith.constant 0 : i32
    %dma_start3A_165 = tpu.memref_slice %arg4[%select_n3A, %add3A_163, %dma_start3A_164] : memref<4x4096x1024xf32, #tpu.memory_space<hbm>> -> memref<1x16x1024xf32, #tpu.memory_space<hbm>>
    %dma_start3A_166 = tpu.memref_squeeze %dma_start3A_165 : memref<1x16x1024xf32, #tpu.memory_space<hbm>> -> memref<16x1024xf32, #tpu.memory_space<hbm>>
    %dma_start3A_167 = arith.constant 0 : i32
    %dma_start3A_168 = tpu.memref_slice %arg4[%select_n3A, %add3A_163, %dma_start3A_167] : memref<4x4096x1024xf32, #tpu.memory_space<hbm>> -> memref<1x16x1024xf32, #tpu.memory_space<hbm>>
    %dma_start3A_169 = tpu.memref_squeeze %dma_start3A_168 : memref<1x16x1024xf32, #tpu.memory_space<hbm>> -> memref<16x1024xf32, #tpu.memory_space<hbm>>
    tpu.enqueue_dma source(%arg10 : memref<16x1024xf32, #tpu.memory_space<vmem>>) target(%dma_start3A_169 : memref<16x1024xf32, #tpu.memory_space<hbm>>) target_semaphore(%arg22 : memref<!tpu.dma_semaphore, #tpu.memory_space<semaphore_mem>>)
    %dma_wait3A_170 = arith.constant 80 : i32
    %dma_wait3A_171 = tpu.memref_slice %arg5[%dma_wait3A_170] : memref<512xi32, #tpu.memory_space<vmem>> -> memref<16xi32, #tpu.memory_space<vmem>>
    %dma_wait3A_172 = arith.constant 0 : i32
    %dma_wait3A_173 = arith.constant 0 : i32
    %dma_wait3A_174 = tpu.memref_slice %arg3[%dma_wait3A_172, %dma_wait3A_173] : memref<100000x1024xf32, #tpu.memory_space<hbm>> -> memref<100000x1024xf32, #tpu.memory_space<hbm>>
    tpu.wait_indirect_dma semaphore(%arg17 : memref<!tpu.dma_semaphore, #tpu.memory_space<semaphore_mem>>) src(%dma_wait3A_174 : memref<100000x1024xf32, #tpu.memory_space<hbm>>) dst(%arg11 : memref<16x1024xf32, #tpu.memory_space<vmem>>)
    %dma_wait3A_175 = arith.constant 0 : i32
    %dma_wait3A_176 = tpu.memref_slice %arg4[%select_n3A, %add3A_163, %dma_wait3A_175] : memref<4x4096x1024xf32, #tpu.memory_space<hbm>> -> memref<1x16x1024xf32, #tpu.memory_space<hbm>>
    %dma_wait3A_177 = tpu.memref_squeeze %dma_wait3A_176 : memref<1x16x1024xf32, #tpu.memory_space<hbm>> -> memref<16x1024xf32, #tpu.memory_space<hbm>>
    %dma_wait3A_178 = arith.constant 0 : i32
    %dma_wait3A_179 = tpu.memref_slice %arg4[%select_n3A, %add3A_163, %dma_wait3A_178] : memref<4x4096x1024xf32, #tpu.memory_space<hbm>> -> memref<1x16x1024xf32, #tpu.memory_space<hbm>>
    %dma_wait3A_180 = tpu.memref_squeeze %dma_wait3A_179 : memref<1x16x1024xf32, #tpu.memory_space<hbm>> -> memref<16x1024xf32, #tpu.memory_space<hbm>>
    tpu.wait_dma2 semaphore(%arg22 : memref<!tpu.dma_semaphore, #tpu.memory_space<semaphore_mem>>) src(%arg10 : memref<16x1024xf32, #tpu.memory_space<vmem>>) dst(%dma_wait3A_180 : memref<16x1024xf32, #tpu.memory_space<hbm>>)
    %dma_start3A_181 = arith.constant 160 : i32
    %dma_start3A_182 = tpu.memref_slice %arg5[%dma_start3A_181] : memref<512xi32, #tpu.memory_space<vmem>> -> memref<16xi32, #tpu.memory_space<vmem>>
    %dma_start3A_183 = arith.constant 0 : i32
    %dma_start3A_184 = arith.constant 0 : i32
    %dma_start3A_185 = tpu.memref_slice %arg3[%dma_start3A_183, %dma_start3A_184] : memref<100000x1024xf32, #tpu.memory_space<hbm>> -> memref<100000x1024xf32, #tpu.memory_space<hbm>>
    tpu.enqueue_indirect_dma source(%dma_start3A_185 : memref<100000x1024xf32, #tpu.memory_space<hbm>>) target(%arg10 : memref<16x1024xf32, #tpu.memory_space<vmem>>) offsets(%dma_start3A_182 : memref<16xi32, #tpu.memory_space<vmem>>) semaphore(%arg16 : memref<!tpu.dma_semaphore, #tpu.memory_space<semaphore_mem>>)
    %add3A_186 = arith.constant 80 : i32
    %add3A_187 = arith.addi %mul3A_32, %add3A_186 : i32
    %dma_start3A_188 = arith.constant 0 : i32
    %dma_start3A_189 = tpu.memref_slice %arg4[%select_n3A, %add3A_187, %dma_start3A_188] : memref<4x4096x1024xf32, #tpu.memory_space<hbm>> -> memref<1x16x1024xf32, #tpu.memory_space<hbm>>
    %dma_start3A_190 = tpu.memref_squeeze %dma_start3A_189 : memref<1x16x1024xf32, #tpu.memory_space<hbm>> -> memref<16x1024xf32, #tpu.memory_space<hbm>>
    %dma_start3A_191 = arith.constant 0 : i32
    %dma_start3A_192 = tpu.memref_slice %arg4[%select_n3A, %add3A_187, %dma_start3A_191] : memref<4x4096x1024xf32, #tpu.memory_space<hbm>> -> memref<1x16x1024xf32, #tpu.memory_space<hbm>>
    %dma_start3A_193 = tpu.memref_squeeze %dma_start3A_192 : memref<1x16x1024xf32, #tpu.memory_space<hbm>> -> memref<16x1024xf32, #tpu.memory_space<hbm>>
    tpu.enqueue_dma source(%arg11 : memref<16x1024xf32, #tpu.memory_space<vmem>>) target(%dma_start3A_193 : memref<16x1024xf32, #tpu.memory_space<hbm>>) target_semaphore(%arg23 : memref<!tpu.dma_semaphore, #tpu.memory_space<semaphore_mem>>)
    %dma_wait3A_194 = arith.constant 96 : i32
    %dma_wait3A_195 = tpu.memref_slice %arg5[%dma_wait3A_194] : memref<512xi32, #tpu.memory_space<vmem>> -> memref<16xi32, #tpu.memory_space<vmem>>
    %dma_wait3A_196 = arith.constant 0 : i32
    %dma_wait3A_197 = arith.constant 0 : i32
    %dma_wait3A_198 = tpu.memref_slice %arg3[%dma_wait3A_196, %dma_wait3A_197] : memref<100000x1024xf32, #tpu.memory_space<hbm>> -> memref<100000x1024xf32, #tpu.memory_space<hbm>>
    tpu.wait_indirect_dma semaphore(%arg12 : memref<!tpu.dma_semaphore, #tpu.memory_space<semaphore_mem>>) src(%dma_wait3A_198 : memref<100000x1024xf32, #tpu.memory_space<hbm>>) dst(%arg6 : memref<16x1024xf32, #tpu.memory_space<vmem>>)
    %dma_wait3A_199 = arith.constant 0 : i32
    %dma_wait3A_200 = tpu.memref_slice %arg4[%select_n3A, %add3A_187, %dma_wait3A_199] : memref<4x4096x1024xf32, #tpu.memory_space<hbm>> -> memref<1x16x1024xf32, #tpu.memory_space<hbm>>
    %dma_wait3A_201 = tpu.memref_squeeze %dma_wait3A_200 : memref<1x16x1024xf32, #tpu.memory_space<hbm>> -> memref<16x1024xf32, #tpu.memory_space<hbm>>
    %dma_wait3A_202 = arith.constant 0 : i32
    %dma_wait3A_203 = tpu.memref_slice %arg4[%select_n3A, %add3A_187, %dma_wait3A_202] : memref<4x4096x1024xf32, #tpu.memory_space<hbm>> -> memref<1x16x1024xf32, #tpu.memory_space<hbm>>
    %dma_wait3A_204 = tpu.memref_squeeze %dma_wait3A_203 : memref<1x16x1024xf32, #tpu.memory_space<hbm>> -> memref<16x1024xf32, #tpu.memory_space<hbm>>
    tpu.wait_dma2 semaphore(%arg23 : memref<!tpu.dma_semaphore, #tpu.memory_space<semaphore_mem>>) src(%arg11 : memref<16x1024xf32, #tpu.memory_space<vmem>>) dst(%dma_wait3A_204 : memref<16x1024xf32, #tpu.memory_space<hbm>>)
    %dma_start3A_205 = arith.constant 176 : i32
    %dma_start3A_206 = tpu.memref_slice %arg5[%dma_start3A_205] : memref<512xi32, #tpu.memory_space<vmem>> -> memref<16xi32, #tpu.memory_space<vmem>>
    %dma_start3A_207 = arith.constant 0 : i32
    %dma_start3A_208 = arith.constant 0 : i32
    %dma_start3A_209 = tpu.memref_slice %arg3[%dma_start3A_207, %dma_start3A_208] : memref<100000x1024xf32, #tpu.memory_space<hbm>> -> memref<100000x1024xf32, #tpu.memory_space<hbm>>
    tpu.enqueue_indirect_dma source(%dma_start3A_209 : memref<100000x1024xf32, #tpu.memory_space<hbm>>) target(%arg11 : memref<16x1024xf32, #tpu.memory_space<vmem>>) offsets(%dma_start3A_206 : memref<16xi32, #tpu.memory_space<vmem>>) semaphore(%arg17 : memref<!tpu.dma_semaphore, #tpu.memory_space<semaphore_mem>>)
    %add3A_210 = arith.constant 96 : i32
    %add3A_211 = arith.addi %mul3A_32, %add3A_210 : i32
    %dma_start3A_212 = arith.constant 0 : i32
    %dma_start3A_213 = tpu.memref_slice %arg4[%select_n3A, %add3A_211, %dma_start3A_212] : memref<4x4096x1024xf32, #tpu.memory_space<hbm>> -> memref<1x16x1024xf32, #tpu.memory_space<hbm>>
    %dma_start3A_214 = tpu.memref_squeeze %dma_start3A_213 : memref<1x16x1024xf32, #tpu.memory_space<hbm>> -> memref<16x1024xf32, #tpu.memory_space<hbm>>
    %dma_start3A_215 = arith.constant 0 : i32
    %dma_start3A_216 = tpu.memref_slice %arg4[%select_n3A, %add3A_211, %dma_start3A_215] : memref<4x4096x1024xf32, #tpu.memory_space<hbm>> -> memref<1x16x1024xf32, #tpu.memory_space<hbm>>
    %dma_start3A_217 = tpu.memref_squeeze %dma_start3A_216 : memref<1x16x1024xf32, #tpu.memory_space<hbm>> -> memref<16x1024xf32, #tpu.memory_space<hbm>>
    tpu.enqueue_dma source(%arg6 : memref<16x1024xf32, #tpu.memory_space<vmem>>) target(%dma_start3A_217 : memref<16x1024xf32, #tpu.memory_space<hbm>>) target_semaphore(%arg18 : memref<!tpu.dma_semaphore, #tpu.memory_space<semaphore_mem>>)
    %dma_wait3A_218 = arith.constant 112 : i32
    %dma_wait3A_219 = tpu.memref_slice %arg5[%dma_wait3A_218] : memref<512xi32, #tpu.memory_space<vmem>> -> memref<16xi32, #tpu.memory_space<vmem>>
    %dma_wait3A_220 = arith.constant 0 : i32
    %dma_wait3A_221 = arith.constant 0 : i32
    %dma_wait3A_222 = tpu.memref_slice %arg3[%dma_wait3A_220, %dma_wait3A_221] : memref<100000x1024xf32, #tpu.memory_space<hbm>> -> memref<100000x1024xf32, #tpu.memory_space<hbm>>
    tpu.wait_indirect_dma semaphore(%arg13 : memref<!tpu.dma_semaphore, #tpu.memory_space<semaphore_mem>>) src(%dma_wait3A_222 : memref<100000x1024xf32, #tpu.memory_space<hbm>>) dst(%arg7 : memref<16x1024xf32, #tpu.memory_space<vmem>>)
    %dma_wait3A_223 = arith.constant 0 : i32
    %dma_wait3A_224 = tpu.memref_slice %arg4[%select_n3A, %add3A_211, %dma_wait3A_223] : memref<4x4096x1024xf32, #tpu.memory_space<hbm>> -> memref<1x16x1024xf32, #tpu.memory_space<hbm>>
    %dma_wait3A_225 = tpu.memref_squeeze %dma_wait3A_224 : memref<1x16x1024xf32, #tpu.memory_space<hbm>> -> memref<16x1024xf32, #tpu.memory_space<hbm>>
    %dma_wait3A_226 = arith.constant 0 : i32
    %dma_wait3A_227 = tpu.memref_slice %arg4[%select_n3A, %add3A_211, %dma_wait3A_226] : memref<4x4096x1024xf32, #tpu.memory_space<hbm>> -> memref<1x16x1024xf32, #tpu.memory_space<hbm>>
    %dma_wait3A_228 = tpu.memref_squeeze %dma_wait3A_227 : memref<1x16x1024xf32, #tpu.memory_space<hbm>> -> memref<16x1024xf32, #tpu.memory_space<hbm>>
    tpu.wait_dma2 semaphore(%arg18 : memref<!tpu.dma_semaphore, #tpu.memory_space<semaphore_mem>>) src(%arg6 : memref<16x1024xf32, #tpu.memory_space<vmem>>) dst(%dma_wait3A_228 : memref<16x1024xf32, #tpu.memory_space<hbm>>)
    %dma_start3A_229 = arith.constant 192 : i32
    %dma_start3A_230 = tpu.memref_slice %arg5[%dma_start3A_229] : memref<512xi32, #tpu.memory_space<vmem>> -> memref<16xi32, #tpu.memory_space<vmem>>
    %dma_start3A_231 = arith.constant 0 : i32
    %dma_start3A_232 = arith.constant 0 : i32
    %dma_start3A_233 = tpu.memref_slice %arg3[%dma_start3A_231, %dma_start3A_232] : memref<100000x1024xf32, #tpu.memory_space<hbm>> -> memref<100000x1024xf32, #tpu.memory_space<hbm>>
    tpu.enqueue_indirect_dma source(%dma_start3A_233 : memref<100000x1024xf32, #tpu.memory_space<hbm>>) target(%arg6 : memref<16x1024xf32, #tpu.memory_space<vmem>>) offsets(%dma_start3A_230 : memref<16xi32, #tpu.memory_space<vmem>>) semaphore(%arg12 : memref<!tpu.dma_semaphore, #tpu.memory_space<semaphore_mem>>)
    %add3A_234 = arith.constant 112 : i32
    %add3A_235 = arith.addi %mul3A_32, %add3A_234 : i32
    %dma_start3A_236 = arith.constant 0 : i32
    %dma_start3A_237 = tpu.memref_slice %arg4[%select_n3A, %add3A_235, %dma_start3A_236] : memref<4x4096x1024xf32, #tpu.memory_space<hbm>> -> memref<1x16x1024xf32, #tpu.memory_space<hbm>>
    %dma_start3A_238 = tpu.memref_squeeze %dma_start3A_237 : memref<1x16x1024xf32, #tpu.memory_space<hbm>> -> memref<16x1024xf32, #tpu.memory_space<hbm>>
    %dma_start3A_239 = arith.constant 0 : i32
    %dma_start3A_240 = tpu.memref_slice %arg4[%select_n3A, %add3A_235, %dma_start3A_239] : memref<4x4096x1024xf32, #tpu.memory_space<hbm>> -> memref<1x16x1024xf32, #tpu.memory_space<hbm>>
    %dma_start3A_241 = tpu.memref_squeeze %dma_start3A_240 : memref<1x16x1024xf32, #tpu.memory_space<hbm>> -> memref<16x1024xf32, #tpu.memory_space<hbm>>
    tpu.enqueue_dma source(%arg7 : memref<16x1024xf32, #tpu.memory_space<vmem>>) target(%dma_start3A_241 : memref<16x1024xf32, #tpu.memory_space<hbm>>) target_semaphore(%arg19 : memref<!tpu.dma_semaphore, #tpu.memory_space<semaphore_mem>>)
    %dma_wait3A_242 = arith.constant 128 : i32
    %dma_wait3A_243 = tpu.memref_slice %arg5[%dma_wait3A_242] : memref<512xi32, #tpu.memory_space<vmem>> -> memref<16xi32, #tpu.memory_space<vmem>>
    %dma_wait3A_244 = arith.constant 0 : i32
    %dma_wait3A_245 = arith.constant 0 : i32
    %dma_wait3A_246 = tpu.memref_slice %arg3[%dma_wait3A_244, %dma_wait3A_245] : memref<100000x1024xf32, #tpu.memory_space<hbm>> -> memref<100000x1024xf32, #tpu.memory_space<hbm>>
    tpu.wait_indirect_dma semaphore(%arg14 : memref<!tpu.dma_semaphore, #tpu.memory_space<semaphore_mem>>) src(%dma_wait3A_246 : memref<100000x1024xf32, #tpu.memory_space<hbm>>) dst(%arg8 : memref<16x1024xf32, #tpu.memory_space<vmem>>)
    %dma_wait3A_247 = arith.constant 0 : i32
    %dma_wait3A_248 = tpu.memref_slice %arg4[%select_n3A, %add3A_235, %dma_wait3A_247] : memref<4x4096x1024xf32, #tpu.memory_space<hbm>> -> memref<1x16x1024xf32, #tpu.memory_space<hbm>>
    %dma_wait3A_249 = tpu.memref_squeeze %dma_wait3A_248 : memref<1x16x1024xf32, #tpu.memory_space<hbm>> -> memref<16x1024xf32, #tpu.memory_space<hbm>>
    %dma_wait3A_250 = arith.constant 0 : i32
    %dma_wait3A_251 = tpu.memref_slice %arg4[%select_n3A, %add3A_235, %dma_wait3A_250] : memref<4x4096x1024xf32, #tpu.memory_space<hbm>> -> memref<1x16x1024xf32, #tpu.memory_space<hbm>>
    %dma_wait3A_252 = tpu.memref_squeeze %dma_wait3A_251 : memref<1x16x1024xf32, #tpu.memory_space<hbm>> -> memref<16x1024xf32, #tpu.memory_space<hbm>>
    tpu.wait_dma2 semaphore(%arg19 : memref<!tpu.dma_semaphore, #tpu.memory_space<semaphore_mem>>) src(%arg7 : memref<16x1024xf32, #tpu.memory_space<vmem>>) dst(%dma_wait3A_252 : memref<16x1024xf32, #tpu.memory_space<hbm>>)
    %dma_start3A_253 = arith.constant 208 : i32
    %dma_start3A_254 = tpu.memref_slice %arg5[%dma_start3A_253] : memref<512xi32, #tpu.memory_space<vmem>> -> memref<16xi32, #tpu.memory_space<vmem>>
    %dma_start3A_255 = arith.constant 0 : i32
    %dma_start3A_256 = arith.constant 0 : i32
    %dma_start3A_257 = tpu.memref_slice %arg3[%dma_start3A_255, %dma_start3A_256] : memref<100000x1024xf32, #tpu.memory_space<hbm>> -> memref<100000x1024xf32, #tpu.memory_space<hbm>>
    tpu.enqueue_indirect_dma source(%dma_start3A_257 : memref<100000x1024xf32, #tpu.memory_space<hbm>>) target(%arg7 : memref<16x1024xf32, #tpu.memory_space<vmem>>) offsets(%dma_start3A_254 : memref<16xi32, #tpu.memory_space<vmem>>) semaphore(%arg13 : memref<!tpu.dma_semaphore, #tpu.memory_space<semaphore_mem>>)
    %add3A_258 = arith.constant 128 : i32
    %add3A_259 = arith.addi %mul3A_32, %add3A_258 : i32
    %dma_start3A_260 = arith.constant 0 : i32
    %dma_start3A_261 = tpu.memref_slice %arg4[%select_n3A, %add3A_259, %dma_start3A_260] : memref<4x4096x1024xf32, #tpu.memory_space<hbm>> -> memref<1x16x1024xf32, #tpu.memory_space<hbm>>
    %dma_start3A_262 = tpu.memref_squeeze %dma_start3A_261 : memref<1x16x1024xf32, #tpu.memory_space<hbm>> -> memref<16x1024xf32, #tpu.memory_space<hbm>>
    %dma_start3A_263 = arith.constant 0 : i32
    %dma_start3A_264 = tpu.memref_slice %arg4[%select_n3A, %add3A_259, %dma_start3A_263] : memref<4x4096x1024xf32, #tpu.memory_space<hbm>> -> memref<1x16x1024xf32, #tpu.memory_space<hbm>>
    %dma_start3A_265 = tpu.memref_squeeze %dma_start3A_264 : memref<1x16x1024xf32, #tpu.memory_space<hbm>> -> memref<16x1024xf32, #tpu.memory_space<hbm>>
    tpu.enqueue_dma source(%arg8 : memref<16x1024xf32, #tpu.memory_space<vmem>>) target(%dma_start3A_265 : memref<16x1024xf32, #tpu.memory_space<hbm>>) target_semaphore(%arg20 : memref<!tpu.dma_semaphore, #tpu.memory_space<semaphore_mem>>)
    %dma_wait3A_266 = arith.constant 144 : i32
    %dma_wait3A_267 = tpu.memref_slice %arg5[%dma_wait3A_266] : memref<512xi32, #tpu.memory_space<vmem>> -> memref<16xi32, #tpu.memory_space<vmem>>
    %dma_wait3A_268 = arith.constant 0 : i32
    %dma_wait3A_269 = arith.constant 0 : i32
    %dma_wait3A_270 = tpu.memref_slice %arg3[%dma_wait3A_268, %dma_wait3A_269] : memref<100000x1024xf32, #tpu.memory_space<hbm>> -> memref<100000x1024xf32, #tpu.memory_space<hbm>>
    tpu.wait_indirect_dma semaphore(%arg15 : memref<!tpu.dma_semaphore, #tpu.memory_space<semaphore_mem>>) src(%dma_wait3A_270 : memref<100000x1024xf32, #tpu.memory_space<hbm>>) dst(%arg9 : memref<16x1024xf32, #tpu.memory_space<vmem>>)
    %dma_wait3A_271 = arith.constant 0 : i32
    %dma_wait3A_272 = tpu.memref_slice %arg4[%select_n3A, %add3A_259, %dma_wait3A_271] : memref<4x4096x1024xf32, #tpu.memory_space<hbm>> -> memref<1x16x1024xf32, #tpu.memory_space<hbm>>
    %dma_wait3A_273 = tpu.memref_squeeze %dma_wait3A_272 : memref<1x16x1024xf32, #tpu.memory_space<hbm>> -> memref<16x1024xf32, #tpu.memory_space<hbm>>
    %dma_wait3A_274 = arith.constant 0 : i32
    %dma_wait3A_275 = tpu.memref_slice %arg4[%select_n3A, %add3A_259, %dma_wait3A_274] : memref<4x4096x1024xf32, #tpu.memory_space<hbm>> -> memref<1x16x1024xf32, #tpu.memory_space<hbm>>
    %dma_wait3A_276 = tpu.memref_squeeze %dma_wait3A_275 : memref<1x16x1024xf32, #tpu.memory_space<hbm>> -> memref<16x1024xf32, #tpu.memory_space<hbm>>
    tpu.wait_dma2 semaphore(%arg20 : memref<!tpu.dma_semaphore, #tpu.memory_space<semaphore_mem>>) src(%arg8 : memref<16x1024xf32, #tpu.memory_space<vmem>>) dst(%dma_wait3A_276 : memref<16x1024xf32, #tpu.memory_space<hbm>>)
    %dma_start3A_277 = arith.constant 224 : i32
    %dma_start3A_278 = tpu.memref_slice %arg5[%dma_start3A_277] : memref<512xi32, #tpu.memory_space<vmem>> -> memref<16xi32, #tpu.memory_space<vmem>>
    %dma_start3A_279 = arith.constant 0 : i32
    %dma_start3A_280 = arith.constant 0 : i32
    %dma_start3A_281 = tpu.memref_slice %arg3[%dma_start3A_279, %dma_start3A_280] : memref<100000x1024xf32, #tpu.memory_space<hbm>> -> memref<100000x1024xf32, #tpu.memory_space<hbm>>
    tpu.enqueue_indirect_dma source(%dma_start3A_281 : memref<100000x1024xf32, #tpu.memory_space<hbm>>) target(%arg8 : memref<16x1024xf32, #tpu.memory_space<vmem>>) offsets(%dma_start3A_278 : memref<16xi32, #tpu.memory_space<vmem>>) semaphore(%arg14 : memref<!tpu.dma_semaphore, #tpu.memory_space<semaphore_mem>>)
    %add3A_282 = arith.constant 144 : i32
    %add3A_283 = arith.addi %mul3A_32, %add3A_282 : i32
    %dma_start3A_284 = arith.constant 0 : i32
    %dma_start3A_285 = tpu.memref_slice %arg4[%select_n3A, %add3A_283, %dma_start3A_284] : memref<4x4096x1024xf32, #tpu.memory_space<hbm>> -> memref<1x16x1024xf32, #tpu.memory_space<hbm>>
    %dma_start3A_286 = tpu.memref_squeeze %dma_start3A_285 : memref<1x16x1024xf32, #tpu.memory_space<hbm>> -> memref<16x1024xf32, #tpu.memory_space<hbm>>
    %dma_start3A_287 = arith.constant 0 : i32
    %dma_start3A_288 = tpu.memref_slice %arg4[%select_n3A, %add3A_283, %dma_start3A_287] : memref<4x4096x1024xf32, #tpu.memory_space<hbm>> -> memref<1x16x1024xf32, #tpu.memory_space<hbm>>
    %dma_start3A_289 = tpu.memref_squeeze %dma_start3A_288 : memref<1x16x1024xf32, #tpu.memory_space<hbm>> -> memref<16x1024xf32, #tpu.memory_space<hbm>>
    tpu.enqueue_dma source(%arg9 : memref<16x1024xf32, #tpu.memory_space<vmem>>) target(%dma_start3A_289 : memref<16x1024xf32, #tpu.memory_space<hbm>>) target_semaphore(%arg21 : memref<!tpu.dma_semaphore, #tpu.memory_space<semaphore_mem>>)
    %dma_wait3A_290 = arith.constant 160 : i32
    %dma_wait3A_291 = tpu.memref_slice %arg5[%dma_wait3A_290] : memref<512xi32, #tpu.memory_space<vmem>> -> memref<16xi32, #tpu.memory_space<vmem>>
    %dma_wait3A_292 = arith.constant 0 : i32
    %dma_wait3A_293 = arith.constant 0 : i32
    %dma_wait3A_294 = tpu.memref_slice %arg3[%dma_wait3A_292, %dma_wait3A_293] : memref<100000x1024xf32, #tpu.memory_space<hbm>> -> memref<100000x1024xf32, #tpu.memory_space<hbm>>
    tpu.wait_indirect_dma semaphore(%arg16 : memref<!tpu.dma_semaphore, #tpu.memory_space<semaphore_mem>>) src(%dma_wait3A_294 : memref<100000x1024xf32, #tpu.memory_space<hbm>>) dst(%arg10 : memref<16x1024xf32, #tpu.memory_space<vmem>>)
    %dma_wait3A_295 = arith.constant 0 : i32
    %dma_wait3A_296 = tpu.memref_slice %arg4[%select_n3A, %add3A_283, %dma_wait3A_295] : memref<4x4096x1024xf32, #tpu.memory_space<hbm>> -> memref<1x16x1024xf32, #tpu.memory_space<hbm>>
    %dma_wait3A_297 = tpu.memref_squeeze %dma_wait3A_296 : memref<1x16x1024xf32, #tpu.memory_space<hbm>> -> memref<16x1024xf32, #tpu.memory_space<hbm>>
    %dma_wait3A_298 = arith.constant 0 : i32
    %dma_wait3A_299 = tpu.memref_slice %arg4[%select_n3A, %add3A_283, %dma_wait3A_298] : memref<4x4096x1024xf32, #tpu.memory_space<hbm>> -> memref<1x16x1024xf32, #tpu.memory_space<hbm>>
    %dma_wait3A_300 = tpu.memref_squeeze %dma_wait3A_299 : memref<1x16x1024xf32, #tpu.memory_space<hbm>> -> memref<16x1024xf32, #tpu.memory_space<hbm>>
    tpu.wait_dma2 semaphore(%arg21 : memref<!tpu.dma_semaphore, #tpu.memory_space<semaphore_mem>>) src(%arg9 : memref<16x1024xf32, #tpu.memory_space<vmem>>) dst(%dma_wait3A_300 : memref<16x1024xf32, #tpu.memory_space<hbm>>)
    %dma_start3A_301 = arith.constant 240 : i32
    %dma_start3A_302 = tpu.memref_slice %arg5[%dma_start3A_301] : memref<512xi32, #tpu.memory_space<vmem>> -> memref<16xi32, #tpu.memory_space<vmem>>
    %dma_start3A_303 = arith.constant 0 : i32
    %dma_start3A_304 = arith.constant 0 : i32
    %dma_start3A_305 = tpu.memref_slice %arg3[%dma_start3A_303, %dma_start3A_304] : memref<100000x1024xf32, #tpu.memory_space<hbm>> -> memref<100000x1024xf32, #tpu.memory_space<hbm>>
    tpu.enqueue_indirect_dma source(%dma_start3A_305 : memref<100000x1024xf32, #tpu.memory_space<hbm>>) target(%arg9 : memref<16x1024xf32, #tpu.memory_space<vmem>>) offsets(%dma_start3A_302 : memref<16xi32, #tpu.memory_space<vmem>>) semaphore(%arg15 : memref<!tpu.dma_semaphore, #tpu.memory_space<semaphore_mem>>)
    %add3A_306 = arith.constant 160 : i32
    %add3A_307 = arith.addi %mul3A_32, %add3A_306 : i32
    %dma_start3A_308 = arith.constant 0 : i32
    %dma_start3A_309 = tpu.memref_slice %arg4[%select_n3A, %add3A_307, %dma_start3A_308] : memref<4x4096x1024xf32, #tpu.memory_space<hbm>> -> memref<1x16x1024xf32, #tpu.memory_space<hbm>>
    %dma_start3A_310 = tpu.memref_squeeze %dma_start3A_309 : memref<1x16x1024xf32, #tpu.memory_space<hbm>> -> memref<16x1024xf32, #tpu.memory_space<hbm>>
    %dma_start3A_311 = arith.constant 0 : i32
    %dma_start3A_312 = tpu.memref_slice %arg4[%select_n3A, %add3A_307, %dma_start3A_311] : memref<4x4096x1024xf32, #tpu.memory_space<hbm>> -> memref<1x16x1024xf32, #tpu.memory_space<hbm>>
    %dma_start3A_313 = tpu.memref_squeeze %dma_start3A_312 : memref<1x16x1024xf32, #tpu.memory_space<hbm>> -> memref<16x1024xf32, #tpu.memory_space<hbm>>
    tpu.enqueue_dma source(%arg10 : memref<16x1024xf32, #tpu.memory_space<vmem>>) target(%dma_start3A_313 : memref<16x1024xf32, #tpu.memory_space<hbm>>) target_semaphore(%arg22 : memref<!tpu.dma_semaphore, #tpu.memory_space<semaphore_mem>>)
    %dma_wait3A_314 = arith.constant 176 : i32
    %dma_wait3A_315 = tpu.memref_slice %arg5[%dma_wait3A_314] : memref<512xi32, #tpu.memory_space<vmem>> -> memref<16xi32, #tpu.memory_space<vmem>>
    %dma_wait3A_316 = arith.constant 0 : i32
    %dma_wait3A_317 = arith.constant 0 : i32
    %dma_wait3A_318 = tpu.memref_slice %arg3[%dma_wait3A_316, %dma_wait3A_317] : memref<100000x1024xf32, #tpu.memory_space<hbm>> -> memref<100000x1024xf32, #tpu.memory_space<hbm>>
    tpu.wait_indirect_dma semaphore(%arg17 : memref<!tpu.dma_semaphore, #tpu.memory_space<semaphore_mem>>) src(%dma_wait3A_318 : memref<100000x1024xf32, #tpu.memory_space<hbm>>) dst(%arg11 : memref<16x1024xf32, #tpu.memory_space<vmem>>)
    %dma_wait3A_319 = arith.constant 0 : i32
    %dma_wait3A_320 = tpu.memref_slice %arg4[%select_n3A, %add3A_307, %dma_wait3A_319] : memref<4x4096x1024xf32, #tpu.memory_space<hbm>> -> memref<1x16x1024xf32, #tpu.memory_space<hbm>>
    %dma_wait3A_321 = tpu.memref_squeeze %dma_wait3A_320 : memref<1x16x1024xf32, #tpu.memory_space<hbm>> -> memref<16x1024xf32, #tpu.memory_space<hbm>>
    %dma_wait3A_322 = arith.constant 0 : i32
    %dma_wait3A_323 = tpu.memref_slice %arg4[%select_n3A, %add3A_307, %dma_wait3A_322] : memref<4x4096x1024xf32, #tpu.memory_space<hbm>> -> memref<1x16x1024xf32, #tpu.memory_space<hbm>>
    %dma_wait3A_324 = tpu.memref_squeeze %dma_wait3A_323 : memref<1x16x1024xf32, #tpu.memory_space<hbm>> -> memref<16x1024xf32, #tpu.memory_space<hbm>>
    tpu.wait_dma2 semaphore(%arg22 : memref<!tpu.dma_semaphore, #tpu.memory_space<semaphore_mem>>) src(%arg10 : memref<16x1024xf32, #tpu.memory_space<vmem>>) dst(%dma_wait3A_324 : memref<16x1024xf32, #tpu.memory_space<hbm>>)
    %dma_start3A_325 = arith.constant 256 : i32
    %dma_start3A_326 = tpu.memref_slice %arg5[%dma_start3A_325] : memref<512xi32, #tpu.memory_space<vmem>> -> memref<16xi32, #tpu.memory_space<vmem>>
    %dma_start3A_327 = arith.constant 0 : i32
    %dma_start3A_328 = arith.constant 0 : i32
    %dma_start3A_329 = tpu.memref_slice %arg3[%dma_start3A_327, %dma_start3A_328] : memref<100000x1024xf32, #tpu.memory_space<hbm>> -> memref<100000x1024xf32, #tpu.memory_space<hbm>>
    tpu.enqueue_indirect_dma source(%dma_start3A_329 : memref<100000x1024xf32, #tpu.memory_space<hbm>>) target(%arg10 : memref<16x1024xf32, #tpu.memory_space<vmem>>) offsets(%dma_start3A_326 : memref<16xi32, #tpu.memory_space<vmem>>) semaphore(%arg16 : memref<!tpu.dma_semaphore, #tpu.memory_space<semaphore_mem>>)
    %add3A_330 = arith.constant 176 : i32
    %add3A_331 = arith.addi %mul3A_32, %add3A_330 : i32
    %dma_start3A_332 = arith.constant 0 : i32
    %dma_start3A_333 = tpu.memref_slice %arg4[%select_n3A, %add3A_331, %dma_start3A_332] : memref<4x4096x1024xf32, #tpu.memory_space<hbm>> -> memref<1x16x1024xf32, #tpu.memory_space<hbm>>
    %dma_start3A_334 = tpu.memref_squeeze %dma_start3A_333 : memref<1x16x1024xf32, #tpu.memory_space<hbm>> -> memref<16x1024xf32, #tpu.memory_space<hbm>>
    %dma_start3A_335 = arith.constant 0 : i32
    %dma_start3A_336 = tpu.memref_slice %arg4[%select_n3A, %add3A_331, %dma_start3A_335] : memref<4x4096x1024xf32, #tpu.memory_space<hbm>> -> memref<1x16x1024xf32, #tpu.memory_space<hbm>>
    %dma_start3A_337 = tpu.memref_squeeze %dma_start3A_336 : memref<1x16x1024xf32, #tpu.memory_space<hbm>> -> memref<16x1024xf32, #tpu.memory_space<hbm>>
    tpu.enqueue_dma source(%arg11 : memref<16x1024xf32, #tpu.memory_space<vmem>>) target(%dma_start3A_337 : memref<16x1024xf32, #tpu.memory_space<hbm>>) target_semaphore(%arg23 : memref<!tpu.dma_semaphore, #tpu.memory_space<semaphore_mem>>)
    %dma_wait3A_338 = arith.constant 192 : i32
    %dma_wait3A_339 = tpu.memref_slice %arg5[%dma_wait3A_338] : memref<512xi32, #tpu.memory_space<vmem>> -> memref<16xi32, #tpu.memory_space<vmem>>
    %dma_wait3A_340 = arith.constant 0 : i32
    %dma_wait3A_341 = arith.constant 0 : i32
    %dma_wait3A_342 = tpu.memref_slice %arg3[%dma_wait3A_340, %dma_wait3A_341] : memref<100000x1024xf32, #tpu.memory_space<hbm>> -> memref<100000x1024xf32, #tpu.memory_space<hbm>>
    tpu.wait_indirect_dma semaphore(%arg12 : memref<!tpu.dma_semaphore, #tpu.memory_space<semaphore_mem>>) src(%dma_wait3A_342 : memref<100000x1024xf32, #tpu.memory_space<hbm>>) dst(%arg6 : memref<16x1024xf32, #tpu.memory_space<vmem>>)
    %dma_wait3A_343 = arith.constant 0 : i32
    %dma_wait3A_344 = tpu.memref_slice %arg4[%select_n3A, %add3A_331, %dma_wait3A_343] : memref<4x4096x1024xf32, #tpu.memory_space<hbm>> -> memref<1x16x1024xf32, #tpu.memory_space<hbm>>
    %dma_wait3A_345 = tpu.memref_squeeze %dma_wait3A_344 : memref<1x16x1024xf32, #tpu.memory_space<hbm>> -> memref<16x1024xf32, #tpu.memory_space<hbm>>
    %dma_wait3A_346 = arith.constant 0 : i32
    %dma_wait3A_347 = tpu.memref_slice %arg4[%select_n3A, %add3A_331, %dma_wait3A_346] : memref<4x4096x1024xf32, #tpu.memory_space<hbm>> -> memref<1x16x1024xf32, #tpu.memory_space<hbm>>
    %dma_wait3A_348 = tpu.memref_squeeze %dma_wait3A_347 : memref<1x16x1024xf32, #tpu.memory_space<hbm>> -> memref<16x1024xf32, #tpu.memory_space<hbm>>
    tpu.wait_dma2 semaphore(%arg23 : memref<!tpu.dma_semaphore, #tpu.memory_space<semaphore_mem>>) src(%arg11 : memref<16x1024xf32, #tpu.memory_space<vmem>>) dst(%dma_wait3A_348 : memref<16x1024xf32, #tpu.memory_space<hbm>>)
    %dma_start3A_349 = arith.constant 272 : i32
    %dma_start3A_350 = tpu.memref_slice %arg5[%dma_start3A_349] : memref<512xi32, #tpu.memory_space<vmem>> -> memref<16xi32, #tpu.memory_space<vmem>>
    %dma_start3A_351 = arith.constant 0 : i32
    %dma_start3A_352 = arith.constant 0 : i32
    %dma_start3A_353 = tpu.memref_slice %arg3[%dma_start3A_351, %dma_start3A_352] : memref<100000x1024xf32, #tpu.memory_space<hbm>> -> memref<100000x1024xf32, #tpu.memory_space<hbm>>
    tpu.enqueue_indirect_dma source(%dma_start3A_353 : memref<100000x1024xf32, #tpu.memory_space<hbm>>) target(%arg11 : memref<16x1024xf32, #tpu.memory_space<vmem>>) offsets(%dma_start3A_350 : memref<16xi32, #tpu.memory_space<vmem>>) semaphore(%arg17 : memref<!tpu.dma_semaphore, #tpu.memory_space<semaphore_mem>>)
    %add3A_354 = arith.constant 192 : i32
    %add3A_355 = arith.addi %mul3A_32, %add3A_354 : i32
    %dma_start3A_356 = arith.constant 0 : i32
    %dma_start3A_357 = tpu.memref_slice %arg4[%select_n3A, %add3A_355, %dma_start3A_356] : memref<4x4096x1024xf32, #tpu.memory_space<hbm>> -> memref<1x16x1024xf32, #tpu.memory_space<hbm>>
    %dma_start3A_358 = tpu.memref_squeeze %dma_start3A_357 : memref<1x16x1024xf32, #tpu.memory_space<hbm>> -> memref<16x1024xf32, #tpu.memory_space<hbm>>
    %dma_start3A_359 = arith.constant 0 : i32
    %dma_start3A_360 = tpu.memref_slice %arg4[%select_n3A, %add3A_355, %dma_start3A_359] : memref<4x4096x1024xf32, #tpu.memory_space<hbm>> -> memref<1x16x1024xf32, #tpu.memory_space<hbm>>
    %dma_start3A_361 = tpu.memref_squeeze %dma_start3A_360 : memref<1x16x1024xf32, #tpu.memory_space<hbm>> -> memref<16x1024xf32, #tpu.memory_space<hbm>>
    tpu.enqueue_dma source(%arg6 : memref<16x1024xf32, #tpu.memory_space<vmem>>) target(%dma_start3A_361 : memref<16x1024xf32, #tpu.memory_space<hbm>>) target_semaphore(%arg18 : memref<!tpu.dma_semaphore, #tpu.memory_space<semaphore_mem>>)
    %dma_wait3A_362 = arith.constant 208 : i32
    %dma_wait3A_363 = tpu.memref_slice %arg5[%dma_wait3A_362] : memref<512xi32, #tpu.memory_space<vmem>> -> memref<16xi32, #tpu.memory_space<vmem>>
    %dma_wait3A_364 = arith.constant 0 : i32
    %dma_wait3A_365 = arith.constant 0 : i32
    %dma_wait3A_366 = tpu.memref_slice %arg3[%dma_wait3A_364, %dma_wait3A_365] : memref<100000x1024xf32, #tpu.memory_space<hbm>> -> memref<100000x1024xf32, #tpu.memory_space<hbm>>
    tpu.wait_indirect_dma semaphore(%arg13 : memref<!tpu.dma_semaphore, #tpu.memory_space<semaphore_mem>>) src(%dma_wait3A_366 : memref<100000x1024xf32, #tpu.memory_space<hbm>>) dst(%arg7 : memref<16x1024xf32, #tpu.memory_space<vmem>>)
    %dma_wait3A_367 = arith.constant 0 : i32
    %dma_wait3A_368 = tpu.memref_slice %arg4[%select_n3A, %add3A_355, %dma_wait3A_367] : memref<4x4096x1024xf32, #tpu.memory_space<hbm>> -> memref<1x16x1024xf32, #tpu.memory_space<hbm>>
    %dma_wait3A_369 = tpu.memref_squeeze %dma_wait3A_368 : memref<1x16x1024xf32, #tpu.memory_space<hbm>> -> memref<16x1024xf32, #tpu.memory_space<hbm>>
    %dma_wait3A_370 = arith.constant 0 : i32
    %dma_wait3A_371 = tpu.memref_slice %arg4[%select_n3A, %add3A_355, %dma_wait3A_370] : memref<4x4096x1024xf32, #tpu.memory_space<hbm>> -> memref<1x16x1024xf32, #tpu.memory_space<hbm>>
    %dma_wait3A_372 = tpu.memref_squeeze %dma_wait3A_371 : memref<1x16x1024xf32, #tpu.memory_space<hbm>> -> memref<16x1024xf32, #tpu.memory_space<hbm>>
    tpu.wait_dma2 semaphore(%arg18 : memref<!tpu.dma_semaphore, #tpu.memory_space<semaphore_mem>>) src(%arg6 : memref<16x1024xf32, #tpu.memory_space<vmem>>) dst(%dma_wait3A_372 : memref<16x1024xf32, #tpu.memory_space<hbm>>)
    %dma_start3A_373 = arith.constant 288 : i32
    %dma_start3A_374 = tpu.memref_slice %arg5[%dma_start3A_373] : memref<512xi32, #tpu.memory_space<vmem>> -> memref<16xi32, #tpu.memory_space<vmem>>
    %dma_start3A_375 = arith.constant 0 : i32
    %dma_start3A_376 = arith.constant 0 : i32
    %dma_start3A_377 = tpu.memref_slice %arg3[%dma_start3A_375, %dma_start3A_376] : memref<100000x1024xf32, #tpu.memory_space<hbm>> -> memref<100000x1024xf32, #tpu.memory_space<hbm>>
    tpu.enqueue_indirect_dma source(%dma_start3A_377 : memref<100000x1024xf32, #tpu.memory_space<hbm>>) target(%arg6 : memref<16x1024xf32, #tpu.memory_space<vmem>>) offsets(%dma_start3A_374 : memref<16xi32, #tpu.memory_space<vmem>>) semaphore(%arg12 : memref<!tpu.dma_semaphore, #tpu.memory_space<semaphore_mem>>)
    %add3A_378 = arith.constant 208 : i32
    %add3A_379 = arith.addi %mul3A_32, %add3A_378 : i32
    %dma_start3A_380 = arith.constant 0 : i32
    %dma_start3A_381 = tpu.memref_slice %arg4[%select_n3A, %add3A_379, %dma_start3A_380] : memref<4x4096x1024xf32, #tpu.memory_space<hbm>> -> memref<1x16x1024xf32, #tpu.memory_space<hbm>>
    %dma_start3A_382 = tpu.memref_squeeze %dma_start3A_381 : memref<1x16x1024xf32, #tpu.memory_space<hbm>> -> memref<16x1024xf32, #tpu.memory_space<hbm>>
    %dma_start3A_383 = arith.constant 0 : i32
    %dma_start3A_384 = tpu.memref_slice %arg4[%select_n3A, %add3A_379, %dma_start3A_383] : memref<4x4096x1024xf32, #tpu.memory_space<hbm>> -> memref<1x16x1024xf32, #tpu.memory_space<hbm>>
    %dma_start3A_385 = tpu.memref_squeeze %dma_start3A_384 : memref<1x16x1024xf32, #tpu.memory_space<hbm>> -> memref<16x1024xf32, #tpu.memory_space<hbm>>
    tpu.enqueue_dma source(%arg7 : memref<16x1024xf32, #tpu.memory_space<vmem>>) target(%dma_start3A_385 : memref<16x1024xf32, #tpu.memory_space<hbm>>) target_semaphore(%arg19 : memref<!tpu.dma_semaphore, #tpu.memory_space<semaphore_mem>>)
    %dma_wait3A_386 = arith.constant 224 : i32
    %dma_wait3A_387 = tpu.memref_slice %arg5[%dma_wait3A_386] : memref<512xi32, #tpu.memory_space<vmem>> -> memref<16xi32, #tpu.memory_space<vmem>>
    %dma_wait3A_388 = arith.constant 0 : i32
    %dma_wait3A_389 = arith.constant 0 : i32
    %dma_wait3A_390 = tpu.memref_slice %arg3[%dma_wait3A_388, %dma_wait3A_389] : memref<100000x1024xf32, #tpu.memory_space<hbm>> -> memref<100000x1024xf32, #tpu.memory_space<hbm>>
    tpu.wait_indirect_dma semaphore(%arg14 : memref<!tpu.dma_semaphore, #tpu.memory_space<semaphore_mem>>) src(%dma_wait3A_390 : memref<100000x1024xf32, #tpu.memory_space<hbm>>) dst(%arg8 : memref<16x1024xf32, #tpu.memory_space<vmem>>)
    %dma_wait3A_391 = arith.constant 0 : i32
    %dma_wait3A_392 = tpu.memref_slice %arg4[%select_n3A, %add3A_379, %dma_wait3A_391] : memref<4x4096x1024xf32, #tpu.memory_space<hbm>> -> memref<1x16x1024xf32, #tpu.memory_space<hbm>>
    %dma_wait3A_393 = tpu.memref_squeeze %dma_wait3A_392 : memref<1x16x1024xf32, #tpu.memory_space<hbm>> -> memref<16x1024xf32, #tpu.memory_space<hbm>>
    %dma_wait3A_394 = arith.constant 0 : i32
    %dma_wait3A_395 = tpu.memref_slice %arg4[%select_n3A, %add3A_379, %dma_wait3A_394] : memref<4x4096x1024xf32, #tpu.memory_space<hbm>> -> memref<1x16x1024xf32, #tpu.memory_space<hbm>>
    %dma_wait3A_396 = tpu.memref_squeeze %dma_wait3A_395 : memref<1x16x1024xf32, #tpu.memory_space<hbm>> -> memref<16x1024xf32, #tpu.memory_space<hbm>>
    tpu.wait_dma2 semaphore(%arg19 : memref<!tpu.dma_semaphore, #tpu.memory_space<semaphore_mem>>) src(%arg7 : memref<16x1024xf32, #tpu.memory_space<vmem>>) dst(%dma_wait3A_396 : memref<16x1024xf32, #tpu.memory_space<hbm>>)
    %dma_start3A_397 = arith.constant 304 : i32
    %dma_start3A_398 = tpu.memref_slice %arg5[%dma_start3A_397] : memref<512xi32, #tpu.memory_space<vmem>> -> memref<16xi32, #tpu.memory_space<vmem>>
    %dma_start3A_399 = arith.constant 0 : i32
    %dma_start3A_400 = arith.constant 0 : i32
    %dma_start3A_401 = tpu.memref_slice %arg3[%dma_start3A_399, %dma_start3A_400] : memref<100000x1024xf32, #tpu.memory_space<hbm>> -> memref<100000x1024xf32, #tpu.memory_space<hbm>>
    tpu.enqueue_indirect_dma source(%dma_start3A_401 : memref<100000x1024xf32, #tpu.memory_space<hbm>>) target(%arg7 : memref<16x1024xf32, #tpu.memory_space<vmem>>) offsets(%dma_start3A_398 : memref<16xi32, #tpu.memory_space<vmem>>) semaphore(%arg13 : memref<!tpu.dma_semaphore, #tpu.memory_space<semaphore_mem>>)
    %add3A_402 = arith.constant 224 : i32
    %add3A_403 = arith.addi %mul3A_32, %add3A_402 : i32
    %dma_start3A_404 = arith.constant 0 : i32
    %dma_start3A_405 = tpu.memref_slice %arg4[%select_n3A, %add3A_403, %dma_start3A_404] : memref<4x4096x1024xf32, #tpu.memory_space<hbm>> -> memref<1x16x1024xf32, #tpu.memory_space<hbm>>
    %dma_start3A_406 = tpu.memref_squeeze %dma_start3A_405 : memref<1x16x1024xf32, #tpu.memory_space<hbm>> -> memref<16x1024xf32, #tpu.memory_space<hbm>>
    %dma_start3A_407 = arith.constant 0 : i32
    %dma_start3A_408 = tpu.memref_slice %arg4[%select_n3A, %add3A_403, %dma_start3A_407] : memref<4x4096x1024xf32, #tpu.memory_space<hbm>> -> memref<1x16x1024xf32, #tpu.memory_space<hbm>>
    %dma_start3A_409 = tpu.memref_squeeze %dma_start3A_408 : memref<1x16x1024xf32, #tpu.memory_space<hbm>> -> memref<16x1024xf32, #tpu.memory_space<hbm>>
    tpu.enqueue_dma source(%arg8 : memref<16x1024xf32, #tpu.memory_space<vmem>>) target(%dma_start3A_409 : memref<16x1024xf32, #tpu.memory_space<hbm>>) target_semaphore(%arg20 : memref<!tpu.dma_semaphore, #tpu.memory_space<semaphore_mem>>)
    %dma_wait3A_410 = arith.constant 240 : i32
    %dma_wait3A_411 = tpu.memref_slice %arg5[%dma_wait3A_410] : memref<512xi32, #tpu.memory_space<vmem>> -> memref<16xi32, #tpu.memory_space<vmem>>
    %dma_wait3A_412 = arith.constant 0 : i32
    %dma_wait3A_413 = arith.constant 0 : i32
    %dma_wait3A_414 = tpu.memref_slice %arg3[%dma_wait3A_412, %dma_wait3A_413] : memref<100000x1024xf32, #tpu.memory_space<hbm>> -> memref<100000x1024xf32, #tpu.memory_space<hbm>>
    tpu.wait_indirect_dma semaphore(%arg15 : memref<!tpu.dma_semaphore, #tpu.memory_space<semaphore_mem>>) src(%dma_wait3A_414 : memref<100000x1024xf32, #tpu.memory_space<hbm>>) dst(%arg9 : memref<16x1024xf32, #tpu.memory_space<vmem>>)
    %dma_wait3A_415 = arith.constant 0 : i32
    %dma_wait3A_416 = tpu.memref_slice %arg4[%select_n3A, %add3A_403, %dma_wait3A_415] : memref<4x4096x1024xf32, #tpu.memory_space<hbm>> -> memref<1x16x1024xf32, #tpu.memory_space<hbm>>
    %dma_wait3A_417 = tpu.memref_squeeze %dma_wait3A_416 : memref<1x16x1024xf32, #tpu.memory_space<hbm>> -> memref<16x1024xf32, #tpu.memory_space<hbm>>
    %dma_wait3A_418 = arith.constant 0 : i32
    %dma_wait3A_419 = tpu.memref_slice %arg4[%select_n3A, %add3A_403, %dma_wait3A_418] : memref<4x4096x1024xf32, #tpu.memory_space<hbm>> -> memref<1x16x1024xf32, #tpu.memory_space<hbm>>
    %dma_wait3A_420 = tpu.memref_squeeze %dma_wait3A_419 : memref<1x16x1024xf32, #tpu.memory_space<hbm>> -> memref<16x1024xf32, #tpu.memory_space<hbm>>
    tpu.wait_dma2 semaphore(%arg20 : memref<!tpu.dma_semaphore, #tpu.memory_space<semaphore_mem>>) src(%arg8 : memref<16x1024xf32, #tpu.memory_space<vmem>>) dst(%dma_wait3A_420 : memref<16x1024xf32, #tpu.memory_space<hbm>>)
    %dma_start3A_421 = arith.constant 320 : i32
    %dma_start3A_422 = tpu.memref_slice %arg5[%dma_start3A_421] : memref<512xi32, #tpu.memory_space<vmem>> -> memref<16xi32, #tpu.memory_space<vmem>>
    %dma_start3A_423 = arith.constant 0 : i32
    %dma_start3A_424 = arith.constant 0 : i32
    %dma_start3A_425 = tpu.memref_slice %arg3[%dma_start3A_423, %dma_start3A_424] : memref<100000x1024xf32, #tpu.memory_space<hbm>> -> memref<100000x1024xf32, #tpu.memory_space<hbm>>
    tpu.enqueue_indirect_dma source(%dma_start3A_425 : memref<100000x1024xf32, #tpu.memory_space<hbm>>) target(%arg8 : memref<16x1024xf32, #tpu.memory_space<vmem>>) offsets(%dma_start3A_422 : memref<16xi32, #tpu.memory_space<vmem>>) semaphore(%arg14 : memref<!tpu.dma_semaphore, #tpu.memory_space<semaphore_mem>>)
    %add3A_426 = arith.constant 240 : i32
    %add3A_427 = arith.addi %mul3A_32, %add3A_426 : i32
    %dma_start3A_428 = arith.constant 0 : i32
    %dma_start3A_429 = tpu.memref_slice %arg4[%select_n3A, %add3A_427, %dma_start3A_428] : memref<4x4096x1024xf32, #tpu.memory_space<hbm>> -> memref<1x16x1024xf32, #tpu.memory_space<hbm>>
    %dma_start3A_430 = tpu.memref_squeeze %dma_start3A_429 : memref<1x16x1024xf32, #tpu.memory_space<hbm>> -> memref<16x1024xf32, #tpu.memory_space<hbm>>
    %dma_start3A_431 = arith.constant 0 : i32
    %dma_start3A_432 = tpu.memref_slice %arg4[%select_n3A, %add3A_427, %dma_start3A_431] : memref<4x4096x1024xf32, #tpu.memory_space<hbm>> -> memref<1x16x1024xf32, #tpu.memory_space<hbm>>
    %dma_start3A_433 = tpu.memref_squeeze %dma_start3A_432 : memref<1x16x1024xf32, #tpu.memory_space<hbm>> -> memref<16x1024xf32, #tpu.memory_space<hbm>>
    tpu.enqueue_dma source(%arg9 : memref<16x1024xf32, #tpu.memory_space<vmem>>) target(%dma_start3A_433 : memref<16x1024xf32, #tpu.memory_space<hbm>>) target_semaphore(%arg21 : memref<!tpu.dma_semaphore, #tpu.memory_space<semaphore_mem>>)
    %dma_wait3A_434 = arith.constant 256 : i32
    %dma_wait3A_435 = tpu.memref_slice %arg5[%dma_wait3A_434] : memref<512xi32, #tpu.memory_space<vmem>> -> memref<16xi32, #tpu.memory_space<vmem>>
    %dma_wait3A_436 = arith.constant 0 : i32
    %dma_wait3A_437 = arith.constant 0 : i32
    %dma_wait3A_438 = tpu.memref_slice %arg3[%dma_wait3A_436, %dma_wait3A_437] : memref<100000x1024xf32, #tpu.memory_space<hbm>> -> memref<100000x1024xf32, #tpu.memory_space<hbm>>
    tpu.wait_indirect_dma semaphore(%arg16 : memref<!tpu.dma_semaphore, #tpu.memory_space<semaphore_mem>>) src(%dma_wait3A_438 : memref<100000x1024xf32, #tpu.memory_space<hbm>>) dst(%arg10 : memref<16x1024xf32, #tpu.memory_space<vmem>>)
    %dma_wait3A_439 = arith.constant 0 : i32
    %dma_wait3A_440 = tpu.memref_slice %arg4[%select_n3A, %add3A_427, %dma_wait3A_439] : memref<4x4096x1024xf32, #tpu.memory_space<hbm>> -> memref<1x16x1024xf32, #tpu.memory_space<hbm>>
    %dma_wait3A_441 = tpu.memref_squeeze %dma_wait3A_440 : memref<1x16x1024xf32, #tpu.memory_space<hbm>> -> memref<16x1024xf32, #tpu.memory_space<hbm>>
    %dma_wait3A_442 = arith.constant 0 : i32
    %dma_wait3A_443 = tpu.memref_slice %arg4[%select_n3A, %add3A_427, %dma_wait3A_442] : memref<4x4096x1024xf32, #tpu.memory_space<hbm>> -> memref<1x16x1024xf32, #tpu.memory_space<hbm>>
    %dma_wait3A_444 = tpu.memref_squeeze %dma_wait3A_443 : memref<1x16x1024xf32, #tpu.memory_space<hbm>> -> memref<16x1024xf32, #tpu.memory_space<hbm>>
    tpu.wait_dma2 semaphore(%arg21 : memref<!tpu.dma_semaphore, #tpu.memory_space<semaphore_mem>>) src(%arg9 : memref<16x1024xf32, #tpu.memory_space<vmem>>) dst(%dma_wait3A_444 : memref<16x1024xf32, #tpu.memory_space<hbm>>)
    %dma_start3A_445 = arith.constant 336 : i32
    %dma_start3A_446 = tpu.memref_slice %arg5[%dma_start3A_445] : memref<512xi32, #tpu.memory_space<vmem>> -> memref<16xi32, #tpu.memory_space<vmem>>
    %dma_start3A_447 = arith.constant 0 : i32
    %dma_start3A_448 = arith.constant 0 : i32
    %dma_start3A_449 = tpu.memref_slice %arg3[%dma_start3A_447, %dma_start3A_448] : memref<100000x1024xf32, #tpu.memory_space<hbm>> -> memref<100000x1024xf32, #tpu.memory_space<hbm>>
    tpu.enqueue_indirect_dma source(%dma_start3A_449 : memref<100000x1024xf32, #tpu.memory_space<hbm>>) target(%arg9 : memref<16x1024xf32, #tpu.memory_space<vmem>>) offsets(%dma_start3A_446 : memref<16xi32, #tpu.memory_space<vmem>>) semaphore(%arg15 : memref<!tpu.dma_semaphore, #tpu.memory_space<semaphore_mem>>)
    %add3A_450 = arith.constant 256 : i32
    %add3A_451 = arith.addi %mul3A_32, %add3A_450 : i32
    %dma_start3A_452 = arith.constant 0 : i32
    %dma_start3A_453 = tpu.memref_slice %arg4[%select_n3A, %add3A_451, %dma_start3A_452] : memref<4x4096x1024xf32, #tpu.memory_space<hbm>> -> memref<1x16x1024xf32, #tpu.memory_space<hbm>>
    %dma_start3A_454 = tpu.memref_squeeze %dma_start3A_453 : memref<1x16x1024xf32, #tpu.memory_space<hbm>> -> memref<16x1024xf32, #tpu.memory_space<hbm>>
    %dma_start3A_455 = arith.constant 0 : i32
    %dma_start3A_456 = tpu.memref_slice %arg4[%select_n3A, %add3A_451, %dma_start3A_455] : memref<4x4096x1024xf32, #tpu.memory_space<hbm>> -> memref<1x16x1024xf32, #tpu.memory_space<hbm>>
    %dma_start3A_457 = tpu.memref_squeeze %dma_start3A_456 : memref<1x16x1024xf32, #tpu.memory_space<hbm>> -> memref<16x1024xf32, #tpu.memory_space<hbm>>
    tpu.enqueue_dma source(%arg10 : memref<16x1024xf32, #tpu.memory_space<vmem>>) target(%dma_start3A_457 : memref<16x1024xf32, #tpu.memory_space<hbm>>) target_semaphore(%arg22 : memref<!tpu.dma_semaphore, #tpu.memory_space<semaphore_mem>>)
    %dma_wait3A_458 = arith.constant 272 : i32
    %dma_wait3A_459 = tpu.memref_slice %arg5[%dma_wait3A_458] : memref<512xi32, #tpu.memory_space<vmem>> -> memref<16xi32, #tpu.memory_space<vmem>>
    %dma_wait3A_460 = arith.constant 0 : i32
    %dma_wait3A_461 = arith.constant 0 : i32
    %dma_wait3A_462 = tpu.memref_slice %arg3[%dma_wait3A_460, %dma_wait3A_461] : memref<100000x1024xf32, #tpu.memory_space<hbm>> -> memref<100000x1024xf32, #tpu.memory_space<hbm>>
    tpu.wait_indirect_dma semaphore(%arg17 : memref<!tpu.dma_semaphore, #tpu.memory_space<semaphore_mem>>) src(%dma_wait3A_462 : memref<100000x1024xf32, #tpu.memory_space<hbm>>) dst(%arg11 : memref<16x1024xf32, #tpu.memory_space<vmem>>)
    %dma_wait3A_463 = arith.constant 0 : i32
    %dma_wait3A_464 = tpu.memref_slice %arg4[%select_n3A, %add3A_451, %dma_wait3A_463] : memref<4x4096x1024xf32, #tpu.memory_space<hbm>> -> memref<1x16x1024xf32, #tpu.memory_space<hbm>>
    %dma_wait3A_465 = tpu.memref_squeeze %dma_wait3A_464 : memref<1x16x1024xf32, #tpu.memory_space<hbm>> -> memref<16x1024xf32, #tpu.memory_space<hbm>>
    %dma_wait3A_466 = arith.constant 0 : i32
    %dma_wait3A_467 = tpu.memref_slice %arg4[%select_n3A, %add3A_451, %dma_wait3A_466] : memref<4x4096x1024xf32, #tpu.memory_space<hbm>> -> memref<1x16x1024xf32, #tpu.memory_space<hbm>>
    %dma_wait3A_468 = tpu.memref_squeeze %dma_wait3A_467 : memref<1x16x1024xf32, #tpu.memory_space<hbm>> -> memref<16x1024xf32, #tpu.memory_space<hbm>>
    tpu.wait_dma2 semaphore(%arg22 : memref<!tpu.dma_semaphore, #tpu.memory_space<semaphore_mem>>) src(%arg10 : memref<16x1024xf32, #tpu.memory_space<vmem>>) dst(%dma_wait3A_468 : memref<16x1024xf32, #tpu.memory_space<hbm>>)
    %dma_start3A_469 = arith.constant 352 : i32
    %dma_start3A_470 = tpu.memref_slice %arg5[%dma_start3A_469] : memref<512xi32, #tpu.memory_space<vmem>> -> memref<16xi32, #tpu.memory_space<vmem>>
    %dma_start3A_471 = arith.constant 0 : i32
    %dma_start3A_472 = arith.constant 0 : i32
    %dma_start3A_473 = tpu.memref_slice %arg3[%dma_start3A_471, %dma_start3A_472] : memref<100000x1024xf32, #tpu.memory_space<hbm>> -> memref<100000x1024xf32, #tpu.memory_space<hbm>>
    tpu.enqueue_indirect_dma source(%dma_start3A_473 : memref<100000x1024xf32, #tpu.memory_space<hbm>>) target(%arg10 : memref<16x1024xf32, #tpu.memory_space<vmem>>) offsets(%dma_start3A_470 : memref<16xi32, #tpu.memory_space<vmem>>) semaphore(%arg16 : memref<!tpu.dma_semaphore, #tpu.memory_space<semaphore_mem>>)
    %add3A_474 = arith.constant 272 : i32
    %add3A_475 = arith.addi %mul3A_32, %add3A_474 : i32
    %dma_start3A_476 = arith.constant 0 : i32
    %dma_start3A_477 = tpu.memref_slice %arg4[%select_n3A, %add3A_475, %dma_start3A_476] : memref<4x4096x1024xf32, #tpu.memory_space<hbm>> -> memref<1x16x1024xf32, #tpu.memory_space<hbm>>
    %dma_start3A_478 = tpu.memref_squeeze %dma_start3A_477 : memref<1x16x1024xf32, #tpu.memory_space<hbm>> -> memref<16x1024xf32, #tpu.memory_space<hbm>>
    %dma_start3A_479 = arith.constant 0 : i32
    %dma_start3A_480 = tpu.memref_slice %arg4[%select_n3A, %add3A_475, %dma_start3A_479] : memref<4x4096x1024xf32, #tpu.memory_space<hbm>> -> memref<1x16x1024xf32, #tpu.memory_space<hbm>>
    %dma_start3A_481 = tpu.memref_squeeze %dma_start3A_480 : memref<1x16x1024xf32, #tpu.memory_space<hbm>> -> memref<16x1024xf32, #tpu.memory_space<hbm>>
    tpu.enqueue_dma source(%arg11 : memref<16x1024xf32, #tpu.memory_space<vmem>>) target(%dma_start3A_481 : memref<16x1024xf32, #tpu.memory_space<hbm>>) target_semaphore(%arg23 : memref<!tpu.dma_semaphore, #tpu.memory_space<semaphore_mem>>)
    %dma_wait3A_482 = arith.constant 288 : i32
    %dma_wait3A_483 = tpu.memref_slice %arg5[%dma_wait3A_482] : memref<512xi32, #tpu.memory_space<vmem>> -> memref<16xi32, #tpu.memory_space<vmem>>
    %dma_wait3A_484 = arith.constant 0 : i32
    %dma_wait3A_485 = arith.constant 0 : i32
    %dma_wait3A_486 = tpu.memref_slice %arg3[%dma_wait3A_484, %dma_wait3A_485] : memref<100000x1024xf32, #tpu.memory_space<hbm>> -> memref<100000x1024xf32, #tpu.memory_space<hbm>>
    tpu.wait_indirect_dma semaphore(%arg12 : memref<!tpu.dma_semaphore, #tpu.memory_space<semaphore_mem>>) src(%dma_wait3A_486 : memref<100000x1024xf32, #tpu.memory_space<hbm>>) dst(%arg6 : memref<16x1024xf32, #tpu.memory_space<vmem>>)
    %dma_wait3A_487 = arith.constant 0 : i32
    %dma_wait3A_488 = tpu.memref_slice %arg4[%select_n3A, %add3A_475, %dma_wait3A_487] : memref<4x4096x1024xf32, #tpu.memory_space<hbm>> -> memref<1x16x1024xf32, #tpu.memory_space<hbm>>
    %dma_wait3A_489 = tpu.memref_squeeze %dma_wait3A_488 : memref<1x16x1024xf32, #tpu.memory_space<hbm>> -> memref<16x1024xf32, #tpu.memory_space<hbm>>
    %dma_wait3A_490 = arith.constant 0 : i32
    %dma_wait3A_491 = tpu.memref_slice %arg4[%select_n3A, %add3A_475, %dma_wait3A_490] : memref<4x4096x1024xf32, #tpu.memory_space<hbm>> -> memref<1x16x1024xf32, #tpu.memory_space<hbm>>
    %dma_wait3A_492 = tpu.memref_squeeze %dma_wait3A_491 : memref<1x16x1024xf32, #tpu.memory_space<hbm>> -> memref<16x1024xf32, #tpu.memory_space<hbm>>
    tpu.wait_dma2 semaphore(%arg23 : memref<!tpu.dma_semaphore, #tpu.memory_space<semaphore_mem>>) src(%arg11 : memref<16x1024xf32, #tpu.memory_space<vmem>>) dst(%dma_wait3A_492 : memref<16x1024xf32, #tpu.memory_space<hbm>>)
    %dma_start3A_493 = arith.constant 368 : i32
    %dma_start3A_494 = tpu.memref_slice %arg5[%dma_start3A_493] : memref<512xi32, #tpu.memory_space<vmem>> -> memref<16xi32, #tpu.memory_space<vmem>>
    %dma_start3A_495 = arith.constant 0 : i32
    %dma_start3A_496 = arith.constant 0 : i32
    %dma_start3A_497 = tpu.memref_slice %arg3[%dma_start3A_495, %dma_start3A_496] : memref<100000x1024xf32, #tpu.memory_space<hbm>> -> memref<100000x1024xf32, #tpu.memory_space<hbm>>
    tpu.enqueue_indirect_dma source(%dma_start3A_497 : memref<100000x1024xf32, #tpu.memory_space<hbm>>) target(%arg11 : memref<16x1024xf32, #tpu.memory_space<vmem>>) offsets(%dma_start3A_494 : memref<16xi32, #tpu.memory_space<vmem>>) semaphore(%arg17 : memref<!tpu.dma_semaphore, #tpu.memory_space<semaphore_mem>>)
    %add3A_498 = arith.constant 288 : i32
    %add3A_499 = arith.addi %mul3A_32, %add3A_498 : i32
    %dma_start3A_500 = arith.constant 0 : i32
    %dma_start3A_501 = tpu.memref_slice %arg4[%select_n3A, %add3A_499, %dma_start3A_500] : memref<4x4096x1024xf32, #tpu.memory_space<hbm>> -> memref<1x16x1024xf32, #tpu.memory_space<hbm>>
    %dma_start3A_502 = tpu.memref_squeeze %dma_start3A_501 : memref<1x16x1024xf32, #tpu.memory_space<hbm>> -> memref<16x1024xf32, #tpu.memory_space<hbm>>
    %dma_start3A_503 = arith.constant 0 : i32
    %dma_start3A_504 = tpu.memref_slice %arg4[%select_n3A, %add3A_499, %dma_start3A_503] : memref<4x4096x1024xf32, #tpu.memory_space<hbm>> -> memref<1x16x1024xf32, #tpu.memory_space<hbm>>
    %dma_start3A_505 = tpu.memref_squeeze %dma_start3A_504 : memref<1x16x1024xf32, #tpu.memory_space<hbm>> -> memref<16x1024xf32, #tpu.memory_space<hbm>>
    tpu.enqueue_dma source(%arg6 : memref<16x1024xf32, #tpu.memory_space<vmem>>) target(%dma_start3A_505 : memref<16x1024xf32, #tpu.memory_space<hbm>>) target_semaphore(%arg18 : memref<!tpu.dma_semaphore, #tpu.memory_space<semaphore_mem>>)
    %dma_wait3A_506 = arith.constant 304 : i32
    %dma_wait3A_507 = tpu.memref_slice %arg5[%dma_wait3A_506] : memref<512xi32, #tpu.memory_space<vmem>> -> memref<16xi32, #tpu.memory_space<vmem>>
    %dma_wait3A_508 = arith.constant 0 : i32
    %dma_wait3A_509 = arith.constant 0 : i32
    %dma_wait3A_510 = tpu.memref_slice %arg3[%dma_wait3A_508, %dma_wait3A_509] : memref<100000x1024xf32, #tpu.memory_space<hbm>> -> memref<100000x1024xf32, #tpu.memory_space<hbm>>
    tpu.wait_indirect_dma semaphore(%arg13 : memref<!tpu.dma_semaphore, #tpu.memory_space<semaphore_mem>>) src(%dma_wait3A_510 : memref<100000x1024xf32, #tpu.memory_space<hbm>>) dst(%arg7 : memref<16x1024xf32, #tpu.memory_space<vmem>>)
    %dma_wait3A_511 = arith.constant 0 : i32
    %dma_wait3A_512 = tpu.memref_slice %arg4[%select_n3A, %add3A_499, %dma_wait3A_511] : memref<4x4096x1024xf32, #tpu.memory_space<hbm>> -> memref<1x16x1024xf32, #tpu.memory_space<hbm>>
    %dma_wait3A_513 = tpu.memref_squeeze %dma_wait3A_512 : memref<1x16x1024xf32, #tpu.memory_space<hbm>> -> memref<16x1024xf32, #tpu.memory_space<hbm>>
    %dma_wait3A_514 = arith.constant 0 : i32
    %dma_wait3A_515 = tpu.memref_slice %arg4[%select_n3A, %add3A_499, %dma_wait3A_514] : memref<4x4096x1024xf32, #tpu.memory_space<hbm>> -> memref<1x16x1024xf32, #tpu.memory_space<hbm>>
    %dma_wait3A_516 = tpu.memref_squeeze %dma_wait3A_515 : memref<1x16x1024xf32, #tpu.memory_space<hbm>> -> memref<16x1024xf32, #tpu.memory_space<hbm>>
    tpu.wait_dma2 semaphore(%arg18 : memref<!tpu.dma_semaphore, #tpu.memory_space<semaphore_mem>>) src(%arg6 : memref<16x1024xf32, #tpu.memory_space<vmem>>) dst(%dma_wait3A_516 : memref<16x1024xf32, #tpu.memory_space<hbm>>)
    %dma_start3A_517 = arith.constant 384 : i32
    %dma_start3A_518 = tpu.memref_slice %arg5[%dma_start3A_517] : memref<512xi32, #tpu.memory_space<vmem>> -> memref<16xi32, #tpu.memory_space<vmem>>
    %dma_start3A_519 = arith.constant 0 : i32
    %dma_start3A_520 = arith.constant 0 : i32
    %dma_start3A_521 = tpu.memref_slice %arg3[%dma_start3A_519, %dma_start3A_520] : memref<100000x1024xf32, #tpu.memory_space<hbm>> -> memref<100000x1024xf32, #tpu.memory_space<hbm>>
    tpu.enqueue_indirect_dma source(%dma_start3A_521 : memref<100000x1024xf32, #tpu.memory_space<hbm>>) target(%arg6 : memref<16x1024xf32, #tpu.memory_space<vmem>>) offsets(%dma_start3A_518 : memref<16xi32, #tpu.memory_space<vmem>>) semaphore(%arg12 : memref<!tpu.dma_semaphore, #tpu.memory_space<semaphore_mem>>)
    %add3A_522 = arith.constant 304 : i32
    %add3A_523 = arith.addi %mul3A_32, %add3A_522 : i32
    %dma_start3A_524 = arith.constant 0 : i32
    %dma_start3A_525 = tpu.memref_slice %arg4[%select_n3A, %add3A_523, %dma_start3A_524] : memref<4x4096x1024xf32, #tpu.memory_space<hbm>> -> memref<1x16x1024xf32, #tpu.memory_space<hbm>>
    %dma_start3A_526 = tpu.memref_squeeze %dma_start3A_525 : memref<1x16x1024xf32, #tpu.memory_space<hbm>> -> memref<16x1024xf32, #tpu.memory_space<hbm>>
    %dma_start3A_527 = arith.constant 0 : i32
    %dma_start3A_528 = tpu.memref_slice %arg4[%select_n3A, %add3A_523, %dma_start3A_527] : memref<4x4096x1024xf32, #tpu.memory_space<hbm>> -> memref<1x16x1024xf32, #tpu.memory_space<hbm>>
    %dma_start3A_529 = tpu.memref_squeeze %dma_start3A_528 : memref<1x16x1024xf32, #tpu.memory_space<hbm>> -> memref<16x1024xf32, #tpu.memory_space<hbm>>
    tpu.enqueue_dma source(%arg7 : memref<16x1024xf32, #tpu.memory_space<vmem>>) target(%dma_start3A_529 : memref<16x1024xf32, #tpu.memory_space<hbm>>) target_semaphore(%arg19 : memref<!tpu.dma_semaphore, #tpu.memory_space<semaphore_mem>>)
    %dma_wait3A_530 = arith.constant 320 : i32
    %dma_wait3A_531 = tpu.memref_slice %arg5[%dma_wait3A_530] : memref<512xi32, #tpu.memory_space<vmem>> -> memref<16xi32, #tpu.memory_space<vmem>>
    %dma_wait3A_532 = arith.constant 0 : i32
    %dma_wait3A_533 = arith.constant 0 : i32
    %dma_wait3A_534 = tpu.memref_slice %arg3[%dma_wait3A_532, %dma_wait3A_533] : memref<100000x1024xf32, #tpu.memory_space<hbm>> -> memref<100000x1024xf32, #tpu.memory_space<hbm>>
    tpu.wait_indirect_dma semaphore(%arg14 : memref<!tpu.dma_semaphore, #tpu.memory_space<semaphore_mem>>) src(%dma_wait3A_534 : memref<100000x1024xf32, #tpu.memory_space<hbm>>) dst(%arg8 : memref<16x1024xf32, #tpu.memory_space<vmem>>)
    %dma_wait3A_535 = arith.constant 0 : i32
    %dma_wait3A_536 = tpu.memref_slice %arg4[%select_n3A, %add3A_523, %dma_wait3A_535] : memref<4x4096x1024xf32, #tpu.memory_space<hbm>> -> memref<1x16x1024xf32, #tpu.memory_space<hbm>>
    %dma_wait3A_537 = tpu.memref_squeeze %dma_wait3A_536 : memref<1x16x1024xf32, #tpu.memory_space<hbm>> -> memref<16x1024xf32, #tpu.memory_space<hbm>>
    %dma_wait3A_538 = arith.constant 0 : i32
    %dma_wait3A_539 = tpu.memref_slice %arg4[%select_n3A, %add3A_523, %dma_wait3A_538] : memref<4x4096x1024xf32, #tpu.memory_space<hbm>> -> memref<1x16x1024xf32, #tpu.memory_space<hbm>>
    %dma_wait3A_540 = tpu.memref_squeeze %dma_wait3A_539 : memref<1x16x1024xf32, #tpu.memory_space<hbm>> -> memref<16x1024xf32, #tpu.memory_space<hbm>>
    tpu.wait_dma2 semaphore(%arg19 : memref<!tpu.dma_semaphore, #tpu.memory_space<semaphore_mem>>) src(%arg7 : memref<16x1024xf32, #tpu.memory_space<vmem>>) dst(%dma_wait3A_540 : memref<16x1024xf32, #tpu.memory_space<hbm>>)
    %dma_start3A_541 = arith.constant 400 : i32
    %dma_start3A_542 = tpu.memref_slice %arg5[%dma_start3A_541] : memref<512xi32, #tpu.memory_space<vmem>> -> memref<16xi32, #tpu.memory_space<vmem>>
    %dma_start3A_543 = arith.constant 0 : i32
    %dma_start3A_544 = arith.constant 0 : i32
    %dma_start3A_545 = tpu.memref_slice %arg3[%dma_start3A_543, %dma_start3A_544] : memref<100000x1024xf32, #tpu.memory_space<hbm>> -> memref<100000x1024xf32, #tpu.memory_space<hbm>>
    tpu.enqueue_indirect_dma source(%dma_start3A_545 : memref<100000x1024xf32, #tpu.memory_space<hbm>>) target(%arg7 : memref<16x1024xf32, #tpu.memory_space<vmem>>) offsets(%dma_start3A_542 : memref<16xi32, #tpu.memory_space<vmem>>) semaphore(%arg13 : memref<!tpu.dma_semaphore, #tpu.memory_space<semaphore_mem>>)
    %add3A_546 = arith.constant 320 : i32
    %add3A_547 = arith.addi %mul3A_32, %add3A_546 : i32
    %dma_start3A_548 = arith.constant 0 : i32
    %dma_start3A_549 = tpu.memref_slice %arg4[%select_n3A, %add3A_547, %dma_start3A_548] : memref<4x4096x1024xf32, #tpu.memory_space<hbm>> -> memref<1x16x1024xf32, #tpu.memory_space<hbm>>
    %dma_start3A_550 = tpu.memref_squeeze %dma_start3A_549 : memref<1x16x1024xf32, #tpu.memory_space<hbm>> -> memref<16x1024xf32, #tpu.memory_space<hbm>>
    %dma_start3A_551 = arith.constant 0 : i32
    %dma_start3A_552 = tpu.memref_slice %arg4[%select_n3A, %add3A_547, %dma_start3A_551] : memref<4x4096x1024xf32, #tpu.memory_space<hbm>> -> memref<1x16x1024xf32, #tpu.memory_space<hbm>>
    %dma_start3A_553 = tpu.memref_squeeze %dma_start3A_552 : memref<1x16x1024xf32, #tpu.memory_space<hbm>> -> memref<16x1024xf32, #tpu.memory_space<hbm>>
    tpu.enqueue_dma source(%arg8 : memref<16x1024xf32, #tpu.memory_space<vmem>>) target(%dma_start3A_553 : memref<16x1024xf32, #tpu.memory_space<hbm>>) target_semaphore(%arg20 : memref<!tpu.dma_semaphore, #tpu.memory_space<semaphore_mem>>)
    %dma_wait3A_554 = arith.constant 336 : i32
    %dma_wait3A_555 = tpu.memref_slice %arg5[%dma_wait3A_554] : memref<512xi32, #tpu.memory_space<vmem>> -> memref<16xi32, #tpu.memory_space<vmem>>
    %dma_wait3A_556 = arith.constant 0 : i32
    %dma_wait3A_557 = arith.constant 0 : i32
    %dma_wait3A_558 = tpu.memref_slice %arg3[%dma_wait3A_556, %dma_wait3A_557] : memref<100000x1024xf32, #tpu.memory_space<hbm>> -> memref<100000x1024xf32, #tpu.memory_space<hbm>>
    tpu.wait_indirect_dma semaphore(%arg15 : memref<!tpu.dma_semaphore, #tpu.memory_space<semaphore_mem>>) src(%dma_wait3A_558 : memref<100000x1024xf32, #tpu.memory_space<hbm>>) dst(%arg9 : memref<16x1024xf32, #tpu.memory_space<vmem>>)
    %dma_wait3A_559 = arith.constant 0 : i32
    %dma_wait3A_560 = tpu.memref_slice %arg4[%select_n3A, %add3A_547, %dma_wait3A_559] : memref<4x4096x1024xf32, #tpu.memory_space<hbm>> -> memref<1x16x1024xf32, #tpu.memory_space<hbm>>
    %dma_wait3A_561 = tpu.memref_squeeze %dma_wait3A_560 : memref<1x16x1024xf32, #tpu.memory_space<hbm>> -> memref<16x1024xf32, #tpu.memory_space<hbm>>
    %dma_wait3A_562 = arith.constant 0 : i32
    %dma_wait3A_563 = tpu.memref_slice %arg4[%select_n3A, %add3A_547, %dma_wait3A_562] : memref<4x4096x1024xf32, #tpu.memory_space<hbm>> -> memref<1x16x1024xf32, #tpu.memory_space<hbm>>
    %dma_wait3A_564 = tpu.memref_squeeze %dma_wait3A_563 : memref<1x16x1024xf32, #tpu.memory_space<hbm>> -> memref<16x1024xf32, #tpu.memory_space<hbm>>
    tpu.wait_dma2 semaphore(%arg20 : memref<!tpu.dma_semaphore, #tpu.memory_space<semaphore_mem>>) src(%arg8 : memref<16x1024xf32, #tpu.memory_space<vmem>>) dst(%dma_wait3A_564 : memref<16x1024xf32, #tpu.memory_space<hbm>>)
    %dma_start3A_565 = arith.constant 416 : i32
    %dma_start3A_566 = tpu.memref_slice %arg5[%dma_start3A_565] : memref<512xi32, #tpu.memory_space<vmem>> -> memref<16xi32, #tpu.memory_space<vmem>>
    %dma_start3A_567 = arith.constant 0 : i32
    %dma_start3A_568 = arith.constant 0 : i32
    %dma_start3A_569 = tpu.memref_slice %arg3[%dma_start3A_567, %dma_start3A_568] : memref<100000x1024xf32, #tpu.memory_space<hbm>> -> memref<100000x1024xf32, #tpu.memory_space<hbm>>
    tpu.enqueue_indirect_dma source(%dma_start3A_569 : memref<100000x1024xf32, #tpu.memory_space<hbm>>) target(%arg8 : memref<16x1024xf32, #tpu.memory_space<vmem>>) offsets(%dma_start3A_566 : memref<16xi32, #tpu.memory_space<vmem>>) semaphore(%arg14 : memref<!tpu.dma_semaphore, #tpu.memory_space<semaphore_mem>>)
    %add3A_570 = arith.constant 336 : i32
    %add3A_571 = arith.addi %mul3A_32, %add3A_570 : i32
    %dma_start3A_572 = arith.constant 0 : i32
    %dma_start3A_573 = tpu.memref_slice %arg4[%select_n3A, %add3A_571, %dma_start3A_572] : memref<4x4096x1024xf32, #tpu.memory_space<hbm>> -> memref<1x16x1024xf32, #tpu.memory_space<hbm>>
    %dma_start3A_574 = tpu.memref_squeeze %dma_start3A_573 : memref<1x16x1024xf32, #tpu.memory_space<hbm>> -> memref<16x1024xf32, #tpu.memory_space<hbm>>
    %dma_start3A_575 = arith.constant 0 : i32
    %dma_start3A_576 = tpu.memref_slice %arg4[%select_n3A, %add3A_571, %dma_start3A_575] : memref<4x4096x1024xf32, #tpu.memory_space<hbm>> -> memref<1x16x1024xf32, #tpu.memory_space<hbm>>
    %dma_start3A_577 = tpu.memref_squeeze %dma_start3A_576 : memref<1x16x1024xf32, #tpu.memory_space<hbm>> -> memref<16x1024xf32, #tpu.memory_space<hbm>>
    tpu.enqueue_dma source(%arg9 : memref<16x1024xf32, #tpu.memory_space<vmem>>) target(%dma_start3A_577 : memref<16x1024xf32, #tpu.memory_space<hbm>>) target_semaphore(%arg21 : memref<!tpu.dma_semaphore, #tpu.memory_space<semaphore_mem>>)
    %dma_wait3A_578 = arith.constant 352 : i32
    %dma_wait3A_579 = tpu.memref_slice %arg5[%dma_wait3A_578] : memref<512xi32, #tpu.memory_space<vmem>> -> memref<16xi32, #tpu.memory_space<vmem>>
    %dma_wait3A_580 = arith.constant 0 : i32
    %dma_wait3A_581 = arith.constant 0 : i32
    %dma_wait3A_582 = tpu.memref_slice %arg3[%dma_wait3A_580, %dma_wait3A_581] : memref<100000x1024xf32, #tpu.memory_space<hbm>> -> memref<100000x1024xf32, #tpu.memory_space<hbm>>
    tpu.wait_indirect_dma semaphore(%arg16 : memref<!tpu.dma_semaphore, #tpu.memory_space<semaphore_mem>>) src(%dma_wait3A_582 : memref<100000x1024xf32, #tpu.memory_space<hbm>>) dst(%arg10 : memref<16x1024xf32, #tpu.memory_space<vmem>>)
    %dma_wait3A_583 = arith.constant 0 : i32
    %dma_wait3A_584 = tpu.memref_slice %arg4[%select_n3A, %add3A_571, %dma_wait3A_583] : memref<4x4096x1024xf32, #tpu.memory_space<hbm>> -> memref<1x16x1024xf32, #tpu.memory_space<hbm>>
    %dma_wait3A_585 = tpu.memref_squeeze %dma_wait3A_584 : memref<1x16x1024xf32, #tpu.memory_space<hbm>> -> memref<16x1024xf32, #tpu.memory_space<hbm>>
    %dma_wait3A_586 = arith.constant 0 : i32
    %dma_wait3A_587 = tpu.memref_slice %arg4[%select_n3A, %add3A_571, %dma_wait3A_586] : memref<4x4096x1024xf32, #tpu.memory_space<hbm>> -> memref<1x16x1024xf32, #tpu.memory_space<hbm>>
    %dma_wait3A_588 = tpu.memref_squeeze %dma_wait3A_587 : memref<1x16x1024xf32, #tpu.memory_space<hbm>> -> memref<16x1024xf32, #tpu.memory_space<hbm>>
    tpu.wait_dma2 semaphore(%arg21 : memref<!tpu.dma_semaphore, #tpu.memory_space<semaphore_mem>>) src(%arg9 : memref<16x1024xf32, #tpu.memory_space<vmem>>) dst(%dma_wait3A_588 : memref<16x1024xf32, #tpu.memory_space<hbm>>)
    %dma_start3A_589 = arith.constant 432 : i32
    %dma_start3A_590 = tpu.memref_slice %arg5[%dma_start3A_589] : memref<512xi32, #tpu.memory_space<vmem>> -> memref<16xi32, #tpu.memory_space<vmem>>
    %dma_start3A_591 = arith.constant 0 : i32
    %dma_start3A_592 = arith.constant 0 : i32
    %dma_start3A_593 = tpu.memref_slice %arg3[%dma_start3A_591, %dma_start3A_592] : memref<100000x1024xf32, #tpu.memory_space<hbm>> -> memref<100000x1024xf32, #tpu.memory_space<hbm>>
    tpu.enqueue_indirect_dma source(%dma_start3A_593 : memref<100000x1024xf32, #tpu.memory_space<hbm>>) target(%arg9 : memref<16x1024xf32, #tpu.memory_space<vmem>>) offsets(%dma_start3A_590 : memref<16xi32, #tpu.memory_space<vmem>>) semaphore(%arg15 : memref<!tpu.dma_semaphore, #tpu.memory_space<semaphore_mem>>)
    %add3A_594 = arith.constant 352 : i32
    %add3A_595 = arith.addi %mul3A_32, %add3A_594 : i32
    %dma_start3A_596 = arith.constant 0 : i32
    %dma_start3A_597 = tpu.memref_slice %arg4[%select_n3A, %add3A_595, %dma_start3A_596] : memref<4x4096x1024xf32, #tpu.memory_space<hbm>> -> memref<1x16x1024xf32, #tpu.memory_space<hbm>>
    %dma_start3A_598 = tpu.memref_squeeze %dma_start3A_597 : memref<1x16x1024xf32, #tpu.memory_space<hbm>> -> memref<16x1024xf32, #tpu.memory_space<hbm>>
    %dma_start3A_599 = arith.constant 0 : i32
    %dma_start3A_600 = tpu.memref_slice %arg4[%select_n3A, %add3A_595, %dma_start3A_599] : memref<4x4096x1024xf32, #tpu.memory_space<hbm>> -> memref<1x16x1024xf32, #tpu.memory_space<hbm>>
    %dma_start3A_601 = tpu.memref_squeeze %dma_start3A_600 : memref<1x16x1024xf32, #tpu.memory_space<hbm>> -> memref<16x1024xf32, #tpu.memory_space<hbm>>
    tpu.enqueue_dma source(%arg10 : memref<16x1024xf32, #tpu.memory_space<vmem>>) target(%dma_start3A_601 : memref<16x1024xf32, #tpu.memory_space<hbm>>) target_semaphore(%arg22 : memref<!tpu.dma_semaphore, #tpu.memory_space<semaphore_mem>>)
    %dma_wait3A_602 = arith.constant 368 : i32
    %dma_wait3A_603 = tpu.memref_slice %arg5[%dma_wait3A_602] : memref<512xi32, #tpu.memory_space<vmem>> -> memref<16xi32, #tpu.memory_space<vmem>>
    %dma_wait3A_604 = arith.constant 0 : i32
    %dma_wait3A_605 = arith.constant 0 : i32
    %dma_wait3A_606 = tpu.memref_slice %arg3[%dma_wait3A_604, %dma_wait3A_605] : memref<100000x1024xf32, #tpu.memory_space<hbm>> -> memref<100000x1024xf32, #tpu.memory_space<hbm>>
    tpu.wait_indirect_dma semaphore(%arg17 : memref<!tpu.dma_semaphore, #tpu.memory_space<semaphore_mem>>) src(%dma_wait3A_606 : memref<100000x1024xf32, #tpu.memory_space<hbm>>) dst(%arg11 : memref<16x1024xf32, #tpu.memory_space<vmem>>)
    %dma_wait3A_607 = arith.constant 0 : i32
    %dma_wait3A_608 = tpu.memref_slice %arg4[%select_n3A, %add3A_595, %dma_wait3A_607] : memref<4x4096x1024xf32, #tpu.memory_space<hbm>> -> memref<1x16x1024xf32, #tpu.memory_space<hbm>>
    %dma_wait3A_609 = tpu.memref_squeeze %dma_wait3A_608 : memref<1x16x1024xf32, #tpu.memory_space<hbm>> -> memref<16x1024xf32, #tpu.memory_space<hbm>>
    %dma_wait3A_610 = arith.constant 0 : i32
    %dma_wait3A_611 = tpu.memref_slice %arg4[%select_n3A, %add3A_595, %dma_wait3A_610] : memref<4x4096x1024xf32, #tpu.memory_space<hbm>> -> memref<1x16x1024xf32, #tpu.memory_space<hbm>>
    %dma_wait3A_612 = tpu.memref_squeeze %dma_wait3A_611 : memref<1x16x1024xf32, #tpu.memory_space<hbm>> -> memref<16x1024xf32, #tpu.memory_space<hbm>>
    tpu.wait_dma2 semaphore(%arg22 : memref<!tpu.dma_semaphore, #tpu.memory_space<semaphore_mem>>) src(%arg10 : memref<16x1024xf32, #tpu.memory_space<vmem>>) dst(%dma_wait3A_612 : memref<16x1024xf32, #tpu.memory_space<hbm>>)
    %dma_start3A_613 = arith.constant 448 : i32
    %dma_start3A_614 = tpu.memref_slice %arg5[%dma_start3A_613] : memref<512xi32, #tpu.memory_space<vmem>> -> memref<16xi32, #tpu.memory_space<vmem>>
    %dma_start3A_615 = arith.constant 0 : i32
    %dma_start3A_616 = arith.constant 0 : i32
    %dma_start3A_617 = tpu.memref_slice %arg3[%dma_start3A_615, %dma_start3A_616] : memref<100000x1024xf32, #tpu.memory_space<hbm>> -> memref<100000x1024xf32, #tpu.memory_space<hbm>>
    tpu.enqueue_indirect_dma source(%dma_start3A_617 : memref<100000x1024xf32, #tpu.memory_space<hbm>>) target(%arg10 : memref<16x1024xf32, #tpu.memory_space<vmem>>) offsets(%dma_start3A_614 : memref<16xi32, #tpu.memory_space<vmem>>) semaphore(%arg16 : memref<!tpu.dma_semaphore, #tpu.memory_space<semaphore_mem>>)
    %add3A_618 = arith.constant 368 : i32
    %add3A_619 = arith.addi %mul3A_32, %add3A_618 : i32
    %dma_start3A_620 = arith.constant 0 : i32
    %dma_start3A_621 = tpu.memref_slice %arg4[%select_n3A, %add3A_619, %dma_start3A_620] : memref<4x4096x1024xf32, #tpu.memory_space<hbm>> -> memref<1x16x1024xf32, #tpu.memory_space<hbm>>
    %dma_start3A_622 = tpu.memref_squeeze %dma_start3A_621 : memref<1x16x1024xf32, #tpu.memory_space<hbm>> -> memref<16x1024xf32, #tpu.memory_space<hbm>>
    %dma_start3A_623 = arith.constant 0 : i32
    %dma_start3A_624 = tpu.memref_slice %arg4[%select_n3A, %add3A_619, %dma_start3A_623] : memref<4x4096x1024xf32, #tpu.memory_space<hbm>> -> memref<1x16x1024xf32, #tpu.memory_space<hbm>>
    %dma_start3A_625 = tpu.memref_squeeze %dma_start3A_624 : memref<1x16x1024xf32, #tpu.memory_space<hbm>> -> memref<16x1024xf32, #tpu.memory_space<hbm>>
    tpu.enqueue_dma source(%arg11 : memref<16x1024xf32, #tpu.memory_space<vmem>>) target(%dma_start3A_625 : memref<16x1024xf32, #tpu.memory_space<hbm>>) target_semaphore(%arg23 : memref<!tpu.dma_semaphore, #tpu.memory_space<semaphore_mem>>)
    %dma_wait3A_626 = arith.constant 384 : i32
    %dma_wait3A_627 = tpu.memref_slice %arg5[%dma_wait3A_626] : memref<512xi32, #tpu.memory_space<vmem>> -> memref<16xi32, #tpu.memory_space<vmem>>
    %dma_wait3A_628 = arith.constant 0 : i32
    %dma_wait3A_629 = arith.constant 0 : i32
    %dma_wait3A_630 = tpu.memref_slice %arg3[%dma_wait3A_628, %dma_wait3A_629] : memref<100000x1024xf32, #tpu.memory_space<hbm>> -> memref<100000x1024xf32, #tpu.memory_space<hbm>>
    tpu.wait_indirect_dma semaphore(%arg12 : memref<!tpu.dma_semaphore, #tpu.memory_space<semaphore_mem>>) src(%dma_wait3A_630 : memref<100000x1024xf32, #tpu.memory_space<hbm>>) dst(%arg6 : memref<16x1024xf32, #tpu.memory_space<vmem>>)
    %dma_wait3A_631 = arith.constant 0 : i32
    %dma_wait3A_632 = tpu.memref_slice %arg4[%select_n3A, %add3A_619, %dma_wait3A_631] : memref<4x4096x1024xf32, #tpu.memory_space<hbm>> -> memref<1x16x1024xf32, #tpu.memory_space<hbm>>
    %dma_wait3A_633 = tpu.memref_squeeze %dma_wait3A_632 : memref<1x16x1024xf32, #tpu.memory_space<hbm>> -> memref<16x1024xf32, #tpu.memory_space<hbm>>
    %dma_wait3A_634 = arith.constant 0 : i32
    %dma_wait3A_635 = tpu.memref_slice %arg4[%select_n3A, %add3A_619, %dma_wait3A_634] : memref<4x4096x1024xf32, #tpu.memory_space<hbm>> -> memref<1x16x1024xf32, #tpu.memory_space<hbm>>
    %dma_wait3A_636 = tpu.memref_squeeze %dma_wait3A_635 : memref<1x16x1024xf32, #tpu.memory_space<hbm>> -> memref<16x1024xf32, #tpu.memory_space<hbm>>
    tpu.wait_dma2 semaphore(%arg23 : memref<!tpu.dma_semaphore, #tpu.memory_space<semaphore_mem>>) src(%arg11 : memref<16x1024xf32, #tpu.memory_space<vmem>>) dst(%dma_wait3A_636 : memref<16x1024xf32, #tpu.memory_space<hbm>>)
    %dma_start3A_637 = arith.constant 464 : i32
    %dma_start3A_638 = tpu.memref_slice %arg5[%dma_start3A_637] : memref<512xi32, #tpu.memory_space<vmem>> -> memref<16xi32, #tpu.memory_space<vmem>>
    %dma_start3A_639 = arith.constant 0 : i32
    %dma_start3A_640 = arith.constant 0 : i32
    %dma_start3A_641 = tpu.memref_slice %arg3[%dma_start3A_639, %dma_start3A_640] : memref<100000x1024xf32, #tpu.memory_space<hbm>> -> memref<100000x1024xf32, #tpu.memory_space<hbm>>
    tpu.enqueue_indirect_dma source(%dma_start3A_641 : memref<100000x1024xf32, #tpu.memory_space<hbm>>) target(%arg11 : memref<16x1024xf32, #tpu.memory_space<vmem>>) offsets(%dma_start3A_638 : memref<16xi32, #tpu.memory_space<vmem>>) semaphore(%arg17 : memref<!tpu.dma_semaphore, #tpu.memory_space<semaphore_mem>>)
    %add3A_642 = arith.constant 384 : i32
    %add3A_643 = arith.addi %mul3A_32, %add3A_642 : i32
    %dma_start3A_644 = arith.constant 0 : i32
    %dma_start3A_645 = tpu.memref_slice %arg4[%select_n3A, %add3A_643, %dma_start3A_644] : memref<4x4096x1024xf32, #tpu.memory_space<hbm>> -> memref<1x16x1024xf32, #tpu.memory_space<hbm>>
    %dma_start3A_646 = tpu.memref_squeeze %dma_start3A_645 : memref<1x16x1024xf32, #tpu.memory_space<hbm>> -> memref<16x1024xf32, #tpu.memory_space<hbm>>
    %dma_start3A_647 = arith.constant 0 : i32
    %dma_start3A_648 = tpu.memref_slice %arg4[%select_n3A, %add3A_643, %dma_start3A_647] : memref<4x4096x1024xf32, #tpu.memory_space<hbm>> -> memref<1x16x1024xf32, #tpu.memory_space<hbm>>
    %dma_start3A_649 = tpu.memref_squeeze %dma_start3A_648 : memref<1x16x1024xf32, #tpu.memory_space<hbm>> -> memref<16x1024xf32, #tpu.memory_space<hbm>>
    tpu.enqueue_dma source(%arg6 : memref<16x1024xf32, #tpu.memory_space<vmem>>) target(%dma_start3A_649 : memref<16x1024xf32, #tpu.memory_space<hbm>>) target_semaphore(%arg18 : memref<!tpu.dma_semaphore, #tpu.memory_space<semaphore_mem>>)
    %dma_wait3A_650 = arith.constant 400 : i32
    %dma_wait3A_651 = tpu.memref_slice %arg5[%dma_wait3A_650] : memref<512xi32, #tpu.memory_space<vmem>> -> memref<16xi32, #tpu.memory_space<vmem>>
    %dma_wait3A_652 = arith.constant 0 : i32
    %dma_wait3A_653 = arith.constant 0 : i32
    %dma_wait3A_654 = tpu.memref_slice %arg3[%dma_wait3A_652, %dma_wait3A_653] : memref<100000x1024xf32, #tpu.memory_space<hbm>> -> memref<100000x1024xf32, #tpu.memory_space<hbm>>
    tpu.wait_indirect_dma semaphore(%arg13 : memref<!tpu.dma_semaphore, #tpu.memory_space<semaphore_mem>>) src(%dma_wait3A_654 : memref<100000x1024xf32, #tpu.memory_space<hbm>>) dst(%arg7 : memref<16x1024xf32, #tpu.memory_space<vmem>>)
    %dma_wait3A_655 = arith.constant 0 : i32
    %dma_wait3A_656 = tpu.memref_slice %arg4[%select_n3A, %add3A_643, %dma_wait3A_655] : memref<4x4096x1024xf32, #tpu.memory_space<hbm>> -> memref<1x16x1024xf32, #tpu.memory_space<hbm>>
    %dma_wait3A_657 = tpu.memref_squeeze %dma_wait3A_656 : memref<1x16x1024xf32, #tpu.memory_space<hbm>> -> memref<16x1024xf32, #tpu.memory_space<hbm>>
    %dma_wait3A_658 = arith.constant 0 : i32
    %dma_wait3A_659 = tpu.memref_slice %arg4[%select_n3A, %add3A_643, %dma_wait3A_658] : memref<4x4096x1024xf32, #tpu.memory_space<hbm>> -> memref<1x16x1024xf32, #tpu.memory_space<hbm>>
    %dma_wait3A_660 = tpu.memref_squeeze %dma_wait3A_659 : memref<1x16x1024xf32, #tpu.memory_space<hbm>> -> memref<16x1024xf32, #tpu.memory_space<hbm>>
    tpu.wait_dma2 semaphore(%arg18 : memref<!tpu.dma_semaphore, #tpu.memory_space<semaphore_mem>>) src(%arg6 : memref<16x1024xf32, #tpu.memory_space<vmem>>) dst(%dma_wait3A_660 : memref<16x1024xf32, #tpu.memory_space<hbm>>)
    %dma_start3A_661 = arith.constant 480 : i32
    %dma_start3A_662 = tpu.memref_slice %arg5[%dma_start3A_661] : memref<512xi32, #tpu.memory_space<vmem>> -> memref<16xi32, #tpu.memory_space<vmem>>
    %dma_start3A_663 = arith.constant 0 : i32
    %dma_start3A_664 = arith.constant 0 : i32
    %dma_start3A_665 = tpu.memref_slice %arg3[%dma_start3A_663, %dma_start3A_664] : memref<100000x1024xf32, #tpu.memory_space<hbm>> -> memref<100000x1024xf32, #tpu.memory_space<hbm>>
    tpu.enqueue_indirect_dma source(%dma_start3A_665 : memref<100000x1024xf32, #tpu.memory_space<hbm>>) target(%arg6 : memref<16x1024xf32, #tpu.memory_space<vmem>>) offsets(%dma_start3A_662 : memref<16xi32, #tpu.memory_space<vmem>>) semaphore(%arg12 : memref<!tpu.dma_semaphore, #tpu.memory_space<semaphore_mem>>)
    %add3A_666 = arith.constant 400 : i32
    %add3A_667 = arith.addi %mul3A_32, %add3A_666 : i32
    %dma_start3A_668 = arith.constant 0 : i32
    %dma_start3A_669 = tpu.memref_slice %arg4[%select_n3A, %add3A_667, %dma_start3A_668] : memref<4x4096x1024xf32, #tpu.memory_space<hbm>> -> memref<1x16x1024xf32, #tpu.memory_space<hbm>>
    %dma_start3A_670 = tpu.memref_squeeze %dma_start3A_669 : memref<1x16x1024xf32, #tpu.memory_space<hbm>> -> memref<16x1024xf32, #tpu.memory_space<hbm>>
    %dma_start3A_671 = arith.constant 0 : i32
    %dma_start3A_672 = tpu.memref_slice %arg4[%select_n3A, %add3A_667, %dma_start3A_671] : memref<4x4096x1024xf32, #tpu.memory_space<hbm>> -> memref<1x16x1024xf32, #tpu.memory_space<hbm>>
    %dma_start3A_673 = tpu.memref_squeeze %dma_start3A_672 : memref<1x16x1024xf32, #tpu.memory_space<hbm>> -> memref<16x1024xf32, #tpu.memory_space<hbm>>
    tpu.enqueue_dma source(%arg7 : memref<16x1024xf32, #tpu.memory_space<vmem>>) target(%dma_start3A_673 : memref<16x1024xf32, #tpu.memory_space<hbm>>) target_semaphore(%arg19 : memref<!tpu.dma_semaphore, #tpu.memory_space<semaphore_mem>>)
    %dma_wait3A_674 = arith.constant 416 : i32
    %dma_wait3A_675 = tpu.memref_slice %arg5[%dma_wait3A_674] : memref<512xi32, #tpu.memory_space<vmem>> -> memref<16xi32, #tpu.memory_space<vmem>>
    %dma_wait3A_676 = arith.constant 0 : i32
    %dma_wait3A_677 = arith.constant 0 : i32
    %dma_wait3A_678 = tpu.memref_slice %arg3[%dma_wait3A_676, %dma_wait3A_677] : memref<100000x1024xf32, #tpu.memory_space<hbm>> -> memref<100000x1024xf32, #tpu.memory_space<hbm>>
    tpu.wait_indirect_dma semaphore(%arg14 : memref<!tpu.dma_semaphore, #tpu.memory_space<semaphore_mem>>) src(%dma_wait3A_678 : memref<100000x1024xf32, #tpu.memory_space<hbm>>) dst(%arg8 : memref<16x1024xf32, #tpu.memory_space<vmem>>)
    %dma_wait3A_679 = arith.constant 0 : i32
    %dma_wait3A_680 = tpu.memref_slice %arg4[%select_n3A, %add3A_667, %dma_wait3A_679] : memref<4x4096x1024xf32, #tpu.memory_space<hbm>> -> memref<1x16x1024xf32, #tpu.memory_space<hbm>>
    %dma_wait3A_681 = tpu.memref_squeeze %dma_wait3A_680 : memref<1x16x1024xf32, #tpu.memory_space<hbm>> -> memref<16x1024xf32, #tpu.memory_space<hbm>>
    %dma_wait3A_682 = arith.constant 0 : i32
    %dma_wait3A_683 = tpu.memref_slice %arg4[%select_n3A, %add3A_667, %dma_wait3A_682] : memref<4x4096x1024xf32, #tpu.memory_space<hbm>> -> memref<1x16x1024xf32, #tpu.memory_space<hbm>>
    %dma_wait3A_684 = tpu.memref_squeeze %dma_wait3A_683 : memref<1x16x1024xf32, #tpu.memory_space<hbm>> -> memref<16x1024xf32, #tpu.memory_space<hbm>>
    tpu.wait_dma2 semaphore(%arg19 : memref<!tpu.dma_semaphore, #tpu.memory_space<semaphore_mem>>) src(%arg7 : memref<16x1024xf32, #tpu.memory_space<vmem>>) dst(%dma_wait3A_684 : memref<16x1024xf32, #tpu.memory_space<hbm>>)
    %dma_start3A_685 = arith.constant 496 : i32
    %dma_start3A_686 = tpu.memref_slice %arg5[%dma_start3A_685] : memref<512xi32, #tpu.memory_space<vmem>> -> memref<16xi32, #tpu.memory_space<vmem>>
    %dma_start3A_687 = arith.constant 0 : i32
    %dma_start3A_688 = arith.constant 0 : i32
    %dma_start3A_689 = tpu.memref_slice %arg3[%dma_start3A_687, %dma_start3A_688] : memref<100000x1024xf32, #tpu.memory_space<hbm>> -> memref<100000x1024xf32, #tpu.memory_space<hbm>>
    tpu.enqueue_indirect_dma source(%dma_start3A_689 : memref<100000x1024xf32, #tpu.memory_space<hbm>>) target(%arg7 : memref<16x1024xf32, #tpu.memory_space<vmem>>) offsets(%dma_start3A_686 : memref<16xi32, #tpu.memory_space<vmem>>) semaphore(%arg13 : memref<!tpu.dma_semaphore, #tpu.memory_space<semaphore_mem>>)
    %add3A_690 = arith.constant 416 : i32
    %add3A_691 = arith.addi %mul3A_32, %add3A_690 : i32
    %dma_start3A_692 = arith.constant 0 : i32
    %dma_start3A_693 = tpu.memref_slice %arg4[%select_n3A, %add3A_691, %dma_start3A_692] : memref<4x4096x1024xf32, #tpu.memory_space<hbm>> -> memref<1x16x1024xf32, #tpu.memory_space<hbm>>
    %dma_start3A_694 = tpu.memref_squeeze %dma_start3A_693 : memref<1x16x1024xf32, #tpu.memory_space<hbm>> -> memref<16x1024xf32, #tpu.memory_space<hbm>>
    %dma_start3A_695 = arith.constant 0 : i32
    %dma_start3A_696 = tpu.memref_slice %arg4[%select_n3A, %add3A_691, %dma_start3A_695] : memref<4x4096x1024xf32, #tpu.memory_space<hbm>> -> memref<1x16x1024xf32, #tpu.memory_space<hbm>>
    %dma_start3A_697 = tpu.memref_squeeze %dma_start3A_696 : memref<1x16x1024xf32, #tpu.memory_space<hbm>> -> memref<16x1024xf32, #tpu.memory_space<hbm>>
    tpu.enqueue_dma source(%arg8 : memref<16x1024xf32, #tpu.memory_space<vmem>>) target(%dma_start3A_697 : memref<16x1024xf32, #tpu.memory_space<hbm>>) target_semaphore(%arg20 : memref<!tpu.dma_semaphore, #tpu.memory_space<semaphore_mem>>)
    %dma_wait3A_698 = arith.constant 432 : i32
    %dma_wait3A_699 = tpu.memref_slice %arg5[%dma_wait3A_698] : memref<512xi32, #tpu.memory_space<vmem>> -> memref<16xi32, #tpu.memory_space<vmem>>
    %dma_wait3A_700 = arith.constant 0 : i32
    %dma_wait3A_701 = arith.constant 0 : i32
    %dma_wait3A_702 = tpu.memref_slice %arg3[%dma_wait3A_700, %dma_wait3A_701] : memref<100000x1024xf32, #tpu.memory_space<hbm>> -> memref<100000x1024xf32, #tpu.memory_space<hbm>>
    tpu.wait_indirect_dma semaphore(%arg15 : memref<!tpu.dma_semaphore, #tpu.memory_space<semaphore_mem>>) src(%dma_wait3A_702 : memref<100000x1024xf32, #tpu.memory_space<hbm>>) dst(%arg9 : memref<16x1024xf32, #tpu.memory_space<vmem>>)
    %add3A_703 = arith.constant 432 : i32
    %add3A_704 = arith.addi %mul3A_32, %add3A_703 : i32
    %dma_start3A_705 = arith.constant 0 : i32
    %dma_start3A_706 = tpu.memref_slice %arg4[%select_n3A, %add3A_704, %dma_start3A_705] : memref<4x4096x1024xf32, #tpu.memory_space<hbm>> -> memref<1x16x1024xf32, #tpu.memory_space<hbm>>
    %dma_start3A_707 = tpu.memref_squeeze %dma_start3A_706 : memref<1x16x1024xf32, #tpu.memory_space<hbm>> -> memref<16x1024xf32, #tpu.memory_space<hbm>>
    %dma_start3A_708 = arith.constant 0 : i32
    %dma_start3A_709 = tpu.memref_slice %arg4[%select_n3A, %add3A_704, %dma_start3A_708] : memref<4x4096x1024xf32, #tpu.memory_space<hbm>> -> memref<1x16x1024xf32, #tpu.memory_space<hbm>>
    %dma_start3A_710 = tpu.memref_squeeze %dma_start3A_709 : memref<1x16x1024xf32, #tpu.memory_space<hbm>> -> memref<16x1024xf32, #tpu.memory_space<hbm>>
    tpu.enqueue_dma source(%arg9 : memref<16x1024xf32, #tpu.memory_space<vmem>>) target(%dma_start3A_710 : memref<16x1024xf32, #tpu.memory_space<hbm>>) target_semaphore(%arg21 : memref<!tpu.dma_semaphore, #tpu.memory_space<semaphore_mem>>)
    %dma_wait3A_711 = arith.constant 448 : i32
    %dma_wait3A_712 = tpu.memref_slice %arg5[%dma_wait3A_711] : memref<512xi32, #tpu.memory_space<vmem>> -> memref<16xi32, #tpu.memory_space<vmem>>
    %dma_wait3A_713 = arith.constant 0 : i32
    %dma_wait3A_714 = arith.constant 0 : i32
    %dma_wait3A_715 = tpu.memref_slice %arg3[%dma_wait3A_713, %dma_wait3A_714] : memref<100000x1024xf32, #tpu.memory_space<hbm>> -> memref<100000x1024xf32, #tpu.memory_space<hbm>>
    tpu.wait_indirect_dma semaphore(%arg16 : memref<!tpu.dma_semaphore, #tpu.memory_space<semaphore_mem>>) src(%dma_wait3A_715 : memref<100000x1024xf32, #tpu.memory_space<hbm>>) dst(%arg10 : memref<16x1024xf32, #tpu.memory_space<vmem>>)
    %add3A_716 = arith.constant 448 : i32
    %add3A_717 = arith.addi %mul3A_32, %add3A_716 : i32
    %dma_start3A_718 = arith.constant 0 : i32
    %dma_start3A_719 = tpu.memref_slice %arg4[%select_n3A, %add3A_717, %dma_start3A_718] : memref<4x4096x1024xf32, #tpu.memory_space<hbm>> -> memref<1x16x1024xf32, #tpu.memory_space<hbm>>
    %dma_start3A_720 = tpu.memref_squeeze %dma_start3A_719 : memref<1x16x1024xf32, #tpu.memory_space<hbm>> -> memref<16x1024xf32, #tpu.memory_space<hbm>>
    %dma_start3A_721 = arith.constant 0 : i32
    %dma_start3A_722 = tpu.memref_slice %arg4[%select_n3A, %add3A_717, %dma_start3A_721] : memref<4x4096x1024xf32, #tpu.memory_space<hbm>> -> memref<1x16x1024xf32, #tpu.memory_space<hbm>>
    %dma_start3A_723 = tpu.memref_squeeze %dma_start3A_722 : memref<1x16x1024xf32, #tpu.memory_space<hbm>> -> memref<16x1024xf32, #tpu.memory_space<hbm>>
    tpu.enqueue_dma source(%arg10 : memref<16x1024xf32, #tpu.memory_space<vmem>>) target(%dma_start3A_723 : memref<16x1024xf32, #tpu.memory_space<hbm>>) target_semaphore(%arg22 : memref<!tpu.dma_semaphore, #tpu.memory_space<semaphore_mem>>)
    %dma_wait3A_724 = arith.constant 464 : i32
    %dma_wait3A_725 = tpu.memref_slice %arg5[%dma_wait3A_724] : memref<512xi32, #tpu.memory_space<vmem>> -> memref<16xi32, #tpu.memory_space<vmem>>
    %dma_wait3A_726 = arith.constant 0 : i32
    %dma_wait3A_727 = arith.constant 0 : i32
    %dma_wait3A_728 = tpu.memref_slice %arg3[%dma_wait3A_726, %dma_wait3A_727] : memref<100000x1024xf32, #tpu.memory_space<hbm>> -> memref<100000x1024xf32, #tpu.memory_space<hbm>>
    tpu.wait_indirect_dma semaphore(%arg17 : memref<!tpu.dma_semaphore, #tpu.memory_space<semaphore_mem>>) src(%dma_wait3A_728 : memref<100000x1024xf32, #tpu.memory_space<hbm>>) dst(%arg11 : memref<16x1024xf32, #tpu.memory_space<vmem>>)
    %add3A_729 = arith.constant 464 : i32
    %add3A_730 = arith.addi %mul3A_32, %add3A_729 : i32
    %dma_start3A_731 = arith.constant 0 : i32
    %dma_start3A_732 = tpu.memref_slice %arg4[%select_n3A, %add3A_730, %dma_start3A_731] : memref<4x4096x1024xf32, #tpu.memory_space<hbm>> -> memref<1x16x1024xf32, #tpu.memory_space<hbm>>
    %dma_start3A_733 = tpu.memref_squeeze %dma_start3A_732 : memref<1x16x1024xf32, #tpu.memory_space<hbm>> -> memref<16x1024xf32, #tpu.memory_space<hbm>>
    %dma_start3A_734 = arith.constant 0 : i32
    %dma_start3A_735 = tpu.memref_slice %arg4[%select_n3A, %add3A_730, %dma_start3A_734] : memref<4x4096x1024xf32, #tpu.memory_space<hbm>> -> memref<1x16x1024xf32, #tpu.memory_space<hbm>>
    %dma_start3A_736 = tpu.memref_squeeze %dma_start3A_735 : memref<1x16x1024xf32, #tpu.memory_space<hbm>> -> memref<16x1024xf32, #tpu.memory_space<hbm>>
    tpu.enqueue_dma source(%arg11 : memref<16x1024xf32, #tpu.memory_space<vmem>>) target(%dma_start3A_736 : memref<16x1024xf32, #tpu.memory_space<hbm>>) target_semaphore(%arg23 : memref<!tpu.dma_semaphore, #tpu.memory_space<semaphore_mem>>)
    %dma_wait3A_737 = arith.constant 480 : i32
    %dma_wait3A_738 = tpu.memref_slice %arg5[%dma_wait3A_737] : memref<512xi32, #tpu.memory_space<vmem>> -> memref<16xi32, #tpu.memory_space<vmem>>
    %dma_wait3A_739 = arith.constant 0 : i32
    %dma_wait3A_740 = arith.constant 0 : i32
    %dma_wait3A_741 = tpu.memref_slice %arg3[%dma_wait3A_739, %dma_wait3A_740] : memref<100000x1024xf32, #tpu.memory_space<hbm>> -> memref<100000x1024xf32, #tpu.memory_space<hbm>>
    tpu.wait_indirect_dma semaphore(%arg12 : memref<!tpu.dma_semaphore, #tpu.memory_space<semaphore_mem>>) src(%dma_wait3A_741 : memref<100000x1024xf32, #tpu.memory_space<hbm>>) dst(%arg6 : memref<16x1024xf32, #tpu.memory_space<vmem>>)
    %add3A_742 = arith.constant 480 : i32
    %add3A_743 = arith.addi %mul3A_32, %add3A_742 : i32
    %dma_start3A_744 = arith.constant 0 : i32
    %dma_start3A_745 = tpu.memref_slice %arg4[%select_n3A, %add3A_743, %dma_start3A_744] : memref<4x4096x1024xf32, #tpu.memory_space<hbm>> -> memref<1x16x1024xf32, #tpu.memory_space<hbm>>
    %dma_start3A_746 = tpu.memref_squeeze %dma_start3A_745 : memref<1x16x1024xf32, #tpu.memory_space<hbm>> -> memref<16x1024xf32, #tpu.memory_space<hbm>>
    %dma_start3A_747 = arith.constant 0 : i32
    %dma_start3A_748 = tpu.memref_slice %arg4[%select_n3A, %add3A_743, %dma_start3A_747] : memref<4x4096x1024xf32, #tpu.memory_space<hbm>> -> memref<1x16x1024xf32, #tpu.memory_space<hbm>>
    %dma_start3A_749 = tpu.memref_squeeze %dma_start3A_748 : memref<1x16x1024xf32, #tpu.memory_space<hbm>> -> memref<16x1024xf32, #tpu.memory_space<hbm>>
    tpu.enqueue_dma source(%arg6 : memref<16x1024xf32, #tpu.memory_space<vmem>>) target(%dma_start3A_749 : memref<16x1024xf32, #tpu.memory_space<hbm>>) target_semaphore(%arg18 : memref<!tpu.dma_semaphore, #tpu.memory_space<semaphore_mem>>)
    %dma_wait3A_750 = arith.constant 496 : i32
    %dma_wait3A_751 = tpu.memref_slice %arg5[%dma_wait3A_750] : memref<512xi32, #tpu.memory_space<vmem>> -> memref<16xi32, #tpu.memory_space<vmem>>
    %dma_wait3A_752 = arith.constant 0 : i32
    %dma_wait3A_753 = arith.constant 0 : i32
    %dma_wait3A_754 = tpu.memref_slice %arg3[%dma_wait3A_752, %dma_wait3A_753] : memref<100000x1024xf32, #tpu.memory_space<hbm>> -> memref<100000x1024xf32, #tpu.memory_space<hbm>>
    tpu.wait_indirect_dma semaphore(%arg13 : memref<!tpu.dma_semaphore, #tpu.memory_space<semaphore_mem>>) src(%dma_wait3A_754 : memref<100000x1024xf32, #tpu.memory_space<hbm>>) dst(%arg7 : memref<16x1024xf32, #tpu.memory_space<vmem>>)
    %add3A_755 = arith.constant 496 : i32
    %add3A_756 = arith.addi %mul3A_32, %add3A_755 : i32
    %dma_start3A_757 = arith.constant 0 : i32
    %dma_start3A_758 = tpu.memref_slice %arg4[%select_n3A, %add3A_756, %dma_start3A_757] : memref<4x4096x1024xf32, #tpu.memory_space<hbm>> -> memref<1x16x1024xf32, #tpu.memory_space<hbm>>
    %dma_start3A_759 = tpu.memref_squeeze %dma_start3A_758 : memref<1x16x1024xf32, #tpu.memory_space<hbm>> -> memref<16x1024xf32, #tpu.memory_space<hbm>>
    %dma_start3A_760 = arith.constant 0 : i32
    %dma_start3A_761 = tpu.memref_slice %arg4[%select_n3A, %add3A_756, %dma_start3A_760] : memref<4x4096x1024xf32, #tpu.memory_space<hbm>> -> memref<1x16x1024xf32, #tpu.memory_space<hbm>>
    %dma_start3A_762 = tpu.memref_squeeze %dma_start3A_761 : memref<1x16x1024xf32, #tpu.memory_space<hbm>> -> memref<16x1024xf32, #tpu.memory_space<hbm>>
    tpu.enqueue_dma source(%arg7 : memref<16x1024xf32, #tpu.memory_space<vmem>>) target(%dma_start3A_762 : memref<16x1024xf32, #tpu.memory_space<hbm>>) target_semaphore(%arg19 : memref<!tpu.dma_semaphore, #tpu.memory_space<semaphore_mem>>)
    %dma_wait3A_763 = arith.constant 0 : i32
    %dma_wait3A_764 = tpu.memref_slice %arg4[%select_n3A, %add3A_691, %dma_wait3A_763] : memref<4x4096x1024xf32, #tpu.memory_space<hbm>> -> memref<1x16x1024xf32, #tpu.memory_space<hbm>>
    %dma_wait3A_765 = tpu.memref_squeeze %dma_wait3A_764 : memref<1x16x1024xf32, #tpu.memory_space<hbm>> -> memref<16x1024xf32, #tpu.memory_space<hbm>>
    %dma_wait3A_766 = arith.constant 0 : i32
    %dma_wait3A_767 = tpu.memref_slice %arg4[%select_n3A, %add3A_691, %dma_wait3A_766] : memref<4x4096x1024xf32, #tpu.memory_space<hbm>> -> memref<1x16x1024xf32, #tpu.memory_space<hbm>>
    %dma_wait3A_768 = tpu.memref_squeeze %dma_wait3A_767 : memref<1x16x1024xf32, #tpu.memory_space<hbm>> -> memref<16x1024xf32, #tpu.memory_space<hbm>>
    tpu.wait_dma2 semaphore(%arg20 : memref<!tpu.dma_semaphore, #tpu.memory_space<semaphore_mem>>) src(%arg8 : memref<16x1024xf32, #tpu.memory_space<vmem>>) dst(%dma_wait3A_768 : memref<16x1024xf32, #tpu.memory_space<hbm>>)
    %dma_wait3A_769 = arith.constant 0 : i32
    %dma_wait3A_770 = tpu.memref_slice %arg4[%select_n3A, %add3A_704, %dma_wait3A_769] : memref<4x4096x1024xf32, #tpu.memory_space<hbm>> -> memref<1x16x1024xf32, #tpu.memory_space<hbm>>
    %dma_wait3A_771 = tpu.memref_squeeze %dma_wait3A_770 : memref<1x16x1024xf32, #tpu.memory_space<hbm>> -> memref<16x1024xf32, #tpu.memory_space<hbm>>
    %dma_wait3A_772 = arith.constant 0 : i32
    %dma_wait3A_773 = tpu.memref_slice %arg4[%select_n3A, %add3A_704, %dma_wait3A_772] : memref<4x4096x1024xf32, #tpu.memory_space<hbm>> -> memref<1x16x1024xf32, #tpu.memory_space<hbm>>
    %dma_wait3A_774 = tpu.memref_squeeze %dma_wait3A_773 : memref<1x16x1024xf32, #tpu.memory_space<hbm>> -> memref<16x1024xf32, #tpu.memory_space<hbm>>
    tpu.wait_dma2 semaphore(%arg21 : memref<!tpu.dma_semaphore, #tpu.memory_space<semaphore_mem>>) src(%arg9 : memref<16x1024xf32, #tpu.memory_space<vmem>>) dst(%dma_wait3A_774 : memref<16x1024xf32, #tpu.memory_space<hbm>>)
    %dma_wait3A_775 = arith.constant 0 : i32
    %dma_wait3A_776 = tpu.memref_slice %arg4[%select_n3A, %add3A_717, %dma_wait3A_775] : memref<4x4096x1024xf32, #tpu.memory_space<hbm>> -> memref<1x16x1024xf32, #tpu.memory_space<hbm>>
    %dma_wait3A_777 = tpu.memref_squeeze %dma_wait3A_776 : memref<1x16x1024xf32, #tpu.memory_space<hbm>> -> memref<16x1024xf32, #tpu.memory_space<hbm>>
    %dma_wait3A_778 = arith.constant 0 : i32
    %dma_wait3A_779 = tpu.memref_slice %arg4[%select_n3A, %add3A_717, %dma_wait3A_778] : memref<4x4096x1024xf32, #tpu.memory_space<hbm>> -> memref<1x16x1024xf32, #tpu.memory_space<hbm>>
    %dma_wait3A_780 = tpu.memref_squeeze %dma_wait3A_779 : memref<1x16x1024xf32, #tpu.memory_space<hbm>> -> memref<16x1024xf32, #tpu.memory_space<hbm>>
    tpu.wait_dma2 semaphore(%arg22 : memref<!tpu.dma_semaphore, #tpu.memory_space<semaphore_mem>>) src(%arg10 : memref<16x1024xf32, #tpu.memory_space<vmem>>) dst(%dma_wait3A_780 : memref<16x1024xf32, #tpu.memory_space<hbm>>)
    %dma_wait3A_781 = arith.constant 0 : i32
    %dma_wait3A_782 = tpu.memref_slice %arg4[%select_n3A, %add3A_730, %dma_wait3A_781] : memref<4x4096x1024xf32, #tpu.memory_space<hbm>> -> memref<1x16x1024xf32, #tpu.memory_space<hbm>>
    %dma_wait3A_783 = tpu.memref_squeeze %dma_wait3A_782 : memref<1x16x1024xf32, #tpu.memory_space<hbm>> -> memref<16x1024xf32, #tpu.memory_space<hbm>>
    %dma_wait3A_784 = arith.constant 0 : i32
    %dma_wait3A_785 = tpu.memref_slice %arg4[%select_n3A, %add3A_730, %dma_wait3A_784] : memref<4x4096x1024xf32, #tpu.memory_space<hbm>> -> memref<1x16x1024xf32, #tpu.memory_space<hbm>>
    %dma_wait3A_786 = tpu.memref_squeeze %dma_wait3A_785 : memref<1x16x1024xf32, #tpu.memory_space<hbm>> -> memref<16x1024xf32, #tpu.memory_space<hbm>>
    tpu.wait_dma2 semaphore(%arg23 : memref<!tpu.dma_semaphore, #tpu.memory_space<semaphore_mem>>) src(%arg11 : memref<16x1024xf32, #tpu.memory_space<vmem>>) dst(%dma_wait3A_786 : memref<16x1024xf32, #tpu.memory_space<hbm>>)
    %dma_wait3A_787 = arith.constant 0 : i32
    %dma_wait3A_788 = tpu.memref_slice %arg4[%select_n3A, %add3A_743, %dma_wait3A_787] : memref<4x4096x1024xf32, #tpu.memory_space<hbm>> -> memref<1x16x1024xf32, #tpu.memory_space<hbm>>
    %dma_wait3A_789 = tpu.memref_squeeze %dma_wait3A_788 : memref<1x16x1024xf32, #tpu.memory_space<hbm>> -> memref<16x1024xf32, #tpu.memory_space<hbm>>
    %dma_wait3A_790 = arith.constant 0 : i32
    %dma_wait3A_791 = tpu.memref_slice %arg4[%select_n3A, %add3A_743, %dma_wait3A_790] : memref<4x4096x1024xf32, #tpu.memory_space<hbm>> -> memref<1x16x1024xf32, #tpu.memory_space<hbm>>
    %dma_wait3A_792 = tpu.memref_squeeze %dma_wait3A_791 : memref<1x16x1024xf32, #tpu.memory_space<hbm>> -> memref<16x1024xf32, #tpu.memory_space<hbm>>
    tpu.wait_dma2 semaphore(%arg18 : memref<!tpu.dma_semaphore, #tpu.memory_space<semaphore_mem>>) src(%arg6 : memref<16x1024xf32, #tpu.memory_space<vmem>>) dst(%dma_wait3A_792 : memref<16x1024xf32, #tpu.memory_space<hbm>>)
    %dma_wait3A_793 = arith.constant 0 : i32
    %dma_wait3A_794 = tpu.memref_slice %arg4[%select_n3A, %add3A_756, %dma_wait3A_793] : memref<4x4096x1024xf32, #tpu.memory_space<hbm>> -> memref<1x16x1024xf32, #tpu.memory_space<hbm>>
    %dma_wait3A_795 = tpu.memref_squeeze %dma_wait3A_794 : memref<1x16x1024xf32, #tpu.memory_space<hbm>> -> memref<16x1024xf32, #tpu.memory_space<hbm>>
    %dma_wait3A_796 = arith.constant 0 : i32
    %dma_wait3A_797 = tpu.memref_slice %arg4[%select_n3A, %add3A_756, %dma_wait3A_796] : memref<4x4096x1024xf32, #tpu.memory_space<hbm>> -> memref<1x16x1024xf32, #tpu.memory_space<hbm>>
    %dma_wait3A_798 = tpu.memref_squeeze %dma_wait3A_797 : memref<1x16x1024xf32, #tpu.memory_space<hbm>> -> memref<16x1024xf32, #tpu.memory_space<hbm>>
    tpu.wait_dma2 semaphore(%arg19 : memref<!tpu.dma_semaphore, #tpu.memory_space<semaphore_mem>>) src(%arg7 : memref<16x1024xf32, #tpu.memory_space<vmem>>) dst(%dma_wait3A_798 : memref<16x1024xf32, #tpu.memory_space<hbm>>)
    return
  }
}

</mosaic_0001>

<sc_bundles>
// kernel: kernel.3.cloned.1.call-start
scs
__scs_entry_jumppad:
0x0: {  	(pc) =	sbr.rel $0x88, $3  }
0x1: {  	(tag) =	ssettag $0x0;
	lr =	simm.s32 $0x1  }
0x2: {  	[smem:$0x3F9F] =	sst lr;
	_ =	strace $0xD0000000  }
0x3: {  	_ = 	snop  }
0x4: {  	_ = 	snop  }
0x5: {  	_ = 	snop  }
0x6: {  	_ = 	snop  }
0x7: {  	_ = 	snop  }
__scs_overlays_trampoline_lowered:
0x8: {  	[smem:$0x3FAE] =	sst s0  }
0x9: {  	[smem:$0x3FAF] =	sst s1  }
0xa: {  	[smem:$0x3FB0] =	sst s2  }
0xb: {  	[smem:$0x3FB1] =	sst s3  }
0xc: {  	[smem:$0x3FB2] =	sst s4  }
0xd: {  	[smem:$0x3FB3] =	sst s5  }
0xe: {  	[smem:$0x3FB4] =	sst s6  }
0xf: {  	[smem:$0x3FB5] =	sst s7  }
0x10: {  	[smem:$0x3FB6] =	sst s8  }
0x11: {  	[smem:$0x3FB7] =	sst s9;
	s0 =	simm.s32 @!p0 $0x0  }
0x12: {  	s1 =	sld [smem:$0x3F9D];
	s0 =	simm.s32 @p0 $0x1  }
0x13: {  	[smem:$0x3FB8] =	sst s0;
	s0 =	simm.s32 @!p1 $0x0  }
0x14: {  	s2 =	sld [smem:$0x3F9C];
	s0 =	simm.s32 @p1 $0x1  }
0x15: {  	[smem:$0x3FB9] =	sst s0;
	s0 =	simm.s32 @!p2 $0x0  }
0x16: {  	s3 =	sld [smem:$0x3FDB];
	s0 =	simm.s32 @p2 $0x1  }
0x17: {  	s4 =	simm.s32 $0x1BF5;
	[smem:$0x3FBB] =	sst s0  }
0x18: {  	s0 =	sld [smem:$0x3F9E];
	_ =	swait.ge [sflag:s4], $0x0  }
0x19: {  	s7 =	sld [smem:$0x3F9F]  }
0x1a: {  	s8 =	sadd.s32 $0xFFFFE003, lr  }
0x1b: {  	s9 =	sadd.s32 $0xFFFFFEF7, lr;
	s5 =	simm.s32 $0xFFFFFFFF;
	p2 =	slt.u32 s8, $0xFFFFF086  }
0x1c: {  	p1 =	slt.u32 s9, $0xF7A;
	s5 =	simm.s32 @!p2 $0x0  }
0x1d: {  	s5 =	simm.s32 @p1 $0x1;
	p0 =	seq.s32 s7, s2  }
0x1e: {  	s7 =	smul.u32 @!p0 $0xF7A, s2;
	p2 =	seq.s32 @!p0 s5, $0x0  }
0x1f: {  	s9 =	smul.u32 $0xF7A, s1;
	s8 =	simm.s32 @!p0 $0x1BF5;
	p2 =	por !p2, p0  }
0x20: {  	[sflag:s8] =	ssyncset.s32 @!p0 $0xFFFFF086;
	s6 =	sadd.s32 @!p0 s3, s7;
	s7 =	simm.s32 @!p0 $0x108  }
0x21: {  	s3 =	sadd.s32 s3, s9;
	s6 =	sadd.s32 @!p0 $0x88, s6;
	s7 =	simm.s32 @p2 $0x1082  }
0x22: {  	[simem:s7], [sflag:s8] =	dma.local @!p0 [hbm:s6], $0xF7A  }
0x23: {  	s9 =	sor.u32 $0xD0000000, s2;
	s6 =	simm.s32 $0x108;
	_ =	swait.ge @!p0 [sflag:s8], $0x0  }
0x24: {  	s3 =	sadd.s32 $0x88, s3;
	s6 =	simm.s32 @!p1 $0x1082;
	[sflag:s4] =	ssyncset.s32 $0xFFFFF086  }
0x25: {  	[simem:s6], [sflag:s4] =	dma.local [hbm:s3], $0xF7A  }
0x26: {  	[smem:$0x3F9F] =	sst s1;
	(tag) =	ssettag s2;
	_ =	strace s9  }
0x27: {  	s1 =	sld [smem:$0x3FAF]  }
0x28: {  	s2 =	sld [smem:$0x3FB0]  }
0x29: {  	s4 =	sld [smem:$0x3FB2]  }
0x2a: {  	p0 =	seq.s32 s5, $0x0;
	s5 =	sld [smem:$0x3FB3]  }
0x2b: {  	s6 =	sld [smem:$0x3FB4]  }
0x2c: {  	s7 =	sld [smem:$0x3FB5]  }
0x2d: {  	s3 =	simm.s32 $0x108;
	s8 =	sld [smem:$0x3FB6]  }
0x2e: {  	s3 =	simm.s32 @!p0 $0x1082;
	s9 =	sld [smem:$0x3FB7]  }
0x2f: {  	lr =	sadd.s32 s0, s3;
	s0 =	sld [smem:$0x3FAE]  }
0x30: {  	s3 =	sld [smem:$0x3FB1]  }
0x31: {  	[smem:$0x3FBA] =	sst s10  }
0x32: {  	s10 =	sld [smem:$0x3FB8];
	_ =	sdelay $0x3  }
0x33: {  	p0 =	seq.s32 s10, $0x1;
	s10 =	sld [smem:$0x3FBA];
	_ =	sdelay $0x3  }
0x34: {  	[smem:$0x3FBA] =	sst s10  }
0x35: {  	s10 =	sld [smem:$0x3FB9];
	_ =	sdelay $0x3  }
0x36: {  	p1 =	seq.s32 s10, $0x1;
	s10 =	sld [smem:$0x3FBA];
	_ =	sdelay $0x3  }
0x37: {  	[smem:$0x3FBA] =	sst s10  }
0x38: {  	s10 =	sld [smem:$0x3FBB]  }
0x39: {  	_ = 	snop;
	(pc) =	sbr.ind lr, $3  }
0x3a: {  	_ = 	snop  }
0x3b: {  	_ = 	snop  }
0x3c: {  	p2 =	seq.s32 s10, $0x1;
	s10 =	sld [smem:$0x3FBA]  }
0x3d: {  	_ =	shalt  }
0x3e: {  	_ =	shalt  }
0x3f: {  	_ =	shalt  }
0x40: {  	_ =	shalt  }
0x41: {  	_ =	shalt  }
0x42: {  	_ =	shalt  }
0x43: {  	_ =	shalt  }
0x44: {  	_ =	shalt  }
0x45: {  	_ =	shalt  }
0x46: {  	_ =	shalt  }
0x47: {  	_ =	shalt  }
0x48: {  	_ =	shalt  }
0x49: {  	_ =	shalt  }
0x4a: {  	_ =	shalt  }
0x4b: {  	_ =	shalt  }
0x4c: {  	_ =	shalt  }
0x4d: {  	_ =	shalt  }
0x4e: {  	_ =	shalt  }
0x4f: {  	_ =	shalt  }
0x50: {  	_ =	shalt  }
0x51: {  	_ =	shalt  }
0x52: {  	_ =	shalt  }
0x53: {  	_ =	shalt  }
0x54: {  	_ =	shalt  }
0x55: {  	_ =	shalt  }
0x56: {  	_ =	shalt  }
0x57: {  	_ =	shalt  }
0x58: {  	_ =	shalt  }
0x59: {  	_ =	shalt  }
0x5a: {  	_ =	shalt  }
0x5b: {  	_ =	shalt  }
0x5c: {  	_ =	shalt  }
0x5d: {  	_ =	shalt  }
0x5e: {  	_ =	shalt  }
0x5f: {  	_ =	shalt  }
0x60: {  	_ =	shalt  }
0x61: {  	_ =	shalt  }
0x62: {  	_ =	shalt  }
0x63: {  	_ =	shalt  }
0x64: {  	_ =	shalt  }
0x65: {  	_ =	shalt  }
0x66: {  	_ =	shalt  }
0x67: {  	_ =	shalt  }
0x68: {  	_ =	shalt  }
0x69: {  	_ =	shalt  }
0x6a: {  	_ =	shalt  }
0x6b: {  	_ =	shalt  }
0x6c: {  	_ =	shalt  }
0x6d: {  	_ =	shalt  }
0x6e: {  	_ =	shalt  }
0x6f: {  	_ =	shalt  }
0x70: {  	_ =	shalt  }
0x71: {  	_ =	shalt  }
0x72: {  	_ =	shalt  }
0x73: {  	_ =	shalt  }
0x74: {  	_ =	shalt  }
0x75: {  	_ =	shalt  }
0x76: {  	_ =	shalt  }
0x77: {  	_ =	shalt  }
0x78: {  	_ =	shalt  }
0x79: {  	_ =	shalt  }
0x7a: {  	_ =	shalt  }
0x7b: {  	_ =	shalt  }
0x7c: {  	_ =	shalt  }
0x7d: {  	_ =	shalt  }
0x7e: {  	_ =	shalt  }
0x7f: {  	_ =	shalt  }
0x80: {  	_ =	shalt  }
0x81: {  	_ =	shalt  }
0x82: {  	_ =	shalt  }
0x83: {  	_ =	shalt  }
0x84: {  	_ =	shalt  }
0x85: {  	_ =	shalt  }
0x86: {  	_ =	shalt  }
0x87: {  	_ =	shalt  }
.Lfunc_end0:
.L_simem_size_0:
called_computation_lowered:
.L_overlay_start_0:
0x88: {  	s2 =	sld [smem:$0x3FD9]  }
0x89: {  	s3 =	sld [smem:$0x3FFE];
	_ =	sdelay $0x1  }
0x8a: {  	s1 =	srdreg.scid  }
0x8b: {  	s0 =	sand.u32 $0x1, s1  }
0x8c: {  	s18 =	sshll.u32 s0, $0xA;
	s2 =	sadd.s32 s3, s2  }
0x8d: {  	s2 =	sadd.s32 s2, s18  }
0x8e: {  	[smem:$0x3FC6] =	sst s2  }
0x8f: {  	_ = 	snop  }
0x90: {  	s2 =	sld [smem:$0x3FC9]  }
0x91: {  	s19 =	sld [smem:$0x3FC8]  }
0x92: {  	s4 =	sld [smem:$0x3FD0];
	(tm) =	ssettm $0x1  }
0x93: {  	s5 =	sld [smem:$0x3FFB];
	_ =	sdelay $0x3  }
0x94: {  	_ =	strace s5  }
0x95: {  	s5 =	sld [smem:$0x3FFC];
	_ =	sdelay $0x3  }
0x96: {  	_ =	strace s5  }
0x97: {  	s5 =	sld [smem:$0x3FFD];
	_ =	sdelay $0x3  }
0x98: {  	_ =	strace s5  }
0x99: {  	_ =	strace $0x8FFFFFFF  }
0x9a: {  	s20 =	sld [smem:$0x3FDB];
	_ =	sdelay $0x1  }
0x9b: {  	s6 =	simm.s32 $_scs_section_size  }
0x9c: {  	s7 =	simm.s32 $_size__tile_overlayer_lowered;
	s8 =	simm.s32 $_tile_overlayer_lowered  }
0x9d: {  	s23 =	simm.s32 $0x1BFF;
	s22 =	sshll.u32 s8, $0x1;
	s5 =	sadd.s32 s6, s20  }
0x9e: {  	s9 =	simm.s32 $0x0;
	s21 =	sshll.u32 s7, $0x1;
	s7 =	sadd.s32 s22, s5  }
0x9f: {  	[timem:s9], [sflag:s23] =	dma.local [hbm:s7], s21  }
0xa0: {  	_ =	swait.ge [sflag:s23], s21  }
0xa1: {  	s6 =	ssub.s32 $0x0, s21;
	[sflag:s23] =	ssyncset.done $0x0  }
0xa2: {  	[sflag:s23] =	ssyncadd.s32 s6;
	_ =	sdelay $0x1  }
0xa3: {  	s24 =	simm.s32 $0x1B8B  }
0xa4: {  	_ =	swait.ge [sflag:s24], $0x1  }
0xa5: {  	[sflag:s24] =	ssyncset.done $0x0  }
0xa6: {  	s25 =	simm.s32 $0x1B8E;
	[sflag:s24] =	ssyncadd.s32 $0xFFFFFFFF  }
0xa7: {  	s26 =	simm.s32 $execute0_lowered;
	[smem:$0x3FD2] =	sst s25  }
0xa8: {  	s6 =	sshll.u32 s26, $0x1;
	_ =	strace $0x80000046;
	[dreg:$0x1] =	wrdreg $0xFFFFFFFF  }
0xa9: {  	s28 =	simm.s32 $_size_execute0_lowered;
	s5 =	sadd.s32 s5, s6;
	[dreg:$0x0] =	wrdreg $0x0  }
0xaa: {  	s6 =	sshll.u32 s28, $0x1;
	[dreg:$0x2] =	wrdreg s5  }
0xab: {  	[dreg:$0x3] =	wrdreg s6  }
0xac: {  	[dreg:$0x4] =	wrdreg $0xC0  }
0xad: {  	_ =	task [dreg:s9], $0x5FFFF  }
0xae: {  	[dreg:$0x1] =	wrdreg $0xFFFFFFFF  }
0xaf: {  	[dreg:$0x0] =	wrdreg $0x60  }
0xb0: {  	[dreg:$0x2] =	wrdreg s2  }
0xb1: {  	[dreg:$0x3] =	wrdreg s19  }
0xb2: {  	[dreg:$0x4] =	wrdreg s4  }
0xb3: {  	[dreg:$0x5] =	wrdreg $0x9  }
0xb4: {  	_ =	task.clear_ibuf [dreg:s9], $0x6FFFF;
	_ =	strace $0x90000046  }
0xb5: {  	s29 =	simm.s32 $0x9;
	_ =	strace $0x80000048  }
0xb6: {  	_ =	swait.ge [sflag:s29], $0x1  }
0xb7: {  	[sflag:s29] =	ssyncadd.s32 $0xFFFFFFFF  }
0xb8: {  	_ =	strace $0x90000048  }
0xb9: {  	_ =	sfence  }
0xba: {  	s30 =	sld [smem:$0x0];
	_ =	sdelay $0x2  }
0xbb: {  	s31 =	sshll.u32 s1, $0xD;
	s1 =	sshrl.u32 s1, $0x2  }
0xbc: {  	s3 =	sand.u32 $0x4000, s31;
	s1 =	sadd.s32 s1, s30  }
0xbd: {  	s0 =	sor.u32 s3, s0;
	s1 =	sshll.u32 s1, $0x11  }
0xbe: {  	s0 =	sor.u32 s1, s0  }
0xbf: {  	s0 =	sadd.s32 $0x8F2B, s0  }
0xc0: {  	[sflag:s0] =	ssyncadd.remote.s32 $0x1  }
0xc1: {  	_ =	sfence.sel $0xFFFF  }
0xc2: {  	[dreg:$0x0] =	wrdreg $0xFFFFFFFF;
	(pc) =	sbr.abs _section_cstart, $3  }
0xc3: {  	[dreg:$0x1] =	wrdreg $0xFFFFFFFF  }
0xc4: {  	_ =	task.clear_ibuf [dreg:s9], $0x2FFFF;
	_ =	strace $0x9FFFFFFF  }
0xc5: {  	(tm) =	ssettm $0x7FFFFFFF  }
tec
execute0_lowered:
.L_overlay_start_1:
0x0: {  	(tag) =	ssettag $0x1  }
0x1: {  	s1 =	rddreg [dreg:$0x0]  }
0x2: {  	s2 =	rddreg [dreg:$0x1]  }
0x3: {  	s4 =	rddreg [dreg:$0x2];
	s6 =	stileid.u32  }
0x4: {  	s0 =	srdreg.scid;
	s3 =	simm.s32 $0x0;
	s5 =	sshll.u32 s6, $0x1  }
0x5: {  	s0 =	sand.u32 $0x1, s0;
	s6 =	sshrl.u32 s6, $0x2;
	s5 =	sand.u32 $0x6, s5  }
0x6: {  	s8 =	sshll.u32 s6, $0x4;
	s6 =	sshll.u32 s6, $0x13;
	s5 =	sor.u32 s0, s5  }
0x7: {  	s1 =	sadd.s32 s1, s8;
	s7 =	sshll.u32 s5, $0x10;
	s5 =	sshll.u32 s5, $0x8  }
0x8: {  	[smem:$0x7FF] =	sst s3;
	s6 =	sor.u32 s6, s7;
	s1 =	sadd.s32 s5, s1  }
0x9: {  	_ =	strace $0x80000047;
	s7 =	sadd.s32 s4, s6;
	[dreg:$0x4] =	wrdreg s1  }
0xa: {  	s20 =	sadd.s32 $0x800, s7;
	[smem:$0x7FB] =	sst s7  }
0xb: {  	s21 =	sadd.s32 $0x1000, s7;
	[dreg:$0x5] =	wrdreg s20  }
0xc: {  	s22 =	sadd.s32 $0x1800, s7;
	[dreg:$0x6] =	wrdreg s21  }
0xd: {  	s23 =	sadd.s32 $0x2000, s7;
	[dreg:$0x7] =	wrdreg s22  }
0xe: {  	s24 =	sadd.s32 $0x2800, s7;
	[dreg:$0x8] =	wrdreg s23  }
0xf: {  	s25 =	sadd.s32 $0x3000, s7;
	[dreg:$0x9] =	wrdreg s24  }
0x10: {  	s26 =	sadd.s32 $0x3800, s7;
	[dreg:$0xa] =	wrdreg s25  }
0x11: {  	s28 =	sadd.s32 $0x4000, s7;
	[dreg:$0xb] =	wrdreg s26  }
0x12: {  	s31 =	sadd.s32 $0x4800, s7;
	[dreg:$0xc] =	wrdreg s28  }
0x13: {  	s4 =	sadd.s32 $0x5000, s7;
	[dreg:$0xd] =	wrdreg s31  }
0x14: {  	s5 =	sadd.s32 $0x5800, s7;
	[dreg:$0xe] =	wrdreg s4  }
0x15: {  	s6 =	sadd.s32 $0x6000, s7;
	[dreg:$0xf] =	wrdreg s5  }
0x16: {  	s8 =	sadd.s32 $0x6800, s7;
	[dreg:$0x10] =	wrdreg s6  }
0x17: {  	s9 =	sadd.s32 $0x7000, s7;
	[dreg:$0x11] =	wrdreg s8  }
0x18: {  	s10 =	sadd.s32 $0x7800, s7;
	[dreg:$0x12] =	wrdreg s9  }
0x19: {  	s11 =	sadd.s32 $0x8000, s7;
	[dreg:$0x13] =	wrdreg s10  }
0x1a: {  	s12 =	sadd.s32 $0x8800, s7;
	[dreg:$0x14] =	wrdreg s11  }
0x1b: {  	s13 =	sadd.s32 $0x9000, s7;
	[dreg:$0x15] =	wrdreg s12  }
0x1c: {  	s14 =	sadd.s32 $0x9800, s7;
	[dreg:$0x16] =	wrdreg s13  }
0x1d: {  	s15 =	sadd.s32 $0xA000, s7;
	[dreg:$0x17] =	wrdreg s14  }
0x1e: {  	s16 =	sadd.s32 $0xA800, s7;
	[dreg:$0x18] =	wrdreg s15  }
0x1f: {  	s17 =	sadd.s32 $0xB000, s7;
	[dreg:$0x19] =	wrdreg s16  }
0x20: {  	s18 =	sadd.s32 $0xB800, s7;
	[dreg:$0x1a] =	wrdreg s17  }
0x21: {  	s30 =	simm.s32 $0x1;
	s19 =	sadd.s32 $0xC000, s7;
	[dreg:$0x1b] =	wrdreg s18  }
0x22: {  	s29 =	simm.s32 $0x2;
	s0 =	ssub.s32 $0x2, s0;
	[dreg:$0x1c] =	wrdreg s19  }
0x23: {  	s20 =	sadd.s32 $0xC800, s7;
	s21 =	sadd.s32 $0xD000, s7;
	s22 =	sadd.s32 $0xD800, s7  }
0x24: {  	s23 =	sshrl.u32 s0, $0x1;
	s24 =	sadd.s32 $0xE000, s7;
	s25 =	sadd.s32 $0xE800, s7  }
0x25: {  	s5 =	sadd.s32 $0x100, s2;
	s26 =	sadd.s32 $0xF000, s7;
	[dreg:$0x1d] =	wrdreg s20  }
0x26: {  	s6 =	sadd.s32 $0x200, s2;
	s28 =	sadd.s32 $0xF800, s7;
	[dreg:$0x1e] =	wrdreg s21  }
0x27: {  	s7 =	sadd.s32 $0x300, s2;
	s31 =	simm.s32 $0x80;
	[dreg:$0x1f] =	wrdreg s22  }
0x28: {  	s10 =	simm.s32 $0x8;
	s11 =	simm.s32 $0x4;
	[smem:$0x7F8] =	sst s24  }
0x29: {  	s12 =	simm.s32 $0x9;
	s13 =	simm.s32 $0x5;
	[smem:$0x7F9] =	sst s25  }
0x2a: {  	s14 =	simm.s32 $0xA;
	s15 =	simm.s32 $0x6;
	[smem:$0x7FA] =	sst s26  }
0x2b: {  	v2 =	vlaneseq.u32;
	s16 =	simm.s32 $0xB;
	s17 =	simm.s32 $0xC;
	[smem:$0x7FC] =	sst s28  }
0x2c: {  	vm0 =	vmmov $0xffff;
	v1 =	vshrl.u32 v2, $0x3;
	s0 =	ssub.s32 s0, s23;
	[smem:$0x7FD] =	sst s31;
	s23 =	simm.s32 $0x3  }
0x2d: {  	v0 =	vand.u32 $0x7, v2;
	v2 =	vor.u32 $0x8, v2;
	v1 =	vmul.u32 $0x8, v1;
	s24 =	simm.s32 $0x200;
	s4 =	smax.u32 s0, $0x1;
	s0 =	simm.s32 $0x7  }
.LBB2_1:
0x2e: {  	s20 =	sld [smem:$0x7FD]  }
0x2f: {  	[smem:$0x7F7] =	sst s4  }
0x30: {  	s19 =	rddreg [dreg:$0x4];
	s8 =	simm.s32 $0xD  }
0x31: {  	[tilespmem:s3], [sflag:$0xD] =	stream.strided.gather [hbm4b:s19+s20], $0x200, s24, s20, $0x38;
	[tilespmem:$0x18200] =	vst v63  }
0x32: {  	_ =	swait.ge [sflag:s8], $0x200  }
0x33: {  	[sflag:s8] =	ssyncset.done $0x0  }
0x34: {  	[sflag:s8] =	ssyncadd.s32 $0xFFFFFE00  }
0x35: {  	v3 =	vld [tilespmem:$0x0];
	_ =	sdelay $0x4  }
0x36: {  	v4 =	vshll.u32 v3, $0x3  }
0x37: {  	v3 =	vand.u32 $0x7, v3;
	v4 =	vand.u32 $0xFFFFFFC0, v4  }
0x38: {  	v3 =	vor.u32 v3, v4  }
0x39: {  	v4 =	vperm.xlane v3, v0;
	_ =	sdelay $0x1  }
0x3a: {  	v4 =	vadd.s32 v1, v4;
	_ =	sdelay $0x4  }
0x3b: {  	[tilespmem:s24], [sflag:$0x1] =	stream.indirect_vreg.gather [hbm4b:s2+s3], $0x80, v4, vm0, $0xb8;
	[tilespmem:$0x18200] =	vst v63  }
0x3c: {  	s9 =	simm.s32 $0xA00;
	v3 =	vperm.xlane v3, v2  }
0x3d: {  	[tilespmem:s9], [sflag:$0x1] =	stream.indirect_vreg.gather [hbm4b:s5+s3], $0x80, v4, vm0, $0xb8;
	[tilespmem:$0x18200] =	vst v63  }
0x3e: {  	s18 =	simm.s32 $0x1200;
	v3 =	vadd.s32 v1, v3  }
0x3f: {  	[tilespmem:s18], [sflag:$0x1] =	stream.indirect_vreg.gather [hbm4b:s6+s3], $0x80, v4, vm0, $0xb8;
	[tilespmem:$0x18200] =	vst v63  }
0x40: {  	s19 =	simm.s32 $0x1A00  }
0x41: {  	[tilespmem:s19], [sflag:$0x1] =	stream.indirect_vreg.gather [hbm4b:s7+s3], $0x80, v4, vm0, $0xb8;
	[tilespmem:$0x18200] =	vst v63  }
0x42: {  	s20 =	simm.s32 $0x2200  }
0x43: {  	[tilespmem:s20], [sflag:$0x1] =	stream.indirect_vreg.gather [hbm4b:s2+s3], $0x80, v3, vm0, $0xb8;
	[tilespmem:$0x18200] =	vst v63  }
0x44: {  	s21 =	simm.s32 $0x2A00  }
0x45: {  	[tilespmem:s21], [sflag:$0x1] =	stream.indirect_vreg.gather [hbm4b:s5+s3], $0x80, v3, vm0, $0xb8;
	[tilespmem:$0x18200] =	vst v63  }
0x46: {  	s26 =	simm.s32 $0x3200  }
0x47: {  	[tilespmem:s26], [sflag:$0x1] =	stream.indirect_vreg.gather [hbm4b:s6+s3], $0x80, v3, vm0, $0xb8;
	[tilespmem:$0x18200] =	vst v63  }
0x48: {  	s28 =	simm.s32 $0x3A00  }
0x49: {  	[tilespmem:s28], [sflag:$0x1] =	stream.indirect_vreg.gather [hbm4b:s7+s3], $0x80, v3, vm0, $0xb8;
	[tilespmem:$0x18200] =	vst v63  }
0x4a: {  	v3 =	vld [tilespmem:$0x10];
	_ =	sdelay $0x4  }
0x4b: {  	v33 =	vshll.u32 v3, $0x3  }
0x4c: {  	v3 =	vand.u32 $0x7, v3;
	v4 =	vand.u32 $0xFFFFFFC0, v33  }
0x4d: {  	v3 =	vor.u32 v3, v4  }
0x4e: {  	v4 =	vperm.xlane v3, v0;
	_ =	sdelay $0x1  }
0x4f: {  	v4 =	vadd.s32 v1, v4;
	_ =	sdelay $0x3  }
0x50: {  	s1 =	simm.s32 $0x4200  }
0x51: {  	[tilespmem:s1], [sflag:$0x2] =	stream.indirect_vreg.gather [hbm4b:s2+s3], $0x80, v4, vm0, $0xb8;
	[tilespmem:$0x18200] =	vst v63  }
0x52: {  	s31 =	simm.s32 $0x4A00;
	v3 =	vperm.xlane v3, v2  }
0x53: {  	[tilespmem:s31], [sflag:$0x2] =	stream.indirect_vreg.gather [hbm4b:s5+s3], $0x80, v4, vm0, $0xb8;
	[tilespmem:$0x18200] =	vst v63  }
0x54: {  	v3 =	vadd.s32 v1, v3;
	s1 =	simm.s32 $0x5200  }
0x55: {  	[tilespmem:s1], [sflag:$0x2] =	stream.indirect_vreg.gather [hbm4b:s6+s3], $0x80, v4, vm0, $0xb8;
	[tilespmem:$0x18200] =	vst v63  }
0x56: {  	s4 =	simm.s32 $0x5A00  }
0x57: {  	[tilespmem:s4], [sflag:$0x2] =	stream.indirect_vreg.gather [hbm4b:s7+s3], $0x80, v4, vm0, $0xb8;
	[tilespmem:$0x18200] =	vst v63  }
0x58: {  	s9 =	simm.s32 $0x6200  }
0x59: {  	[tilespmem:s9], [sflag:$0x2] =	stream.indirect_vreg.gather [hbm4b:s2+s3], $0x80, v3, vm0, $0xb8;
	[tilespmem:$0x18200] =	vst v63  }
0x5a: {  	s18 =	simm.s32 $0x6A00  }
0x5b: {  	[tilespmem:s18], [sflag:$0x2] =	stream.indirect_vreg.gather [hbm4b:s5+s3], $0x80, v3, vm0, $0xb8;
	[tilespmem:$0x18200] =	vst v63  }
0x5c: {  	s20 =	simm.s32 $0x7200  }
0x5d: {  	[tilespmem:s20], [sflag:$0x2] =	stream.indirect_vreg.gather [hbm4b:s6+s3], $0x80, v3, vm0, $0xb8;
	[tilespmem:$0x18200] =	vst v63  }
0x5e: {  	s26 =	simm.s32 $0x7A00  }
0x5f: {  	[tilespmem:s26], [sflag:$0x2] =	stream.indirect_vreg.gather [hbm4b:s7+s3], $0x80, v3, vm0, $0xb8;
	[tilespmem:$0x18200] =	vst v63  }
0x60: {  	v3 =	vld [tilespmem:$0x20];
	_ =	sdelay $0x4  }
0x61: {  	v34 =	vshll.u32 v3, $0x3  }
0x62: {  	v3 =	vand.u32 $0x7, v3;
	v4 =	vand.u32 $0xFFFFFFC0, v34  }
0x63: {  	v3 =	vor.u32 v3, v4  }
0x64: {  	v4 =	vperm.xlane v3, v0;
	_ =	sdelay $0x1  }
0x65: {  	v4 =	vadd.s32 v1, v4;
	_ =	sdelay $0x3  }
0x66: {  	s28 =	simm.s32 $0x8200  }
0x67: {  	[tilespmem:s28], [sflag:$0x3] =	stream.indirect_vreg.gather [hbm4b:s2+s3], $0x80, v4, vm0, $0xb8;
	[tilespmem:$0x18200] =	vst v63  }
0x68: {  	s31 =	simm.s32 $0x8A00;
	v3 =	vperm.xlane v3, v2  }
0x69: {  	[tilespmem:s31], [sflag:$0x3] =	stream.indirect_vreg.gather [hbm4b:s5+s3], $0x80, v4, vm0, $0xb8;
	[tilespmem:$0x18200] =	vst v63  }
0x6a: {  	s4 =	simm.s32 $0x9200;
	v3 =	vadd.s32 v1, v3  }
0x6b: {  	[tilespmem:s4], [sflag:$0x3] =	stream.indirect_vreg.gather [hbm4b:s6+s3], $0x80, v4, vm0, $0xb8;
	[tilespmem:$0x18200] =	vst v63  }
0x6c: {  	s9 =	simm.s32 $0x9A00  }
0x6d: {  	[tilespmem:s9], [sflag:$0x3] =	stream.indirect_vreg.gather [hbm4b:s7+s3], $0x80, v4, vm0, $0xb8;
	[tilespmem:$0x18200] =	vst v63  }
0x6e: {  	s18 =	simm.s32 $0xA200  }
0x6f: {  	[tilespmem:s18], [sflag:$0x3] =	stream.indirect_vreg.gather [hbm4b:s2+s3], $0x80, v3, vm0, $0xb8;
	[tilespmem:$0x18200] =	vst v63  }
0x70: {  	s19 =	simm.s32 $0xAA00  }
0x71: {  	[tilespmem:s19], [sflag:$0x3] =	stream.indirect_vreg.gather [hbm4b:s5+s3], $0x80, v3, vm0, $0xb8;
	[tilespmem:$0x18200] =	vst v63  }
0x72: {  	s20 =	simm.s32 $0xB200  }
0x73: {  	[tilespmem:s20], [sflag:$0x3] =	stream.indirect_vreg.gather [hbm4b:s6+s3], $0x80, v3, vm0, $0xb8;
	[tilespmem:$0x18200] =	vst v63  }
0x74: {  	s4 =	simm.s32 $0xBA00  }
0x75: {  	[tilespmem:s4], [sflag:$0x3] =	stream.indirect_vreg.gather [hbm4b:s7+s3], $0x80, v3, vm0, $0xb8;
	[tilespmem:$0x18200] =	vst v63  }
0x76: {  	v3 =	vld [tilespmem:$0x30];
	_ =	sdelay $0x4  }
0x77: {  	v35 =	vshll.u32 v3, $0x3  }
0x78: {  	v3 =	vand.u32 $0x7, v3;
	v4 =	vand.u32 $0xFFFFFFC0, v35  }
0x79: {  	v3 =	vor.u32 v3, v4  }
0x7a: {  	v4 =	vperm.xlane v3, v0;
	_ =	sdelay $0x1  }
0x7b: {  	v4 =	vadd.s32 v1, v4;
	_ =	sdelay $0x3  }
0x7c: {  	s9 =	simm.s32 $0xC200  }
0x7d: {  	[tilespmem:s9], [sflag:$0x4] =	stream.indirect_vreg.gather [hbm4b:s2+s3], $0x80, v4, vm0, $0xb8;
	[tilespmem:$0x18200] =	vst v63  }
0x7e: {  	s18 =	simm.s32 $0xCA00;
	v3 =	vperm.xlane v3, v2  }
0x7f: {  	[tilespmem:s18], [sflag:$0x4] =	stream.indirect_vreg.gather [hbm4b:s5+s3], $0x80, v4, vm0, $0xb8;
	[tilespmem:$0x18200] =	vst v63  }
0x80: {  	s19 =	simm.s32 $0xD200;
	v3 =	vadd.s32 v1, v3  }
0x81: {  	[tilespmem:s19], [sflag:$0x4] =	stream.indirect_vreg.gather [hbm4b:s6+s3], $0x80, v4, vm0, $0xb8;
	[tilespmem:$0x18200] =	vst v63  }
0x82: {  	s20 =	simm.s32 $0xDA00  }
0x83: {  	[tilespmem:s20], [sflag:$0x4] =	stream.indirect_vreg.gather [hbm4b:s7+s3], $0x80, v4, vm0, $0xb8;
	[tilespmem:$0x18200] =	vst v63  }
0x84: {  	s1 =	simm.s32 $0xE200  }
0x85: {  	[tilespmem:s1], [sflag:$0x4] =	stream.indirect_vreg.gather [hbm4b:s2+s3], $0x80, v3, vm0, $0xb8;
	[tilespmem:$0x18200] =	vst v63  }
0x86: {  	s9 =	simm.s32 $0xEA00  }
0x87: {  	[tilespmem:s9], [sflag:$0x4] =	stream.indirect_vreg.gather [hbm4b:s5+s3], $0x80, v3, vm0, $0xb8;
	[tilespmem:$0x18200] =	vst v63  }
0x88: {  	s18 =	simm.s32 $0xF200  }
0x89: {  	[tilespmem:s18], [sflag:$0x4] =	stream.indirect_vreg.gather [hbm4b:s6+s3], $0x80, v3, vm0, $0xb8;
	[tilespmem:$0x18200] =	vst v63  }
0x8a: {  	s19 =	simm.s32 $0xFA00  }
0x8b: {  	[tilespmem:s19], [sflag:$0x4] =	stream.indirect_vreg.gather [hbm4b:s7+s3], $0x80, v3, vm0, $0xb8;
	[tilespmem:$0x18200] =	vst v63  }
0x8c: {  	v3 =	vld [tilespmem:$0x40];
	_ =	sdelay $0x4  }
0x8d: {  	v36 =	vshll.u32 v3, $0x3  }
0x8e: {  	v3 =	vand.u32 $0x7, v3;
	v4 =	vand.u32 $0xFFFFFFC0, v36  }
0x8f: {  	v3 =	vor.u32 v3, v4  }
0x90: {  	v4 =	vperm.xlane v3, v0;
	_ =	sdelay $0x1  }
0x91: {  	v4 =	vadd.s32 v1, v4;
	_ =	sdelay $0x3  }
0x92: {  	s20 =	simm.s32 $0x10200  }
0x93: {  	[tilespmem:s20], [sflag:$0x5] =	stream.indirect_vreg.gather [hbm4b:s2+s3], $0x80, v4, vm0, $0xb8;
	[tilespmem:$0x18200] =	vst v63  }
0x94: {  	s18 =	simm.s32 $0x10A00;
	v3 =	vperm.xlane v3, v2  }
0x95: {  	[tilespmem:s18], [sflag:$0x5] =	stream.indirect_vreg.gather [hbm4b:s5+s3], $0x80, v4, vm0, $0xb8;
	[tilespmem:$0x18200] =	vst v63  }
0x96: {  	s1 =	simm.s32 $0x11200;
	v3 =	vadd.s32 v1, v3  }
0x97: {  	[tilespmem:s1], [sflag:$0x5] =	stream.indirect_vreg.gather [hbm4b:s6+s3], $0x80, v4, vm0, $0xb8;
	[tilespmem:$0x18200] =	vst v63  }
0x98: {  	s9 =	simm.s32 $0x11A00  }
0x99: {  	[tilespmem:s9], [sflag:$0x5] =	stream.indirect_vreg.gather [hbm4b:s7+s3], $0x80, v4, vm0, $0xb8;
	[tilespmem:$0x18200] =	vst v63  }
0x9a: {  	s19 =	simm.s32 $0x12200  }
0x9b: {  	[tilespmem:s19], [sflag:$0x5] =	stream.indirect_vreg.gather [hbm4b:s2+s3], $0x80, v3, vm0, $0xb8;
	[tilespmem:$0x18200] =	vst v63  }
0x9c: {  	s20 =	simm.s32 $0x12A00  }
0x9d: {  	[tilespmem:s20], [sflag:$0x5] =	stream.indirect_vreg.gather [hbm4b:s5+s3], $0x80, v3, vm0, $0xb8;
	[tilespmem:$0x18200] =	vst v63  }
0x9e: {  	s1 =	simm.s32 $0x13200  }
0x9f: {  	[tilespmem:s1], [sflag:$0x5] =	stream.indirect_vreg.gather [hbm4b:s6+s3], $0x80, v3, vm0, $0xb8;
	[tilespmem:$0x18200] =	vst v63  }
0xa0: {  	s9 =	simm.s32 $0x13A00  }
0xa1: {  	[tilespmem:s9], [sflag:$0x5] =	stream.indirect_vreg.gather [hbm4b:s7+s3], $0x80, v3, vm0, $0xb8;
	[tilespmem:$0x18200] =	vst v63  }
0xa2: {  	_ =	swait.ge [sflag:s30], $0x4000  }
0xa3: {  	[sflag:s30] =	ssyncset.done $0x0  }
0xa4: {  	[sflag:s30] =	ssyncadd.s32 $0xFFFFC000  }
0xa5: {  	v3 =	vld [tilespmem:$0x50];
	_ =	sdelay $0x4  }
0xa6: {  	v37 =	vshll.u32 v3, $0x3  }
0xa7: {  	v3 =	vand.u32 $0x7, v3;
	v4 =	vand.u32 $0xFFFFFFC0, v37  }
0xa8: {  	v3 =	vor.u32 v3, v4  }
0xa9: {  	v4 =	vperm.xlane v3, v0;
	_ =	sdelay $0x1  }
0xaa: {  	v4 =	vadd.s32 v1, v4;
	_ =	sdelay $0x3  }
0xab: {  	s9 =	simm.s32 $0x14200  }
0xac: {  	[tilespmem:s9], [sflag:$0x6] =	stream.indirect_vreg.gather [hbm4b:s2+s3], $0x80, v4, vm0, $0xb8;
	[tilespmem:$0x18200] =	vst v63  }
0xad: {  	s18 =	simm.s32 $0x14A00;
	v3 =	vperm.xlane v3, v2  }
0xae: {  	[tilespmem:s18], [sflag:$0x6] =	stream.indirect_vreg.gather [hbm4b:s5+s3], $0x80, v4, vm0, $0xb8;
	[tilespmem:$0x18200] =	vst v63  }
0xaf: {  	s20 =	simm.s32 $0x15200;
	v3 =	vadd.s32 v1, v3  }
0xb0: {  	[tilespmem:s20], [sflag:$0x6] =	stream.indirect_vreg.gather [hbm4b:s6+s3], $0x80, v4, vm0, $0xb8;
	[tilespmem:$0x18200] =	vst v63  }
0xb1: {  	s1 =	simm.s32 $0x15A00  }
0xb2: {  	[tilespmem:s1], [sflag:$0x6] =	stream.indirect_vreg.gather [hbm4b:s7+s3], $0x80, v4, vm0, $0xb8;
	[tilespmem:$0x18200] =	vst v63  }
0xb3: {  	s9 =	simm.s32 $0x16200  }
0xb4: {  	[tilespmem:s9], [sflag:$0x6] =	stream.indirect_vreg.gather [hbm4b:s2+s3], $0x80, v3, vm0, $0xb8;
	[tilespmem:$0x18200] =	vst v63  }
0xb5: {  	s18 =	simm.s32 $0x16A00  }
0xb6: {  	[tilespmem:s18], [sflag:$0x6] =	stream.indirect_vreg.gather [hbm4b:s5+s3], $0x80, v3, vm0, $0xb8;
	[tilespmem:$0x18200] =	vst v63  }
0xb7: {  	s20 =	simm.s32 $0x17200  }
0xb8: {  	[tilespmem:s20], [sflag:$0x6] =	stream.indirect_vreg.gather [hbm4b:s6+s3], $0x80, v3, vm0, $0xb8;
	[tilespmem:$0x18200] =	vst v63  }
0xb9: {  	s1 =	simm.s32 $0x17A00;
	s9 =	sld [smem:$0x7FB]  }
0xba: {  	[tilespmem:s1], [sflag:$0x6] =	stream.indirect_vreg.gather [hbm4b:s7+s3], $0x80, v3, vm0, $0xb8;
	[tilespmem:$0x18200] =	vst v63  }
0xbb: {  	_ = 	snop  }
0xbc: {  	[hbm4b:s9+s3] =	stream.linear.scatter [tilespmem:s24], [sflag:$0x7], $0x4000, $0x38;
	[tilespmem:$0x18200] =	vst v63  }
0xbd: {  	_ =	swait.ge [sflag:s29], $0x4000  }
0xbe: {  	[sflag:s29] =	ssyncset.done $0x0  }
0xbf: {  	[sflag:s29] =	ssyncadd.s32 $0xFFFFC000  }
0xc0: {  	_ =	swait.ge [sflag:s0], $0x4000  }
0xc1: {  	[sflag:s0] =	ssyncset.done $0x0  }
0xc2: {  	[sflag:s0] =	ssyncadd.s32 $0xFFFFC000  }
0xc3: {  	v3 =	vld [tilespmem:$0x60];
	_ =	sdelay $0x4  }
0xc4: {  	v38 =	vshll.u32 v3, $0x3  }
0xc5: {  	v3 =	vand.u32 $0x7, v3;
	v4 =	vand.u32 $0xFFFFFFC0, v38  }
0xc6: {  	v3 =	vor.u32 v3, v4  }
0xc7: {  	v4 =	vperm.xlane v3, v0;
	_ =	sdelay $0x1  }
0xc8: {  	v4 =	vadd.s32 v1, v4;
	_ =	sdelay $0x4  }
0xc9: {  	[tilespmem:s24], [sflag:$0x1] =	stream.indirect_vreg.gather [hbm4b:s2+s3], $0x80, v4, vm0, $0xb8;
	[tilespmem:$0x18200] =	vst v63  }
0xca: {  	s20 =	simm.s32 $0xA00;
	v3 =	vperm.xlane v3, v2  }
0xcb: {  	[tilespmem:s20], [sflag:$0x1] =	stream.indirect_vreg.gather [hbm4b:s5+s3], $0x80, v4, vm0, $0xb8;
	[tilespmem:$0x18200] =	vst v63  }
0xcc: {  	s25 =	simm.s32 $0x1200;
	v3 =	vadd.s32 v1, v3  }
0xcd: {  	[tilespmem:s25], [sflag:$0x1] =	stream.indirect_vreg.gather [hbm4b:s6+s3], $0x80, v4, vm0, $0xb8;
	[tilespmem:$0x18200] =	vst v63  }
0xce: {  	s19 =	simm.s32 $0x1A00  }
0xcf: {  	[tilespmem:s19], [sflag:$0x1] =	stream.indirect_vreg.gather [hbm4b:s7+s3], $0x80, v4, vm0, $0xb8;
	[tilespmem:$0x18200] =	vst v63  }
0xd0: {  	s22 =	simm.s32 $0x2200  }
0xd1: {  	[tilespmem:s22], [sflag:$0x1] =	stream.indirect_vreg.gather [hbm4b:s2+s3], $0x80, v3, vm0, $0xb8;
	[tilespmem:$0x18200] =	vst v63  }
0xd2: {  	s21 =	simm.s32 $0x2A00  }
0xd3: {  	[tilespmem:s21], [sflag:$0x1] =	stream.indirect_vreg.gather [hbm4b:s5+s3], $0x80, v3, vm0, $0xb8;
	[tilespmem:$0x18200] =	vst v63  }
0xd4: {  	s8 =	simm.s32 $0x3200  }
0xd5: {  	[tilespmem:s8], [sflag:$0x1] =	stream.indirect_vreg.gather [hbm4b:s6+s3], $0x80, v3, vm0, $0xb8;
	[tilespmem:$0x18200] =	vst v63  }
0xd6: {  	s22 =	simm.s32 $0x3A00  }
0xd7: {  	[tilespmem:s22], [sflag:$0x1] =	stream.indirect_vreg.gather [hbm4b:s7+s3], $0x80, v3, vm0, $0xb8;
	[tilespmem:$0x18200] =	vst v63  }
0xd8: {  	s25 =	simm.s32 $0x4200;
	s21 =	rddreg [dreg:$0x5]  }
0xd9: {  	[hbm4b:s21+s3] =	stream.linear.scatter [tilespmem:s25], [sflag:$0x8], $0x4000, $0x38;
	[tilespmem:$0x18200] =	vst v63  }
0xda: {  	_ =	swait.ge [sflag:s23], $0x4000  }
0xdb: {  	[sflag:s23] =	ssyncset.done $0x0  }
0xdc: {  	[sflag:s23] =	ssyncadd.s32 $0xFFFFC000  }
0xdd: {  	_ =	swait.ge [sflag:s10], $0x4000  }
0xde: {  	[sflag:s10] =	ssyncset.done $0x0  }
0xdf: {  	[sflag:s10] =	ssyncadd.s32 $0xFFFFC000  }
0xe0: {  	v3 =	vld [tilespmem:$0x70];
	_ =	sdelay $0x4  }
0xe1: {  	v39 =	vshll.u32 v3, $0x3  }
0xe2: {  	v3 =	vand.u32 $0x7, v3;
	v4 =	vand.u32 $0xFFFFFFC0, v39  }
0xe3: {  	v3 =	vor.u32 v3, v4  }
0xe4: {  	v4 =	vperm.xlane v3, v0;
	_ =	sdelay $0x1  }
0xe5: {  	v4 =	vadd.s32 v1, v4;
	_ =	sdelay $0x4  }
0xe6: {  	[tilespmem:s25], [sflag:$0x2] =	stream.indirect_vreg.gather [hbm4b:s2+s3], $0x80, v4, vm0, $0xb8;
	[tilespmem:$0x18200] =	vst v63  }
0xe7: {  	s8 =	simm.s32 $0x4A00;
	v3 =	vperm.xlane v3, v2  }
0xe8: {  	[tilespmem:s8], [sflag:$0x2] =	stream.indirect_vreg.gather [hbm4b:s5+s3], $0x80, v4, vm0, $0xb8;
	[tilespmem:$0x18200] =	vst v63  }
0xe9: {  	s9 =	simm.s32 $0x5200;
	v3 =	vadd.s32 v1, v3  }
0xea: {  	[tilespmem:s9], [sflag:$0x2] =	stream.indirect_vreg.gather [hbm4b:s6+s3], $0x80, v4, vm0, $0xb8;
	[tilespmem:$0x18200] =	vst v63  }
0xeb: {  	s19 =	simm.s32 $0x5A00  }
0xec: {  	[tilespmem:s19], [sflag:$0x2] =	stream.indirect_vreg.gather [hbm4b:s7+s3], $0x80, v4, vm0, $0xb8;
	[tilespmem:$0x18200] =	vst v63  }
0xed: {  	s21 =	simm.s32 $0x6200  }
0xee: {  	[tilespmem:s21], [sflag:$0x2] =	stream.indirect_vreg.gather [hbm4b:s2+s3], $0x80, v3, vm0, $0xb8;
	[tilespmem:$0x18200] =	vst v63  }
0xef: {  	s22 =	simm.s32 $0x6A00  }
0xf0: {  	[tilespmem:s22], [sflag:$0x2] =	stream.indirect_vreg.gather [hbm4b:s5+s3], $0x80, v3, vm0, $0xb8;
	[tilespmem:$0x18200] =	vst v63  }
0xf1: {  	s25 =	simm.s32 $0x7200  }
0xf2: {  	[tilespmem:s25], [sflag:$0x2] =	stream.indirect_vreg.gather [hbm4b:s6+s3], $0x80, v3, vm0, $0xb8;
	[tilespmem:$0x18200] =	vst v63  }
0xf3: {  	s9 =	simm.s32 $0x7A00  }
0xf4: {  	[tilespmem:s9], [sflag:$0x2] =	stream.indirect_vreg.gather [hbm4b:s7+s3], $0x80, v3, vm0, $0xb8;
	[tilespmem:$0x18200] =	vst v63  }
0xf5: {  	s8 =	rddreg [dreg:$0x6];
	s21 =	simm.s32 $0x8200  }
0xf6: {  	[hbm4b:s8+s3] =	stream.linear.scatter [tilespmem:s21], [sflag:$0x9], $0x4000, $0x38;
	[tilespmem:$0x18200] =	vst v63  }
0xf7: {  	_ =	swait.ge [sflag:s11], $0x4000  }
0xf8: {  	[sflag:s11] =	ssyncset.done $0x0  }
0xf9: {  	[sflag:s11] =	ssyncadd.s32 $0xFFFFC000  }
0xfa: {  	_ =	swait.ge [sflag:s12], $0x4000  }
0xfb: {  	[sflag:s12] =	ssyncset.done $0x0  }
0xfc: {  	[sflag:s12] =	ssyncadd.s32 $0xFFFFC000  }
0xfd: {  	v3 =	vld [tilespmem:$0x80];
	_ =	sdelay $0x4  }
0xfe: {  	v40 =	vshll.u32 v3, $0x3  }
0xff: {  	v3 =	vand.u32 $0x7, v3;
	v4 =	vand.u32 $0xFFFFFFC0, v40  }
0x100: {  	v3 =	vor.u32 v3, v4  }
0x101: {  	v4 =	vperm.xlane v3, v0;
	_ =	sdelay $0x1  }
0x102: {  	v4 =	vadd.s32 v1, v4;
	_ =	sdelay $0x4  }
0x103: {  	[tilespmem:s21], [sflag:$0x3] =	stream.indirect_vreg.gather [hbm4b:s2+s3], $0x80, v4, vm0, $0xb8;
	[tilespmem:$0x18200] =	vst v63  }
0x104: {  	s26 =	simm.s32 $0x8A00;
	v3 =	vperm.xlane v3, v2  }
0x105: {  	[tilespmem:s26], [sflag:$0x3] =	stream.indirect_vreg.gather [hbm4b:s5+s3], $0x80, v4, vm0, $0xb8;
	[tilespmem:$0x18200] =	vst v63  }
0x106: {  	s22 =	simm.s32 $0x9200;
	v3 =	vadd.s32 v1, v3  }
0x107: {  	[tilespmem:s22], [sflag:$0x3] =	stream.indirect_vreg.gather [hbm4b:s6+s3], $0x80, v4, vm0, $0xb8;
	[tilespmem:$0x18200] =	vst v63  }
0x108: {  	s28 =	simm.s32 $0x9A00  }
0x109: {  	[tilespmem:s28], [sflag:$0x3] =	stream.indirect_vreg.gather [hbm4b:s7+s3], $0x80, v4, vm0, $0xb8;
	[tilespmem:$0x18200] =	vst v63  }
0x10a: {  	s31 =	simm.s32 $0xA200  }
0x10b: {  	[tilespmem:s31], [sflag:$0x3] =	stream.indirect_vreg.gather [hbm4b:s2+s3], $0x80, v3, vm0, $0xb8;
	[tilespmem:$0x18200] =	vst v63  }
0x10c: {  	s25 =	simm.s32 $0xAA00  }
0x10d: {  	[tilespmem:s25], [sflag:$0x3] =	stream.indirect_vreg.gather [hbm4b:s5+s3], $0x80, v3, vm0, $0xb8;
	[tilespmem:$0x18200] =	vst v63  }
0x10e: {  	s26 =	simm.s32 $0xB200  }
0x10f: {  	[tilespmem:s26], [sflag:$0x3] =	stream.indirect_vreg.gather [hbm4b:s6+s3], $0x80, v3, vm0, $0xb8;
	[tilespmem:$0x18200] =	vst v63  }
0x110: {  	s31 =	simm.s32 $0xBA00  }
0x111: {  	[tilespmem:s31], [sflag:$0x3] =	stream.indirect_vreg.gather [hbm4b:s7+s3], $0x80, v3, vm0, $0xb8;
	[tilespmem:$0x18200] =	vst v63  }
0x112: {  	s8 =	simm.s32 $0xC200;
	s28 =	rddreg [dreg:$0x7]  }
0x113: {  	[hbm4b:s28+s3] =	stream.linear.scatter [tilespmem:s8], [sflag:$0xA], $0x4000, $0x38;
	[tilespmem:$0x18200] =	vst v63  }
0x114: {  	_ =	swait.ge [sflag:s13], $0x4000  }
0x115: {  	[sflag:s13] =	ssyncset.done $0x0  }
0x116: {  	[sflag:s13] =	ssyncadd.s32 $0xFFFFC000  }
0x117: {  	_ =	swait.ge [sflag:s14], $0x4000  }
0x118: {  	[sflag:s14] =	ssyncset.done $0x0  }
0x119: {  	[sflag:s14] =	ssyncadd.s32 $0xFFFFC000  }
0x11a: {  	v3 =	vld [tilespmem:$0x90];
	_ =	sdelay $0x4  }
0x11b: {  	v41 =	vshll.u32 v3, $0x3  }
0x11c: {  	v3 =	vand.u32 $0x7, v3;
	v4 =	vand.u32 $0xFFFFFFC0, v41  }
0x11d: {  	v3 =	vor.u32 v3, v4  }
0x11e: {  	v4 =	vperm.xlane v3, v0;
	_ =	sdelay $0x1  }
0x11f: {  	v4 =	vadd.s32 v1, v4;
	_ =	sdelay $0x4  }
0x120: {  	[tilespmem:s8], [sflag:$0x4] =	stream.indirect_vreg.gather [hbm4b:s2+s3], $0x80, v4, vm0, $0xb8;
	[tilespmem:$0x18200] =	vst v63  }
0x121: {  	s9 =	simm.s32 $0xCA00;
	v3 =	vperm.xlane v3, v2  }
0x122: {  	[tilespmem:s9], [sflag:$0x4] =	stream.indirect_vreg.gather [hbm4b:s5+s3], $0x80, v4, vm0, $0xb8;
	[tilespmem:$0x18200] =	vst v63  }
0x123: {  	s19 =	simm.s32 $0xD200;
	v3 =	vadd.s32 v1, v3  }
0x124: {  	[tilespmem:s19], [sflag:$0x4] =	stream.indirect_vreg.gather [hbm4b:s6+s3], $0x80, v4, vm0, $0xb8;
	[tilespmem:$0x18200] =	vst v63  }
0x125: {  	s28 =	simm.s32 $0xDA00  }
0x126: {  	[tilespmem:s28], [sflag:$0x4] =	stream.indirect_vreg.gather [hbm4b:s7+s3], $0x80, v4, vm0, $0xb8;
	[tilespmem:$0x18200] =	vst v63  }
0x127: {  	s31 =	simm.s32 $0xE200  }
0x128: {  	[tilespmem:s31], [sflag:$0x4] =	stream.indirect_vreg.gather [hbm4b:s2+s3], $0x80, v3, vm0, $0xb8;
	[tilespmem:$0x18200] =	vst v63  }
0x129: {  	s9 =	simm.s32 $0xEA00  }
0x12a: {  	[tilespmem:s9], [sflag:$0x4] =	stream.indirect_vreg.gather [hbm4b:s5+s3], $0x80, v3, vm0, $0xb8;
	[tilespmem:$0x18200] =	vst v63  }
0x12b: {  	s22 =	simm.s32 $0xF200  }
0x12c: {  	[tilespmem:s22], [sflag:$0x4] =	stream.indirect_vreg.gather [hbm4b:s6+s3], $0x80, v3, vm0, $0xb8;
	[tilespmem:$0x18200] =	vst v63  }
0x12d: {  	s26 =	simm.s32 $0xFA00  }
0x12e: {  	[tilespmem:s26], [sflag:$0x4] =	stream.indirect_vreg.gather [hbm4b:s7+s3], $0x80, v3, vm0, $0xb8;
	[tilespmem:$0x18200] =	vst v63  }
0x12f: {  	s1 =	simm.s32 $0x10200;
	s25 =	rddreg [dreg:$0x8]  }
0x130: {  	[hbm4b:s25+s3] =	stream.linear.scatter [tilespmem:s1], [sflag:$0xB], $0x4000, $0x38;
	[tilespmem:$0x18200] =	vst v63  }
0x131: {  	_ =	swait.ge [sflag:s15], $0x4000  }
0x132: {  	[sflag:s15] =	ssyncset.done $0x0  }
0x133: {  	[sflag:s15] =	ssyncadd.s32 $0xFFFFC000  }
0x134: {  	_ =	swait.ge [sflag:s16], $0x4000  }
0x135: {  	[sflag:s16] =	ssyncset.done $0x0  }
0x136: {  	[sflag:s16] =	ssyncadd.s32 $0xFFFFC000  }
0x137: {  	v3 =	vld [tilespmem:$0xA0];
	_ =	sdelay $0x4  }
0x138: {  	v42 =	vshll.u32 v3, $0x3  }
0x139: {  	v3 =	vand.u32 $0x7, v3;
	v4 =	vand.u32 $0xFFFFFFC0, v42  }
0x13a: {  	v3 =	vor.u32 v3, v4  }
0x13b: {  	v4 =	vperm.xlane v3, v0;
	_ =	sdelay $0x1  }
0x13c: {  	v4 =	vadd.s32 v1, v4;
	_ =	sdelay $0x4  }
0x13d: {  	[tilespmem:s1], [sflag:$0x5] =	stream.indirect_vreg.gather [hbm4b:s2+s3], $0x80, v4, vm0, $0xb8;
	[tilespmem:$0x18200] =	vst v63  }
0x13e: {  	s4 =	simm.s32 $0x10A00;
	v3 =	vperm.xlane v3, v2  }
0x13f: {  	[tilespmem:s4], [sflag:$0x5] =	stream.indirect_vreg.gather [hbm4b:s5+s3], $0x80, v4, vm0, $0xb8;
	[tilespmem:$0x18200] =	vst v63  }
0x140: {  	v3 =	vadd.s32 v1, v3;
	s4 =	simm.s32 $0x11200  }
0x141: {  	[tilespmem:s4], [sflag:$0x5] =	stream.indirect_vreg.gather [hbm4b:s6+s3], $0x80, v4, vm0, $0xb8;
	[tilespmem:$0x18200] =	vst v63  }
0x142: {  	s22 =	simm.s32 $0x11A00  }
0x143: {  	[tilespmem:s22], [sflag:$0x5] =	stream.indirect_vreg.gather [hbm4b:s7+s3], $0x80, v4, vm0, $0xb8;
	[tilespmem:$0x18200] =	vst v63  }
0x144: {  	s8 =	simm.s32 $0x12200  }
0x145: {  	[tilespmem:s8], [sflag:$0x5] =	stream.indirect_vreg.gather [hbm4b:s2+s3], $0x80, v3, vm0, $0xb8;
	[tilespmem:$0x18200] =	vst v63  }
0x146: {  	s8 =	simm.s32 $0x12A00  }
0x147: {  	[tilespmem:s8], [sflag:$0x5] =	stream.indirect_vreg.gather [hbm4b:s5+s3], $0x80, v3, vm0, $0xb8;
	[tilespmem:$0x18200] =	vst v63  }
0x148: {  	s25 =	simm.s32 $0x13200  }
0x149: {  	[tilespmem:s25], [sflag:$0x5] =	stream.indirect_vreg.gather [hbm4b:s6+s3], $0x80, v3, vm0, $0xb8;
	[tilespmem:$0x18200] =	vst v63  }
0x14a: {  	s1 =	simm.s32 $0x13A00  }
0x14b: {  	[tilespmem:s1], [sflag:$0x5] =	stream.indirect_vreg.gather [hbm4b:s7+s3], $0x80, v3, vm0, $0xb8;
	[tilespmem:$0x18200] =	vst v63  }
0x14c: {  	s19 =	rddreg [dreg:$0x9];
	s1 =	simm.s32 $0x14200  }
0x14d: {  	[hbm4b:s19+s3] =	stream.linear.scatter [tilespmem:s1], [sflag:$0xC], $0x4000, $0x38;
	[tilespmem:$0x18200] =	vst v63  }
0x14e: {  	_ =	swait.ge [sflag:s30], $0x4000  }
0x14f: {  	[sflag:s30] =	ssyncset.done $0x0  }
0x150: {  	[sflag:s30] =	ssyncadd.s32 $0xFFFFC000  }
0x151: {  	_ =	swait.ge [sflag:s17], $0x4000  }
0x152: {  	[sflag:s17] =	ssyncset.done $0x0  }
0x153: {  	[sflag:s17] =	ssyncadd.s32 $0xFFFFC000  }
0x154: {  	v3 =	vld [tilespmem:$0xB0];
	_ =	sdelay $0x4  }
0x155: {  	v43 =	vshll.u32 v3, $0x3  }
0x156: {  	v3 =	vand.u32 $0x7, v3;
	v4 =	vand.u32 $0xFFFFFFC0, v43  }
0x157: {  	v3 =	vor.u32 v3, v4  }
0x158: {  	v4 =	vperm.xlane v3, v0;
	_ =	sdelay $0x1  }
0x159: {  	v4 =	vadd.s32 v1, v4;
	_ =	sdelay $0x4  }
0x15a: {  	[tilespmem:s1], [sflag:$0x6] =	stream.indirect_vreg.gather [hbm4b:s2+s3], $0x80, v4, vm0, $0xb8;
	[tilespmem:$0x18200] =	vst v63  }
0x15b: {  	s19 =	simm.s32 $0x14A00;
	v3 =	vperm.xlane v3, v2  }
0x15c: {  	[tilespmem:s19], [sflag:$0x6] =	stream.indirect_vreg.gather [hbm4b:s5+s3], $0x80, v4, vm0, $0xb8;
	[tilespmem:$0x18200] =	vst v63  }
0x15d: {  	v3 =	vadd.s32 v1, v3;
	s19 =	simm.s32 $0x15200  }
0x15e: {  	[tilespmem:s19], [sflag:$0x6] =	stream.indirect_vreg.gather [hbm4b:s6+s3], $0x80, v4, vm0, $0xb8;
	[tilespmem:$0x18200] =	vst v63  }
0x15f: {  	s19 =	simm.s32 $0x15A00  }
0x160: {  	[tilespmem:s19], [sflag:$0x6] =	stream.indirect_vreg.gather [hbm4b:s7+s3], $0x80, v4, vm0, $0xb8;
	[tilespmem:$0x18200] =	vst v63  }
0x161: {  	s19 =	simm.s32 $0x16200  }
0x162: {  	[tilespmem:s19], [sflag:$0x6] =	stream.indirect_vreg.gather [hbm4b:s2+s3], $0x80, v3, vm0, $0xb8;
	[tilespmem:$0x18200] =	vst v63  }
0x163: {  	s19 =	simm.s32 $0x16A00  }
0x164: {  	[tilespmem:s19], [sflag:$0x6] =	stream.indirect_vreg.gather [hbm4b:s5+s3], $0x80, v3, vm0, $0xb8;
	[tilespmem:$0x18200] =	vst v63  }
0x165: {  	s19 =	simm.s32 $0x17200  }
0x166: {  	[tilespmem:s19], [sflag:$0x6] =	stream.indirect_vreg.gather [hbm4b:s6+s3], $0x80, v3, vm0, $0xb8;
	[tilespmem:$0x18200] =	vst v63  }
0x167: {  	s18 =	simm.s32 $0x17A00  }
0x168: {  	[tilespmem:s18], [sflag:$0x6] =	stream.indirect_vreg.gather [hbm4b:s7+s3], $0x80, v3, vm0, $0xb8;
	[tilespmem:$0x18200] =	vst v63  }
0x169: {  	s1 =	rddreg [dreg:$0xa]  }
0x16a: {  	[hbm4b:s1+s3] =	stream.linear.scatter [tilespmem:s24], [sflag:$0x7], $0x4000, $0x38;
	[tilespmem:$0x18200] =	vst v63  }
0x16b: {  	_ =	swait.ge [sflag:s29], $0x4000  }
0x16c: {  	[sflag:s29] =	ssyncset.done $0x0  }
0x16d: {  	[sflag:s29] =	ssyncadd.s32 $0xFFFFC000  }
0x16e: {  	_ =	swait.ge [sflag:s0], $0x4000  }
0x16f: {  	[sflag:s0] =	ssyncset.done $0x0  }
0x170: {  	[sflag:s0] =	ssyncadd.s32 $0xFFFFC000  }
0x171: {  	v3 =	vld [tilespmem:$0xC0];
	_ =	sdelay $0x4  }
0x172: {  	v44 =	vshll.u32 v3, $0x3  }
0x173: {  	v3 =	vand.u32 $0x7, v3;
	v4 =	vand.u32 $0xFFFFFFC0, v44  }
0x174: {  	v3 =	vor.u32 v3, v4  }
0x175: {  	v4 =	vperm.xlane v3, v0;
	_ =	sdelay $0x1  }
0x176: {  	v4 =	vadd.s32 v1, v4;
	_ =	sdelay $0x4  }
0x177: {  	[tilespmem:s24], [sflag:$0x1] =	stream.indirect_vreg.gather [hbm4b:s2+s3], $0x80, v4, vm0, $0xb8;
	[tilespmem:$0x18200] =	vst v63  }
0x178: {  	v3 =	vperm.xlane v3, v2  }
0x179: {  	[tilespmem:s20], [sflag:$0x1] =	stream.indirect_vreg.gather [hbm4b:s5+s3], $0x80, v4, vm0, $0xb8;
	[tilespmem:$0x18200] =	vst v63  }
0x17a: {  	s18 =	simm.s32 $0x1200;
	v3 =	vadd.s32 v1, v3  }
0x17b: {  	[tilespmem:s18], [sflag:$0x1] =	stream.indirect_vreg.gather [hbm4b:s6+s3], $0x80, v4, vm0, $0xb8;
	[tilespmem:$0x18200] =	vst v63  }
0x17c: {  	s19 =	simm.s32 $0x1A00  }
0x17d: {  	[tilespmem:s19], [sflag:$0x1] =	stream.indirect_vreg.gather [hbm4b:s7+s3], $0x80, v4, vm0, $0xb8;
	[tilespmem:$0x18200] =	vst v63  }
0x17e: {  	s20 =	simm.s32 $0x2200  }
0x17f: {  	[tilespmem:s20], [sflag:$0x1] =	stream.indirect_vreg.gather [hbm4b:s2+s3], $0x80, v3, vm0, $0xb8;
	[tilespmem:$0x18200] =	vst v63  }
0x180: {  	s18 =	simm.s32 $0x2A00  }
0x181: {  	[tilespmem:s18], [sflag:$0x1] =	stream.indirect_vreg.gather [hbm4b:s5+s3], $0x80, v3, vm0, $0xb8;
	[tilespmem:$0x18200] =	vst v63  }
0x182: {  	s19 =	simm.s32 $0x3200  }
0x183: {  	[tilespmem:s19], [sflag:$0x1] =	stream.indirect_vreg.gather [hbm4b:s6+s3], $0x80, v3, vm0, $0xb8;
	[tilespmem:$0x18200] =	vst v63  }
0x184: {  	s20 =	simm.s32 $0x3A00  }
0x185: {  	[tilespmem:s20], [sflag:$0x1] =	stream.indirect_vreg.gather [hbm4b:s7+s3], $0x80, v3, vm0, $0xb8;
	[tilespmem:$0x18200] =	vst v63  }
0x186: {  	s18 =	simm.s32 $0x4200;
	s19 =	rddreg [dreg:$0xb]  }
0x187: {  	[hbm4b:s19+s3] =	stream.linear.scatter [tilespmem:s18], [sflag:$0x8], $0x4000, $0x38;
	[tilespmem:$0x18200] =	vst v63  }
0x188: {  	_ =	swait.ge [sflag:s23], $0x4000  }
0x189: {  	[sflag:s23] =	ssyncset.done $0x0  }
0x18a: {  	[sflag:s23] =	ssyncadd.s32 $0xFFFFC000  }
0x18b: {  	_ =	swait.ge [sflag:s10], $0x4000  }
0x18c: {  	[sflag:s10] =	ssyncset.done $0x0  }
0x18d: {  	[sflag:s10] =	ssyncadd.s32 $0xFFFFC000  }
0x18e: {  	v3 =	vld [tilespmem:$0xD0];
	_ =	sdelay $0x4  }
0x18f: {  	v45 =	vshll.u32 v3, $0x3  }
0x190: {  	v3 =	vand.u32 $0x7, v3;
	v4 =	vand.u32 $0xFFFFFFC0, v45  }
0x191: {  	v3 =	vor.u32 v3, v4  }
0x192: {  	v4 =	vperm.xlane v3, v0;
	_ =	sdelay $0x1  }
0x193: {  	v4 =	vadd.s32 v1, v4;
	_ =	sdelay $0x4  }
0x194: {  	[tilespmem:s18], [sflag:$0x2] =	stream.indirect_vreg.gather [hbm4b:s2+s3], $0x80, v4, vm0, $0xb8;
	[tilespmem:$0x18200] =	vst v63  }
0x195: {  	s20 =	simm.s32 $0x4A00;
	v3 =	vperm.xlane v3, v2  }
0x196: {  	[tilespmem:s20], [sflag:$0x2] =	stream.indirect_vreg.gather [hbm4b:s5+s3], $0x80, v4, vm0, $0xb8;
	[tilespmem:$0x18200] =	vst v63  }
0x197: {  	v3 =	vadd.s32 v1, v3;
	s18 =	simm.s32 $0x5200  }
0x198: {  	[tilespmem:s18], [sflag:$0x2] =	stream.indirect_vreg.gather [hbm4b:s6+s3], $0x80, v4, vm0, $0xb8;
	[tilespmem:$0x18200] =	vst v63  }
0x199: {  	s19 =	simm.s32 $0x5A00  }
0x19a: {  	[tilespmem:s19], [sflag:$0x2] =	stream.indirect_vreg.gather [hbm4b:s7+s3], $0x80, v4, vm0, $0xb8;
	[tilespmem:$0x18200] =	vst v63  }
0x19b: {  	s20 =	simm.s32 $0x6200  }
0x19c: {  	[tilespmem:s20], [sflag:$0x2] =	stream.indirect_vreg.gather [hbm4b:s2+s3], $0x80, v3, vm0, $0xb8;
	[tilespmem:$0x18200] =	vst v63  }
0x19d: {  	s18 =	simm.s32 $0x6A00  }
0x19e: {  	[tilespmem:s18], [sflag:$0x2] =	stream.indirect_vreg.gather [hbm4b:s5+s3], $0x80, v3, vm0, $0xb8;
	[tilespmem:$0x18200] =	vst v63  }
0x19f: {  	s19 =	simm.s32 $0x7200  }
0x1a0: {  	[tilespmem:s19], [sflag:$0x2] =	stream.indirect_vreg.gather [hbm4b:s6+s3], $0x80, v3, vm0, $0xb8;
	[tilespmem:$0x18200] =	vst v63  }
0x1a1: {  	s20 =	simm.s32 $0x7A00  }
0x1a2: {  	[tilespmem:s20], [sflag:$0x2] =	stream.indirect_vreg.gather [hbm4b:s7+s3], $0x80, v3, vm0, $0xb8;
	[tilespmem:$0x18200] =	vst v63  }
0x1a3: {  	s18 =	simm.s32 $0x8200;
	s19 =	rddreg [dreg:$0xc]  }
0x1a4: {  	[hbm4b:s19+s3] =	stream.linear.scatter [tilespmem:s18], [sflag:$0x9], $0x4000, $0x38;
	[tilespmem:$0x18200] =	vst v63  }
0x1a5: {  	_ =	swait.ge [sflag:s11], $0x4000  }
0x1a6: {  	[sflag:s11] =	ssyncset.done $0x0  }
0x1a7: {  	[sflag:s11] =	ssyncadd.s32 $0xFFFFC000  }
0x1a8: {  	_ =	swait.ge [sflag:s12], $0x4000  }
0x1a9: {  	[sflag:s12] =	ssyncset.done $0x0  }
0x1aa: {  	[sflag:s12] =	ssyncadd.s32 $0xFFFFC000  }
0x1ab: {  	v3 =	vld [tilespmem:$0xE0];
	_ =	sdelay $0x4  }
0x1ac: {  	v46 =	vshll.u32 v3, $0x3  }
0x1ad: {  	v3 =	vand.u32 $0x7, v3;
	v4 =	vand.u32 $0xFFFFFFC0, v46  }
0x1ae: {  	v3 =	vor.u32 v3, v4  }
0x1af: {  	v4 =	vperm.xlane v3, v0;
	_ =	sdelay $0x1  }
0x1b0: {  	v4 =	vadd.s32 v1, v4;
	_ =	sdelay $0x4  }
0x1b1: {  	[tilespmem:s18], [sflag:$0x3] =	stream.indirect_vreg.gather [hbm4b:s2+s3], $0x80, v4, vm0, $0xb8;
	[tilespmem:$0x18200] =	vst v63  }
0x1b2: {  	s20 =	simm.s32 $0x8A00;
	v3 =	vperm.xlane v3, v2  }
0x1b3: {  	[tilespmem:s20], [sflag:$0x3] =	stream.indirect_vreg.gather [hbm4b:s5+s3], $0x80, v4, vm0, $0xb8;
	[tilespmem:$0x18200] =	vst v63  }
0x1b4: {  	s19 =	simm.s32 $0x9200;
	v3 =	vadd.s32 v1, v3  }
0x1b5: {  	[tilespmem:s19], [sflag:$0x3] =	stream.indirect_vreg.gather [hbm4b:s6+s3], $0x80, v4, vm0, $0xb8;
	[tilespmem:$0x18200] =	vst v63  }
0x1b6: {  	s20 =	simm.s32 $0x9A00  }
0x1b7: {  	[tilespmem:s20], [sflag:$0x3] =	stream.indirect_vreg.gather [hbm4b:s7+s3], $0x80, v4, vm0, $0xb8;
	[tilespmem:$0x18200] =	vst v63  }
0x1b8: {  	s19 =	simm.s32 $0xA200  }
0x1b9: {  	[tilespmem:s19], [sflag:$0x3] =	stream.indirect_vreg.gather [hbm4b:s2+s3], $0x80, v3, vm0, $0xb8;
	[tilespmem:$0x18200] =	vst v63  }
0x1ba: {  	s20 =	simm.s32 $0xAA00  }
0x1bb: {  	[tilespmem:s20], [sflag:$0x3] =	stream.indirect_vreg.gather [hbm4b:s5+s3], $0x80, v3, vm0, $0xb8;
	[tilespmem:$0x18200] =	vst v63  }
0x1bc: {  	s19 =	simm.s32 $0xB200  }
0x1bd: {  	[tilespmem:s19], [sflag:$0x3] =	stream.indirect_vreg.gather [hbm4b:s6+s3], $0x80, v3, vm0, $0xb8;
	[tilespmem:$0x18200] =	vst v63  }
0x1be: {  	s21 =	simm.s32 $0xBA00  }
0x1bf: {  	[tilespmem:s21], [sflag:$0x3] =	stream.indirect_vreg.gather [hbm4b:s7+s3], $0x80, v3, vm0, $0xb8;
	[tilespmem:$0x18200] =	vst v63  }
0x1c0: {  	s18 =	simm.s32 $0xC200;
	s20 =	rddreg [dreg:$0xd]  }
0x1c1: {  	[hbm4b:s20+s3] =	stream.linear.scatter [tilespmem:s18], [sflag:$0xA], $0x4000, $0x38;
	[tilespmem:$0x18200] =	vst v63  }
0x1c2: {  	_ =	swait.ge [sflag:s13], $0x4000  }
0x1c3: {  	[sflag:s13] =	ssyncset.done $0x0  }
0x1c4: {  	[sflag:s13] =	ssyncadd.s32 $0xFFFFC000  }
0x1c5: {  	_ =	swait.ge [sflag:s14], $0x4000  }
0x1c6: {  	[sflag:s14] =	ssyncset.done $0x0  }
0x1c7: {  	[sflag:s14] =	ssyncadd.s32 $0xFFFFC000  }
0x1c8: {  	v3 =	vld [tilespmem:$0xF0];
	_ =	sdelay $0x4  }
0x1c9: {  	v47 =	vshll.u32 v3, $0x3  }
0x1ca: {  	v3 =	vand.u32 $0x7, v3;
	v4 =	vand.u32 $0xFFFFFFC0, v47  }
0x1cb: {  	v3 =	vor.u32 v3, v4  }
0x1cc: {  	v4 =	vperm.xlane v3, v0;
	_ =	sdelay $0x1  }
0x1cd: {  	v4 =	vadd.s32 v1, v4;
	_ =	sdelay $0x4  }
0x1ce: {  	[tilespmem:s18], [sflag:$0x4] =	stream.indirect_vreg.gather [hbm4b:s2+s3], $0x80, v4, vm0, $0xb8;
	[tilespmem:$0x18200] =	vst v63  }
0x1cf: {  	s20 =	simm.s32 $0xCA00;
	v3 =	vperm.xlane v3, v2  }
0x1d0: {  	[tilespmem:s20], [sflag:$0x4] =	stream.indirect_vreg.gather [hbm4b:s5+s3], $0x80, v4, vm0, $0xb8;
	[tilespmem:$0x18200] =	vst v63  }
0x1d1: {  	s21 =	simm.s32 $0xD200;
	v3 =	vadd.s32 v1, v3  }
0x1d2: {  	[tilespmem:s21], [sflag:$0x4] =	stream.indirect_vreg.gather [hbm4b:s6+s3], $0x80, v4, vm0, $0xb8;
	[tilespmem:$0x18200] =	vst v63  }
0x1d3: {  	_ = 	snop  }
0x1d4: {  	[tilespmem:s28], [sflag:$0x4] =	stream.indirect_vreg.gather [hbm4b:s7+s3], $0x80, v4, vm0, $0xb8;
	[tilespmem:$0x18200] =	vst v63  }
0x1d5: {  	_ = 	snop  }
0x1d6: {  	[tilespmem:s31], [sflag:$0x4] =	stream.indirect_vreg.gather [hbm4b:s2+s3], $0x80, v3, vm0, $0xb8;
	[tilespmem:$0x18200] =	vst v63  }
0x1d7: {  	_ = 	snop  }
0x1d8: {  	[tilespmem:s9], [sflag:$0x4] =	stream.indirect_vreg.gather [hbm4b:s5+s3], $0x80, v3, vm0, $0xb8;
	[tilespmem:$0x18200] =	vst v63  }
0x1d9: {  	s20 =	simm.s32 $0xF200  }
0x1da: {  	[tilespmem:s20], [sflag:$0x4] =	stream.indirect_vreg.gather [hbm4b:s6+s3], $0x80, v3, vm0, $0xb8;
	[tilespmem:$0x18200] =	vst v63  }
0x1db: {  	_ = 	snop  }
0x1dc: {  	[tilespmem:s26], [sflag:$0x4] =	stream.indirect_vreg.gather [hbm4b:s7+s3], $0x80, v3, vm0, $0xb8;
	[tilespmem:$0x18200] =	vst v63  }
0x1dd: {  	s21 =	rddreg [dreg:$0xe];
	s28 =	simm.s32 $0x10200  }
0x1de: {  	[hbm4b:s21+s3] =	stream.linear.scatter [tilespmem:s28], [sflag:$0xB], $0x4000, $0x38;
	[tilespmem:$0x18200] =	vst v63  }
0x1df: {  	_ =	swait.ge [sflag:s15], $0x4000  }
0x1e0: {  	[sflag:s15] =	ssyncset.done $0x0  }
0x1e1: {  	[sflag:s15] =	ssyncadd.s32 $0xFFFFC000  }
0x1e2: {  	_ =	swait.ge [sflag:s16], $0x4000  }
0x1e3: {  	[sflag:s16] =	ssyncset.done $0x0  }
0x1e4: {  	[sflag:s16] =	ssyncadd.s32 $0xFFFFC000  }
0x1e5: {  	v3 =	vld [tilespmem:$0x100];
	_ =	sdelay $0x4  }
0x1e6: {  	v48 =	vshll.u32 v3, $0x3  }
0x1e7: {  	v3 =	vand.u32 $0x7, v3;
	v4 =	vand.u32 $0xFFFFFFC0, v48  }
0x1e8: {  	v3 =	vor.u32 v3, v4  }
0x1e9: {  	v4 =	vperm.xlane v3, v0;
	_ =	sdelay $0x1  }
0x1ea: {  	v4 =	vadd.s32 v1, v4;
	_ =	sdelay $0x4  }
0x1eb: {  	[tilespmem:s28], [sflag:$0x5] =	stream.indirect_vreg.gather [hbm4b:s2+s3], $0x80, v4, vm0, $0xb8;
	[tilespmem:$0x18200] =	vst v63  }
0x1ec: {  	s31 =	simm.s32 $0x10A00;
	v3 =	vperm.xlane v3, v2  }
0x1ed: {  	[tilespmem:s31], [sflag:$0x5] =	stream.indirect_vreg.gather [hbm4b:s5+s3], $0x80, v4, vm0, $0xb8;
	[tilespmem:$0x18200] =	vst v63  }
0x1ee: {  	v3 =	vadd.s32 v1, v3  }
0x1ef: {  	[tilespmem:s4], [sflag:$0x5] =	stream.indirect_vreg.gather [hbm4b:s6+s3], $0x80, v4, vm0, $0xb8;
	[tilespmem:$0x18200] =	vst v63  }
0x1f0: {  	_ = 	snop  }
0x1f1: {  	[tilespmem:s22], [sflag:$0x5] =	stream.indirect_vreg.gather [hbm4b:s7+s3], $0x80, v4, vm0, $0xb8;
	[tilespmem:$0x18200] =	vst v63  }
0x1f2: {  	s19 =	simm.s32 $0x12200  }
0x1f3: {  	[tilespmem:s19], [sflag:$0x5] =	stream.indirect_vreg.gather [hbm4b:s2+s3], $0x80, v3, vm0, $0xb8;
	[tilespmem:$0x18200] =	vst v63  }
0x1f4: {  	_ = 	snop  }
0x1f5: {  	[tilespmem:s8], [sflag:$0x5] =	stream.indirect_vreg.gather [hbm4b:s5+s3], $0x80, v3, vm0, $0xb8;
	[tilespmem:$0x18200] =	vst v63  }
0x1f6: {  	_ = 	snop  }
0x1f7: {  	[tilespmem:s25], [sflag:$0x5] =	stream.indirect_vreg.gather [hbm4b:s6+s3], $0x80, v3, vm0, $0xb8;
	[tilespmem:$0x18200] =	vst v63  }
0x1f8: {  	s22 =	simm.s32 $0x13A00  }
0x1f9: {  	[tilespmem:s22], [sflag:$0x5] =	stream.indirect_vreg.gather [hbm4b:s7+s3], $0x80, v3, vm0, $0xb8;
	[tilespmem:$0x18200] =	vst v63  }
0x1fa: {  	s21 =	rddreg [dreg:$0xf];
	s25 =	simm.s32 $0x14200  }
0x1fb: {  	[hbm4b:s21+s3] =	stream.linear.scatter [tilespmem:s25], [sflag:$0xC], $0x4000, $0x38;
	[tilespmem:$0x18200] =	vst v63  }
0x1fc: {  	_ =	swait.ge [sflag:s30], $0x4000  }
0x1fd: {  	[sflag:s30] =	ssyncset.done $0x0  }
0x1fe: {  	[sflag:s30] =	ssyncadd.s32 $0xFFFFC000  }
0x1ff: {  	_ =	swait.ge [sflag:s17], $0x4000  }
0x200: {  	[sflag:s17] =	ssyncset.done $0x0  }
0x201: {  	[sflag:s17] =	ssyncadd.s32 $0xFFFFC000  }
0x202: {  	v3 =	vld [tilespmem:$0x110];
	_ =	sdelay $0x4  }
0x203: {  	v49 =	vshll.u32 v3, $0x3  }
0x204: {  	v3 =	vand.u32 $0x7, v3;
	v4 =	vand.u32 $0xFFFFFFC0, v49  }
0x205: {  	v3 =	vor.u32 v3, v4  }
0x206: {  	v4 =	vperm.xlane v3, v0;
	_ =	sdelay $0x1  }
0x207: {  	v4 =	vadd.s32 v1, v4;
	_ =	sdelay $0x4  }
0x208: {  	[tilespmem:s25], [sflag:$0x6] =	stream.indirect_vreg.gather [hbm4b:s2+s3], $0x80, v4, vm0, $0xb8;
	[tilespmem:$0x18200] =	vst v63  }
0x209: {  	s26 =	simm.s32 $0x14A00;
	v3 =	vperm.xlane v3, v2  }
0x20a: {  	[tilespmem:s26], [sflag:$0x6] =	stream.indirect_vreg.gather [hbm4b:s5+s3], $0x80, v4, vm0, $0xb8;
	[tilespmem:$0x18200] =	vst v63  }
0x20b: {  	s28 =	simm.s32 $0x15200;
	v3 =	vadd.s32 v1, v3  }
0x20c: {  	[tilespmem:s28], [sflag:$0x6] =	stream.indirect_vreg.gather [hbm4b:s6+s3], $0x80, v4, vm0, $0xb8;
	[tilespmem:$0x18200] =	vst v63  }
0x20d: {  	s31 =	simm.s32 $0x15A00  }
0x20e: {  	[tilespmem:s31], [sflag:$0x6] =	stream.indirect_vreg.gather [hbm4b:s7+s3], $0x80, v4, vm0, $0xb8;
	[tilespmem:$0x18200] =	vst v63  }
0x20f: {  	s9 =	simm.s32 $0x16200  }
0x210: {  	[tilespmem:s9], [sflag:$0x6] =	stream.indirect_vreg.gather [hbm4b:s2+s3], $0x80, v3, vm0, $0xb8;
	[tilespmem:$0x18200] =	vst v63  }
0x211: {  	s19 =	simm.s32 $0x16A00  }
0x212: {  	[tilespmem:s19], [sflag:$0x6] =	stream.indirect_vreg.gather [hbm4b:s5+s3], $0x80, v3, vm0, $0xb8;
	[tilespmem:$0x18200] =	vst v63  }
0x213: {  	s21 =	simm.s32 $0x17200  }
0x214: {  	[tilespmem:s21], [sflag:$0x6] =	stream.indirect_vreg.gather [hbm4b:s6+s3], $0x80, v3, vm0, $0xb8;
	[tilespmem:$0x18200] =	vst v63  }
0x215: {  	s25 =	simm.s32 $0x17A00  }
0x216: {  	[tilespmem:s25], [sflag:$0x6] =	stream.indirect_vreg.gather [hbm4b:s7+s3], $0x80, v3, vm0, $0xb8;
	[tilespmem:$0x18200] =	vst v63  }
0x217: {  	s22 =	rddreg [dreg:$0x10]  }
0x218: {  	[hbm4b:s22+s3] =	stream.linear.scatter [tilespmem:s24], [sflag:$0x7], $0x4000, $0x38;
	[tilespmem:$0x18200] =	vst v63  }
0x219: {  	_ =	swait.ge [sflag:s29], $0x4000  }
0x21a: {  	[sflag:s29] =	ssyncset.done $0x0  }
0x21b: {  	[sflag:s29] =	ssyncadd.s32 $0xFFFFC000  }
0x21c: {  	_ =	swait.ge [sflag:s0], $0x4000  }
0x21d: {  	[sflag:s0] =	ssyncset.done $0x0  }
0x21e: {  	[sflag:s0] =	ssyncadd.s32 $0xFFFFC000  }
0x21f: {  	v3 =	vld [tilespmem:$0x120];
	_ =	sdelay $0x4  }
0x220: {  	v50 =	vshll.u32 v3, $0x3  }
0x221: {  	v3 =	vand.u32 $0x7, v3;
	v4 =	vand.u32 $0xFFFFFFC0, v50  }
0x222: {  	v3 =	vor.u32 v3, v4  }
0x223: {  	v4 =	vperm.xlane v3, v0;
	_ =	sdelay $0x1  }
0x224: {  	v4 =	vadd.s32 v1, v4;
	_ =	sdelay $0x4  }
0x225: {  	[tilespmem:s24], [sflag:$0x1] =	stream.indirect_vreg.gather [hbm4b:s2+s3], $0x80, v4, vm0, $0xb8;
	[tilespmem:$0x18200] =	vst v63  }
0x226: {  	s9 =	simm.s32 $0xA00;
	v3 =	vperm.xlane v3, v2  }
0x227: {  	[tilespmem:s9], [sflag:$0x1] =	stream.indirect_vreg.gather [hbm4b:s5+s3], $0x80, v4, vm0, $0xb8;
	[tilespmem:$0x18200] =	vst v63  }
0x228: {  	s26 =	simm.s32 $0x1200;
	v3 =	vadd.s32 v1, v3  }
0x229: {  	[tilespmem:s26], [sflag:$0x1] =	stream.indirect_vreg.gather [hbm4b:s6+s3], $0x80, v4, vm0, $0xb8;
	[tilespmem:$0x18200] =	vst v63  }
0x22a: {  	s28 =	simm.s32 $0x1A00  }
0x22b: {  	[tilespmem:s28], [sflag:$0x1] =	stream.indirect_vreg.gather [hbm4b:s7+s3], $0x80, v4, vm0, $0xb8;
	[tilespmem:$0x18200] =	vst v63  }
0x22c: {  	s31 =	simm.s32 $0x2200  }
0x22d: {  	[tilespmem:s31], [sflag:$0x1] =	stream.indirect_vreg.gather [hbm4b:s2+s3], $0x80, v3, vm0, $0xb8;
	[tilespmem:$0x18200] =	vst v63  }
0x22e: {  	s19 =	simm.s32 $0x2A00  }
0x22f: {  	[tilespmem:s19], [sflag:$0x1] =	stream.indirect_vreg.gather [hbm4b:s5+s3], $0x80, v3, vm0, $0xb8;
	[tilespmem:$0x18200] =	vst v63  }
0x230: {  	s21 =	simm.s32 $0x3200  }
0x231: {  	[tilespmem:s21], [sflag:$0x1] =	stream.indirect_vreg.gather [hbm4b:s6+s3], $0x80, v3, vm0, $0xb8;
	[tilespmem:$0x18200] =	vst v63  }
0x232: {  	s31 =	simm.s32 $0x3A00  }
0x233: {  	[tilespmem:s31], [sflag:$0x1] =	stream.indirect_vreg.gather [hbm4b:s7+s3], $0x80, v3, vm0, $0xb8;
	[tilespmem:$0x18200] =	vst v63  }
0x234: {  	s25 =	simm.s32 $0x4200;
	s22 =	rddreg [dreg:$0x11]  }
0x235: {  	[hbm4b:s22+s3] =	stream.linear.scatter [tilespmem:s25], [sflag:$0x8], $0x4000, $0x38;
	[tilespmem:$0x18200] =	vst v63  }
0x236: {  	_ =	swait.ge [sflag:s23], $0x4000  }
0x237: {  	[sflag:s23] =	ssyncset.done $0x0  }
0x238: {  	[sflag:s23] =	ssyncadd.s32 $0xFFFFC000  }
0x239: {  	_ =	swait.ge [sflag:s10], $0x4000  }
0x23a: {  	[sflag:s10] =	ssyncset.done $0x0  }
0x23b: {  	[sflag:s10] =	ssyncadd.s32 $0xFFFFC000  }
0x23c: {  	v3 =	vld [tilespmem:$0x130];
	_ =	sdelay $0x4  }
0x23d: {  	v51 =	vshll.u32 v3, $0x3  }
0x23e: {  	v3 =	vand.u32 $0x7, v3;
	v4 =	vand.u32 $0xFFFFFFC0, v51  }
0x23f: {  	v3 =	vor.u32 v3, v4  }
0x240: {  	v4 =	vperm.xlane v3, v0;
	_ =	sdelay $0x1  }
0x241: {  	v4 =	vadd.s32 v1, v4;
	_ =	sdelay $0x4  }
0x242: {  	[tilespmem:s25], [sflag:$0x2] =	stream.indirect_vreg.gather [hbm4b:s2+s3], $0x80, v4, vm0, $0xb8;
	[tilespmem:$0x18200] =	vst v63  }
0x243: {  	s28 =	simm.s32 $0x4A00;
	v3 =	vperm.xlane v3, v2  }
0x244: {  	[tilespmem:s28], [sflag:$0x2] =	stream.indirect_vreg.gather [hbm4b:s5+s3], $0x80, v4, vm0, $0xb8;
	[tilespmem:$0x18200] =	vst v63  }
0x245: {  	s21 =	simm.s32 $0x5200;
	v3 =	vadd.s32 v1, v3  }
0x246: {  	[tilespmem:s21], [sflag:$0x2] =	stream.indirect_vreg.gather [hbm4b:s6+s3], $0x80, v4, vm0, $0xb8;
	[tilespmem:$0x18200] =	vst v63  }
0x247: {  	s22 =	simm.s32 $0x5A00  }
0x248: {  	[tilespmem:s22], [sflag:$0x2] =	stream.indirect_vreg.gather [hbm4b:s7+s3], $0x80, v4, vm0, $0xb8;
	[tilespmem:$0x18200] =	vst v63  }
0x249: {  	s26 =	simm.s32 $0x6200  }
0x24a: {  	[tilespmem:s26], [sflag:$0x2] =	stream.indirect_vreg.gather [hbm4b:s2+s3], $0x80, v3, vm0, $0xb8;
	[tilespmem:$0x18200] =	vst v63  }
0x24b: {  	s25 =	simm.s32 $0x6A00  }
0x24c: {  	[tilespmem:s25], [sflag:$0x2] =	stream.indirect_vreg.gather [hbm4b:s5+s3], $0x80, v3, vm0, $0xb8;
	[tilespmem:$0x18200] =	vst v63  }
0x24d: {  	s26 =	simm.s32 $0x7200  }
0x24e: {  	[tilespmem:s26], [sflag:$0x2] =	stream.indirect_vreg.gather [hbm4b:s6+s3], $0x80, v3, vm0, $0xb8;
	[tilespmem:$0x18200] =	vst v63  }
0x24f: {  	s4 =	simm.s32 $0x7A00  }
0x250: {  	[tilespmem:s4], [sflag:$0x2] =	stream.indirect_vreg.gather [hbm4b:s7+s3], $0x80, v3, vm0, $0xb8;
	[tilespmem:$0x18200] =	vst v63  }
0x251: {  	s1 =	simm.s32 $0x8200;
	s19 =	rddreg [dreg:$0x12]  }
0x252: {  	[hbm4b:s19+s3] =	stream.linear.scatter [tilespmem:s1], [sflag:$0x9], $0x4000, $0x38;
	[tilespmem:$0x18200] =	vst v63  }
0x253: {  	_ =	swait.ge [sflag:s11], $0x4000  }
0x254: {  	[sflag:s11] =	ssyncset.done $0x0  }
0x255: {  	[sflag:s11] =	ssyncadd.s32 $0xFFFFC000  }
0x256: {  	_ =	swait.ge [sflag:s12], $0x4000  }
0x257: {  	[sflag:s12] =	ssyncset.done $0x0  }
0x258: {  	[sflag:s12] =	ssyncadd.s32 $0xFFFFC000  }
0x259: {  	v3 =	vld [tilespmem:$0x140];
	_ =	sdelay $0x4  }
0x25a: {  	v52 =	vshll.u32 v3, $0x3  }
0x25b: {  	v3 =	vand.u32 $0x7, v3;
	v4 =	vand.u32 $0xFFFFFFC0, v52  }
0x25c: {  	v3 =	vor.u32 v3, v4  }
0x25d: {  	v4 =	vperm.xlane v3, v0;
	_ =	sdelay $0x1  }
0x25e: {  	v4 =	vadd.s32 v1, v4;
	_ =	sdelay $0x4  }
0x25f: {  	[tilespmem:s1], [sflag:$0x3] =	stream.indirect_vreg.gather [hbm4b:s2+s3], $0x80, v4, vm0, $0xb8;
	[tilespmem:$0x18200] =	vst v63  }
0x260: {  	s19 =	simm.s32 $0x8A00;
	v3 =	vperm.xlane v3, v2  }
0x261: {  	[tilespmem:s19], [sflag:$0x3] =	stream.indirect_vreg.gather [hbm4b:s5+s3], $0x80, v4, vm0, $0xb8;
	[tilespmem:$0x18200] =	vst v63  }
0x262: {  	v3 =	vadd.s32 v1, v3;
	s19 =	simm.s32 $0x9200  }
0x263: {  	[tilespmem:s19], [sflag:$0x3] =	stream.indirect_vreg.gather [hbm4b:s6+s3], $0x80, v4, vm0, $0xb8;
	[tilespmem:$0x18200] =	vst v63  }
0x264: {  	s19 =	simm.s32 $0x9A00  }
0x265: {  	[tilespmem:s19], [sflag:$0x3] =	stream.indirect_vreg.gather [hbm4b:s7+s3], $0x80, v4, vm0, $0xb8;
	[tilespmem:$0x18200] =	vst v63  }
0x266: {  	s19 =	simm.s32 $0xA200  }
0x267: {  	[tilespmem:s19], [sflag:$0x3] =	stream.indirect_vreg.gather [hbm4b:s2+s3], $0x80, v3, vm0, $0xb8;
	[tilespmem:$0x18200] =	vst v63  }
0x268: {  	s19 =	simm.s32 $0xAA00  }
0x269: {  	[tilespmem:s19], [sflag:$0x3] =	stream.indirect_vreg.gather [hbm4b:s5+s3], $0x80, v3, vm0, $0xb8;
	[tilespmem:$0x18200] =	vst v63  }
0x26a: {  	s19 =	simm.s32 $0xB200  }
0x26b: {  	[tilespmem:s19], [sflag:$0x3] =	stream.indirect_vreg.gather [hbm4b:s6+s3], $0x80, v3, vm0, $0xb8;
	[tilespmem:$0x18200] =	vst v63  }
0x26c: {  	s1 =	simm.s32 $0xBA00  }
0x26d: {  	[tilespmem:s1], [sflag:$0x3] =	stream.indirect_vreg.gather [hbm4b:s7+s3], $0x80, v3, vm0, $0xb8;
	[tilespmem:$0x18200] =	vst v63  }
0x26e: {  	s18 =	simm.s32 $0xC200;
	s19 =	rddreg [dreg:$0x13]  }
0x26f: {  	[hbm4b:s19+s3] =	stream.linear.scatter [tilespmem:s18], [sflag:$0xA], $0x4000, $0x38;
	[tilespmem:$0x18200] =	vst v63  }
0x270: {  	_ =	swait.ge [sflag:s13], $0x4000  }
0x271: {  	[sflag:s13] =	ssyncset.done $0x0  }
0x272: {  	[sflag:s13] =	ssyncadd.s32 $0xFFFFC000  }
0x273: {  	_ =	swait.ge [sflag:s14], $0x4000  }
0x274: {  	[sflag:s14] =	ssyncset.done $0x0  }
0x275: {  	[sflag:s14] =	ssyncadd.s32 $0xFFFFC000  }
0x276: {  	v3 =	vld [tilespmem:$0x150];
	_ =	sdelay $0x4  }
0x277: {  	v53 =	vshll.u32 v3, $0x3  }
0x278: {  	v3 =	vand.u32 $0x7, v3;
	v4 =	vand.u32 $0xFFFFFFC0, v53  }
0x279: {  	v3 =	vor.u32 v3, v4  }
0x27a: {  	v4 =	vperm.xlane v3, v0;
	_ =	sdelay $0x1  }
0x27b: {  	v4 =	vadd.s32 v1, v4;
	_ =	sdelay $0x4  }
0x27c: {  	[tilespmem:s18], [sflag:$0x4] =	stream.indirect_vreg.gather [hbm4b:s2+s3], $0x80, v4, vm0, $0xb8;
	[tilespmem:$0x18200] =	vst v63  }
0x27d: {  	v3 =	vperm.xlane v3, v2;
	s18 =	simm.s32 $0xCA00  }
0x27e: {  	[tilespmem:s18], [sflag:$0x4] =	stream.indirect_vreg.gather [hbm4b:s5+s3], $0x80, v4, vm0, $0xb8;
	[tilespmem:$0x18200] =	vst v63  }
0x27f: {  	s19 =	simm.s32 $0xD200;
	v3 =	vadd.s32 v1, v3  }
0x280: {  	[tilespmem:s19], [sflag:$0x4] =	stream.indirect_vreg.gather [hbm4b:s6+s3], $0x80, v4, vm0, $0xb8;
	[tilespmem:$0x18200] =	vst v63  }
0x281: {  	s18 =	simm.s32 $0xDA00  }
0x282: {  	[tilespmem:s18], [sflag:$0x4] =	stream.indirect_vreg.gather [hbm4b:s7+s3], $0x80, v4, vm0, $0xb8;
	[tilespmem:$0x18200] =	vst v63  }
0x283: {  	s19 =	simm.s32 $0xE200  }
0x284: {  	[tilespmem:s19], [sflag:$0x4] =	stream.indirect_vreg.gather [hbm4b:s2+s3], $0x80, v3, vm0, $0xb8;
	[tilespmem:$0x18200] =	vst v63  }
0x285: {  	s18 =	simm.s32 $0xEA00  }
0x286: {  	[tilespmem:s18], [sflag:$0x4] =	stream.indirect_vreg.gather [hbm4b:s5+s3], $0x80, v3, vm0, $0xb8;
	[tilespmem:$0x18200] =	vst v63  }
0x287: {  	s19 =	simm.s32 $0xF200  }
0x288: {  	[tilespmem:s19], [sflag:$0x4] =	stream.indirect_vreg.gather [hbm4b:s6+s3], $0x80, v3, vm0, $0xb8;
	[tilespmem:$0x18200] =	vst v63  }
0x289: {  	s18 =	simm.s32 $0xFA00  }
0x28a: {  	[tilespmem:s18], [sflag:$0x4] =	stream.indirect_vreg.gather [hbm4b:s7+s3], $0x80, v3, vm0, $0xb8;
	[tilespmem:$0x18200] =	vst v63  }
0x28b: {  	s20 =	simm.s32 $0x10200;
	s19 =	rddreg [dreg:$0x14]  }
0x28c: {  	[hbm4b:s19+s3] =	stream.linear.scatter [tilespmem:s20], [sflag:$0xB], $0x4000, $0x38;
	[tilespmem:$0x18200] =	vst v63  }
0x28d: {  	_ =	swait.ge [sflag:s15], $0x4000  }
0x28e: {  	[sflag:s15] =	ssyncset.done $0x0  }
0x28f: {  	[sflag:s15] =	ssyncadd.s32 $0xFFFFC000  }
0x290: {  	_ =	swait.ge [sflag:s16], $0x4000  }
0x291: {  	[sflag:s16] =	ssyncset.done $0x0  }
0x292: {  	[sflag:s16] =	ssyncadd.s32 $0xFFFFC000  }
0x293: {  	v3 =	vld [tilespmem:$0x160];
	_ =	sdelay $0x4  }
0x294: {  	v54 =	vshll.u32 v3, $0x3  }
0x295: {  	v3 =	vand.u32 $0x7, v3;
	v4 =	vand.u32 $0xFFFFFFC0, v54  }
0x296: {  	v3 =	vor.u32 v3, v4  }
0x297: {  	v4 =	vperm.xlane v3, v0;
	_ =	sdelay $0x1  }
0x298: {  	v4 =	vadd.s32 v1, v4;
	_ =	sdelay $0x4  }
0x299: {  	[tilespmem:s20], [sflag:$0x5] =	stream.indirect_vreg.gather [hbm4b:s2+s3], $0x80, v4, vm0, $0xb8;
	[tilespmem:$0x18200] =	vst v63  }
0x29a: {  	s19 =	simm.s32 $0x10A00;
	v3 =	vperm.xlane v3, v2  }
0x29b: {  	[tilespmem:s19], [sflag:$0x5] =	stream.indirect_vreg.gather [hbm4b:s5+s3], $0x80, v4, vm0, $0xb8;
	[tilespmem:$0x18200] =	vst v63  }
0x29c: {  	v3 =	vadd.s32 v1, v3;
	s20 =	simm.s32 $0x11200  }
0x29d: {  	[tilespmem:s20], [sflag:$0x5] =	stream.indirect_vreg.gather [hbm4b:s6+s3], $0x80, v4, vm0, $0xb8;
	[tilespmem:$0x18200] =	vst v63  }
0x29e: {  	s18 =	simm.s32 $0x11A00  }
0x29f: {  	[tilespmem:s18], [sflag:$0x5] =	stream.indirect_vreg.gather [hbm4b:s7+s3], $0x80, v4, vm0, $0xb8;
	[tilespmem:$0x18200] =	vst v63  }
0x2a0: {  	s19 =	simm.s32 $0x12200  }
0x2a1: {  	[tilespmem:s19], [sflag:$0x5] =	stream.indirect_vreg.gather [hbm4b:s2+s3], $0x80, v3, vm0, $0xb8;
	[tilespmem:$0x18200] =	vst v63  }
0x2a2: {  	s8 =	simm.s32 $0x12A00  }
0x2a3: {  	[tilespmem:s8], [sflag:$0x5] =	stream.indirect_vreg.gather [hbm4b:s5+s3], $0x80, v3, vm0, $0xb8;
	[tilespmem:$0x18200] =	vst v63  }
0x2a4: {  	s20 =	simm.s32 $0x13200  }
0x2a5: {  	[tilespmem:s20], [sflag:$0x5] =	stream.indirect_vreg.gather [hbm4b:s6+s3], $0x80, v3, vm0, $0xb8;
	[tilespmem:$0x18200] =	vst v63  }
0x2a6: {  	s18 =	simm.s32 $0x13A00  }
0x2a7: {  	[tilespmem:s18], [sflag:$0x5] =	stream.indirect_vreg.gather [hbm4b:s7+s3], $0x80, v3, vm0, $0xb8;
	[tilespmem:$0x18200] =	vst v63  }
0x2a8: {  	s8 =	rddreg [dreg:$0x15];
	s20 =	simm.s32 $0x14200  }
0x2a9: {  	[hbm4b:s8+s3] =	stream.linear.scatter [tilespmem:s20], [sflag:$0xC], $0x4000, $0x38;
	[tilespmem:$0x18200] =	vst v63  }
0x2aa: {  	_ =	swait.ge [sflag:s30], $0x4000  }
0x2ab: {  	[sflag:s30] =	ssyncset.done $0x0  }
0x2ac: {  	[sflag:s30] =	ssyncadd.s32 $0xFFFFC000  }
0x2ad: {  	_ =	swait.ge [sflag:s17], $0x4000  }
0x2ae: {  	[sflag:s17] =	ssyncset.done $0x0  }
0x2af: {  	[sflag:s17] =	ssyncadd.s32 $0xFFFFC000  }
0x2b0: {  	v3 =	vld [tilespmem:$0x170];
	_ =	sdelay $0x4  }
0x2b1: {  	v55 =	vshll.u32 v3, $0x3  }
0x2b2: {  	v3 =	vand.u32 $0x7, v3;
	v4 =	vand.u32 $0xFFFFFFC0, v55  }
0x2b3: {  	v3 =	vor.u32 v3, v4  }
0x2b4: {  	v4 =	vperm.xlane v3, v0;
	_ =	sdelay $0x1  }
0x2b5: {  	v4 =	vadd.s32 v1, v4;
	_ =	sdelay $0x4  }
0x2b6: {  	[tilespmem:s20], [sflag:$0x6] =	stream.indirect_vreg.gather [hbm4b:s2+s3], $0x80, v4, vm0, $0xb8;
	[tilespmem:$0x18200] =	vst v63  }
0x2b7: {  	s8 =	simm.s32 $0x14A00;
	v3 =	vperm.xlane v3, v2  }
0x2b8: {  	[tilespmem:s8], [sflag:$0x6] =	stream.indirect_vreg.gather [hbm4b:s5+s3], $0x80, v4, vm0, $0xb8;
	[tilespmem:$0x18200] =	vst v63  }
0x2b9: {  	v3 =	vadd.s32 v1, v3;
	s20 =	simm.s32 $0x15200  }
0x2ba: {  	[tilespmem:s20], [sflag:$0x6] =	stream.indirect_vreg.gather [hbm4b:s6+s3], $0x80, v4, vm0, $0xb8;
	[tilespmem:$0x18200] =	vst v63  }
0x2bb: {  	s1 =	simm.s32 $0x15A00  }
0x2bc: {  	[tilespmem:s1], [sflag:$0x6] =	stream.indirect_vreg.gather [hbm4b:s7+s3], $0x80, v4, vm0, $0xb8;
	[tilespmem:$0x18200] =	vst v63  }
0x2bd: {  	s8 =	simm.s32 $0x16200  }
0x2be: {  	[tilespmem:s8], [sflag:$0x6] =	stream.indirect_vreg.gather [hbm4b:s2+s3], $0x80, v3, vm0, $0xb8;
	[tilespmem:$0x18200] =	vst v63  }
0x2bf: {  	s20 =	simm.s32 $0x16A00  }
0x2c0: {  	[tilespmem:s20], [sflag:$0x6] =	stream.indirect_vreg.gather [hbm4b:s5+s3], $0x80, v3, vm0, $0xb8;
	[tilespmem:$0x18200] =	vst v63  }
0x2c1: {  	s1 =	simm.s32 $0x17200  }
0x2c2: {  	[tilespmem:s1], [sflag:$0x6] =	stream.indirect_vreg.gather [hbm4b:s6+s3], $0x80, v3, vm0, $0xb8;
	[tilespmem:$0x18200] =	vst v63  }
0x2c3: {  	s20 =	simm.s32 $0x17A00  }
0x2c4: {  	[tilespmem:s20], [sflag:$0x6] =	stream.indirect_vreg.gather [hbm4b:s7+s3], $0x80, v3, vm0, $0xb8;
	[tilespmem:$0x18200] =	vst v63  }
0x2c5: {  	s8 =	rddreg [dreg:$0x16]  }
0x2c6: {  	[hbm4b:s8+s3] =	stream.linear.scatter [tilespmem:s24], [sflag:$0x7], $0x4000, $0x38;
	[tilespmem:$0x18200] =	vst v63  }
0x2c7: {  	_ =	swait.ge [sflag:s29], $0x4000  }
0x2c8: {  	[sflag:s29] =	ssyncset.done $0x0  }
0x2c9: {  	[sflag:s29] =	ssyncadd.s32 $0xFFFFC000  }
0x2ca: {  	_ =	swait.ge [sflag:s0], $0x4000  }
0x2cb: {  	[sflag:s0] =	ssyncset.done $0x0  }
0x2cc: {  	[sflag:s0] =	ssyncadd.s32 $0xFFFFC000  }
0x2cd: {  	v3 =	vld [tilespmem:$0x180];
	_ =	sdelay $0x4  }
0x2ce: {  	v56 =	vshll.u32 v3, $0x3  }
0x2cf: {  	v3 =	vand.u32 $0x7, v3;
	v4 =	vand.u32 $0xFFFFFFC0, v56  }
0x2d0: {  	v3 =	vor.u32 v3, v4  }
0x2d1: {  	v4 =	vperm.xlane v3, v0;
	_ =	sdelay $0x1  }
0x2d2: {  	v4 =	vadd.s32 v1, v4;
	_ =	sdelay $0x4  }
0x2d3: {  	[tilespmem:s24], [sflag:$0x1] =	stream.indirect_vreg.gather [hbm4b:s2+s3], $0x80, v4, vm0, $0xb8;
	[tilespmem:$0x18200] =	vst v63  }
0x2d4: {  	v3 =	vperm.xlane v3, v2  }
0x2d5: {  	[tilespmem:s9], [sflag:$0x1] =	stream.indirect_vreg.gather [hbm4b:s5+s3], $0x80, v4, vm0, $0xb8;
	[tilespmem:$0x18200] =	vst v63  }
0x2d6: {  	s8 =	simm.s32 $0x1200;
	v3 =	vadd.s32 v1, v3  }
0x2d7: {  	[tilespmem:s8], [sflag:$0x1] =	stream.indirect_vreg.gather [hbm4b:s6+s3], $0x80, v4, vm0, $0xb8;
	[tilespmem:$0x18200] =	vst v63  }
0x2d8: {  	s9 =	simm.s32 $0x1A00  }
0x2d9: {  	[tilespmem:s9], [sflag:$0x1] =	stream.indirect_vreg.gather [hbm4b:s7+s3], $0x80, v4, vm0, $0xb8;
	[tilespmem:$0x18200] =	vst v63  }
0x2da: {  	s20 =	simm.s32 $0x2200  }
0x2db: {  	[tilespmem:s20], [sflag:$0x1] =	stream.indirect_vreg.gather [hbm4b:s2+s3], $0x80, v3, vm0, $0xb8;
	[tilespmem:$0x18200] =	vst v63  }
0x2dc: {  	s1 =	simm.s32 $0x2A00  }
0x2dd: {  	[tilespmem:s1], [sflag:$0x1] =	stream.indirect_vreg.gather [hbm4b:s5+s3], $0x80, v3, vm0, $0xb8;
	[tilespmem:$0x18200] =	vst v63  }
0x2de: {  	s8 =	simm.s32 $0x3200  }
0x2df: {  	[tilespmem:s8], [sflag:$0x1] =	stream.indirect_vreg.gather [hbm4b:s6+s3], $0x80, v3, vm0, $0xb8;
	[tilespmem:$0x18200] =	vst v63  }
0x2e0: {  	_ = 	snop  }
0x2e1: {  	[tilespmem:s31], [sflag:$0x1] =	stream.indirect_vreg.gather [hbm4b:s7+s3], $0x80, v3, vm0, $0xb8;
	[tilespmem:$0x18200] =	vst v63  }
0x2e2: {  	s9 =	rddreg [dreg:$0x17];
	s20 =	simm.s32 $0x4200  }
0x2e3: {  	[hbm4b:s9+s3] =	stream.linear.scatter [tilespmem:s20], [sflag:$0x8], $0x4000, $0x38;
	[tilespmem:$0x18200] =	vst v63  }
0x2e4: {  	_ =	swait.ge [sflag:s23], $0x4000  }
0x2e5: {  	[sflag:s23] =	ssyncset.done $0x0  }
0x2e6: {  	[sflag:s23] =	ssyncadd.s32 $0xFFFFC000  }
0x2e7: {  	_ =	swait.ge [sflag:s10], $0x4000  }
0x2e8: {  	[sflag:s10] =	ssyncset.done $0x0  }
0x2e9: {  	[sflag:s10] =	ssyncadd.s32 $0xFFFFC000  }
0x2ea: {  	v3 =	vld [tilespmem:$0x190];
	_ =	sdelay $0x4  }
0x2eb: {  	v57 =	vshll.u32 v3, $0x3  }
0x2ec: {  	v3 =	vand.u32 $0x7, v3;
	v4 =	vand.u32 $0xFFFFFFC0, v57  }
0x2ed: {  	v3 =	vor.u32 v3, v4  }
0x2ee: {  	v4 =	vperm.xlane v3, v0;
	_ =	sdelay $0x1  }
0x2ef: {  	v4 =	vadd.s32 v1, v4;
	_ =	sdelay $0x4  }
0x2f0: {  	[tilespmem:s20], [sflag:$0x2] =	stream.indirect_vreg.gather [hbm4b:s2+s3], $0x80, v4, vm0, $0xb8;
	[tilespmem:$0x18200] =	vst v63  }
0x2f1: {  	v3 =	vperm.xlane v3, v2  }
0x2f2: {  	[tilespmem:s28], [sflag:$0x2] =	stream.indirect_vreg.gather [hbm4b:s5+s3], $0x80, v4, vm0, $0xb8;
	[tilespmem:$0x18200] =	vst v63  }
0x2f3: {  	v3 =	vadd.s32 v1, v3  }
0x2f4: {  	[tilespmem:s21], [sflag:$0x2] =	stream.indirect_vreg.gather [hbm4b:s6+s3], $0x80, v4, vm0, $0xb8;
	[tilespmem:$0x18200] =	vst v63  }
0x2f5: {  	_ = 	snop  }
0x2f6: {  	[tilespmem:s22], [sflag:$0x2] =	stream.indirect_vreg.gather [hbm4b:s7+s3], $0x80, v4, vm0, $0xb8;
	[tilespmem:$0x18200] =	vst v63  }
0x2f7: {  	s21 =	simm.s32 $0x6200  }
0x2f8: {  	[tilespmem:s21], [sflag:$0x2] =	stream.indirect_vreg.gather [hbm4b:s2+s3], $0x80, v3, vm0, $0xb8;
	[tilespmem:$0x18200] =	vst v63  }
0x2f9: {  	_ = 	snop  }
0x2fa: {  	[tilespmem:s25], [sflag:$0x2] =	stream.indirect_vreg.gather [hbm4b:s5+s3], $0x80, v3, vm0, $0xb8;
	[tilespmem:$0x18200] =	vst v63  }
0x2fb: {  	_ = 	snop  }
0x2fc: {  	[tilespmem:s26], [sflag:$0x2] =	stream.indirect_vreg.gather [hbm4b:s6+s3], $0x80, v3, vm0, $0xb8;
	[tilespmem:$0x18200] =	vst v63  }
0x2fd: {  	_ = 	snop  }
0x2fe: {  	[tilespmem:s4], [sflag:$0x2] =	stream.indirect_vreg.gather [hbm4b:s7+s3], $0x80, v3, vm0, $0xb8;
	[tilespmem:$0x18200] =	vst v63  }
0x2ff: {  	s9 =	simm.s32 $0x8200;
	s1 =	rddreg [dreg:$0x18]  }
0x300: {  	[hbm4b:s1+s3] =	stream.linear.scatter [tilespmem:s9], [sflag:$0x9], $0x4000, $0x38;
	[tilespmem:$0x18200] =	vst v63  }
0x301: {  	_ =	swait.ge [sflag:s11], $0x4000  }
0x302: {  	[sflag:s11] =	ssyncset.done $0x0  }
0x303: {  	[sflag:s11] =	ssyncadd.s32 $0xFFFFC000  }
0x304: {  	_ =	swait.ge [sflag:s12], $0x4000  }
0x305: {  	[sflag:s12] =	ssyncset.done $0x0  }
0x306: {  	[sflag:s12] =	ssyncadd.s32 $0xFFFFC000  }
0x307: {  	v3 =	vld [tilespmem:$0x1A0];
	_ =	sdelay $0x4  }
0x308: {  	v58 =	vshll.u32 v3, $0x3  }
0x309: {  	v3 =	vand.u32 $0x7, v3;
	v4 =	vand.u32 $0xFFFFFFC0, v58  }
0x30a: {  	v3 =	vor.u32 v3, v4  }
0x30b: {  	v4 =	vperm.xlane v3, v0;
	_ =	sdelay $0x1  }
0x30c: {  	v4 =	vadd.s32 v1, v4;
	_ =	sdelay $0x4  }
0x30d: {  	[tilespmem:s9], [sflag:$0x3] =	stream.indirect_vreg.gather [hbm4b:s2+s3], $0x80, v4, vm0, $0xb8;
	[tilespmem:$0x18200] =	vst v63  }
0x30e: {  	s19 =	simm.s32 $0x8A00;
	v3 =	vperm.xlane v3, v2  }
0x30f: {  	[tilespmem:s19], [sflag:$0x3] =	stream.indirect_vreg.gather [hbm4b:s5+s3], $0x80, v4, vm0, $0xb8;
	[tilespmem:$0x18200] =	vst v63  }
0x310: {  	s20 =	simm.s32 $0x9200;
	v3 =	vadd.s32 v1, v3  }
0x311: {  	[tilespmem:s20], [sflag:$0x3] =	stream.indirect_vreg.gather [hbm4b:s6+s3], $0x80, v4, vm0, $0xb8;
	[tilespmem:$0x18200] =	vst v63  }
0x312: {  	s21 =	simm.s32 $0x9A00  }
0x313: {  	[tilespmem:s21], [sflag:$0x3] =	stream.indirect_vreg.gather [hbm4b:s7+s3], $0x80, v4, vm0, $0xb8;
	[tilespmem:$0x18200] =	vst v63  }
0x314: {  	s4 =	simm.s32 $0xA200  }
0x315: {  	[tilespmem:s4], [sflag:$0x3] =	stream.indirect_vreg.gather [hbm4b:s2+s3], $0x80, v3, vm0, $0xb8;
	[tilespmem:$0x18200] =	vst v63  }
0x316: {  	s19 =	simm.s32 $0xAA00  }
0x317: {  	[tilespmem:s19], [sflag:$0x3] =	stream.indirect_vreg.gather [hbm4b:s5+s3], $0x80, v3, vm0, $0xb8;
	[tilespmem:$0x18200] =	vst v63  }
0x318: {  	s20 =	simm.s32 $0xB200  }
0x319: {  	[tilespmem:s20], [sflag:$0x3] =	stream.indirect_vreg.gather [hbm4b:s6+s3], $0x80, v3, vm0, $0xb8;
	[tilespmem:$0x18200] =	vst v63  }
0x31a: {  	s4 =	simm.s32 $0xBA00  }
0x31b: {  	[tilespmem:s4], [sflag:$0x3] =	stream.indirect_vreg.gather [hbm4b:s7+s3], $0x80, v3, vm0, $0xb8;
	[tilespmem:$0x18200] =	vst v63  }
0x31c: {  	s21 =	rddreg [dreg:$0x19];
	s20 =	simm.s32 $0xC200  }
0x31d: {  	[hbm4b:s21+s3] =	stream.linear.scatter [tilespmem:s20], [sflag:$0xA], $0x4000, $0x38;
	[tilespmem:$0x18200] =	vst v63  }
0x31e: {  	_ =	swait.ge [sflag:s13], $0x4000  }
0x31f: {  	[sflag:s13] =	ssyncset.done $0x0  }
0x320: {  	[sflag:s13] =	ssyncadd.s32 $0xFFFFC000  }
0x321: {  	_ =	swait.ge [sflag:s14], $0x4000  }
0x322: {  	[sflag:s14] =	ssyncset.done $0x0  }
0x323: {  	[sflag:s14] =	ssyncadd.s32 $0xFFFFC000  }
0x324: {  	v3 =	vld [tilespmem:$0x1B0];
	_ =	sdelay $0x4  }
0x325: {  	v59 =	vshll.u32 v3, $0x3  }
0x326: {  	v3 =	vand.u32 $0x7, v3;
	v4 =	vand.u32 $0xFFFFFFC0, v59  }
0x327: {  	v3 =	vor.u32 v3, v4  }
0x328: {  	v4 =	vperm.xlane v3, v0;
	_ =	sdelay $0x1  }
0x329: {  	v4 =	vadd.s32 v1, v4;
	_ =	sdelay $0x4  }
0x32a: {  	[tilespmem:s20], [sflag:$0x4] =	stream.indirect_vreg.gather [hbm4b:s2+s3], $0x80, v4, vm0, $0xb8;
	[tilespmem:$0x18200] =	vst v63  }
0x32b: {  	s21 =	simm.s32 $0xCA00;
	v3 =	vperm.xlane v3, v2  }
0x32c: {  	[tilespmem:s21], [sflag:$0x4] =	stream.indirect_vreg.gather [hbm4b:s5+s3], $0x80, v4, vm0, $0xb8;
	[tilespmem:$0x18200] =	vst v63  }
0x32d: {  	s4 =	simm.s32 $0xD200;
	v3 =	vadd.s32 v1, v3  }
0x32e: {  	[tilespmem:s4], [sflag:$0x4] =	stream.indirect_vreg.gather [hbm4b:s6+s3], $0x80, v4, vm0, $0xb8;
	[tilespmem:$0x18200] =	vst v63  }
0x32f: {  	s19 =	simm.s32 $0xDA00  }
0x330: {  	[tilespmem:s19], [sflag:$0x4] =	stream.indirect_vreg.gather [hbm4b:s7+s3], $0x80, v4, vm0, $0xb8;
	[tilespmem:$0x18200] =	vst v63  }
0x331: {  	s21 =	simm.s32 $0xE200  }
0x332: {  	[tilespmem:s21], [sflag:$0x4] =	stream.indirect_vreg.gather [hbm4b:s2+s3], $0x80, v3, vm0, $0xb8;
	[tilespmem:$0x18200] =	vst v63  }
0x333: {  	s4 =	simm.s32 $0xEA00  }
0x334: {  	[tilespmem:s4], [sflag:$0x4] =	stream.indirect_vreg.gather [hbm4b:s5+s3], $0x80, v3, vm0, $0xb8;
	[tilespmem:$0x18200] =	vst v63  }
0x335: {  	s19 =	simm.s32 $0xF200  }
0x336: {  	[tilespmem:s19], [sflag:$0x4] =	stream.indirect_vreg.gather [hbm4b:s6+s3], $0x80, v3, vm0, $0xb8;
	[tilespmem:$0x18200] =	vst v63  }
0x337: {  	s21 =	simm.s32 $0xFA00  }
0x338: {  	[tilespmem:s21], [sflag:$0x4] =	stream.indirect_vreg.gather [hbm4b:s7+s3], $0x80, v3, vm0, $0xb8;
	[tilespmem:$0x18200] =	vst v63  }
0x339: {  	s4 =	simm.s32 $0x10200;
	s19 =	rddreg [dreg:$0x1a]  }
0x33a: {  	[hbm4b:s19+s3] =	stream.linear.scatter [tilespmem:s4], [sflag:$0xB], $0x4000, $0x38;
	[tilespmem:$0x18200] =	vst v63  }
0x33b: {  	_ =	swait.ge [sflag:s15], $0x4000  }
0x33c: {  	[sflag:s15] =	ssyncset.done $0x0  }
0x33d: {  	[sflag:s15] =	ssyncadd.s32 $0xFFFFC000  }
0x33e: {  	_ =	swait.ge [sflag:s16], $0x4000  }
0x33f: {  	[sflag:s16] =	ssyncset.done $0x0  }
0x340: {  	[sflag:s16] =	ssyncadd.s32 $0xFFFFC000  }
0x341: {  	v3 =	vld [tilespmem:$0x1C0];
	_ =	sdelay $0x4  }
0x342: {  	v60 =	vshll.u32 v3, $0x3  }
0x343: {  	v3 =	vand.u32 $0x7, v3;
	v4 =	vand.u32 $0xFFFFFFC0, v60  }
0x344: {  	v3 =	vor.u32 v3, v4  }
0x345: {  	v4 =	vperm.xlane v3, v0;
	_ =	sdelay $0x1  }
0x346: {  	v4 =	vadd.s32 v1, v4;
	_ =	sdelay $0x4  }
0x347: {  	[tilespmem:s4], [sflag:$0x5] =	stream.indirect_vreg.gather [hbm4b:s2+s3], $0x80, v4, vm0, $0xb8;
	[tilespmem:$0x18200] =	vst v63  }
0x348: {  	s21 =	simm.s32 $0x10A00;
	v3 =	vperm.xlane v3, v2  }
0x349: {  	[tilespmem:s21], [sflag:$0x5] =	stream.indirect_vreg.gather [hbm4b:s5+s3], $0x80, v4, vm0, $0xb8;
	[tilespmem:$0x18200] =	vst v63  }
0x34a: {  	s19 =	simm.s32 $0x11200;
	v3 =	vadd.s32 v1, v3  }
0x34b: {  	[tilespmem:s19], [sflag:$0x5] =	stream.indirect_vreg.gather [hbm4b:s6+s3], $0x80, v4, vm0, $0xb8;
	[tilespmem:$0x18200] =	vst v63  }
0x34c: {  	s21 =	simm.s32 $0x11A00  }
0x34d: {  	[tilespmem:s21], [sflag:$0x5] =	stream.indirect_vreg.gather [hbm4b:s7+s3], $0x80, v4, vm0, $0xb8;
	[tilespmem:$0x18200] =	vst v63  }
0x34e: {  	s21 =	simm.s32 $0x12200  }
0x34f: {  	[tilespmem:s21], [sflag:$0x5] =	stream.indirect_vreg.gather [hbm4b:s2+s3], $0x80, v3, vm0, $0xb8;
	[tilespmem:$0x18200] =	vst v63  }
0x350: {  	s21 =	simm.s32 $0x12A00  }
0x351: {  	[tilespmem:s21], [sflag:$0x5] =	stream.indirect_vreg.gather [hbm4b:s5+s3], $0x80, v3, vm0, $0xb8;
	[tilespmem:$0x18200] =	vst v63  }
0x352: {  	s21 =	simm.s32 $0x13200  }
0x353: {  	[tilespmem:s21], [sflag:$0x5] =	stream.indirect_vreg.gather [hbm4b:s6+s3], $0x80, v3, vm0, $0xb8;
	[tilespmem:$0x18200] =	vst v63  }
0x354: {  	s21 =	simm.s32 $0x13A00  }
0x355: {  	[tilespmem:s21], [sflag:$0x5] =	stream.indirect_vreg.gather [hbm4b:s7+s3], $0x80, v3, vm0, $0xb8;
	[tilespmem:$0x18200] =	vst v63  }
0x356: {  	s18 =	simm.s32 $0x14200;
	s19 =	rddreg [dreg:$0x1b]  }
0x357: {  	[hbm4b:s19+s3] =	stream.linear.scatter [tilespmem:s18], [sflag:$0xC], $0x4000, $0x38;
	[tilespmem:$0x18200] =	vst v63  }
0x358: {  	s4 =	sld [smem:$0x7F7];
	_ =	swait.ge [sflag:s30], $0x4000  }
0x359: {  	[sflag:s30] =	ssyncset.done $0x0  }
0x35a: {  	[sflag:s30] =	ssyncadd.s32 $0xFFFFC000  }
0x35b: {  	_ =	swait.ge [sflag:s17], $0x4000  }
0x35c: {  	[sflag:s17] =	ssyncset.done $0x0  }
0x35d: {  	[sflag:s17] =	ssyncadd.s32 $0xFFFFC000  }
0x35e: {  	v3 =	vld [tilespmem:$0x1D0];
	_ =	sdelay $0x4  }
0x35f: {  	v61 =	vshll.u32 v3, $0x3  }
0x360: {  	v3 =	vand.u32 $0x7, v3;
	v4 =	vand.u32 $0xFFFFFFC0, v61  }
0x361: {  	v3 =	vor.u32 v3, v4  }
0x362: {  	v4 =	vperm.xlane v3, v0;
	_ =	sdelay $0x1  }
0x363: {  	v4 =	vadd.s32 v1, v4;
	_ =	sdelay $0x4  }
0x364: {  	[tilespmem:s18], [sflag:$0x6] =	stream.indirect_vreg.gather [hbm4b:s2+s3], $0x80, v4, vm0, $0xb8;
	[tilespmem:$0x18200] =	vst v63  }
0x365: {  	s21 =	simm.s32 $0x14A00;
	v3 =	vperm.xlane v3, v2  }
0x366: {  	[tilespmem:s21], [sflag:$0x6] =	stream.indirect_vreg.gather [hbm4b:s5+s3], $0x80, v4, vm0, $0xb8;
	[tilespmem:$0x18200] =	vst v63  }
0x367: {  	v3 =	vadd.s32 v1, v3;
	s21 =	simm.s32 $0x15200  }
0x368: {  	[tilespmem:s21], [sflag:$0x6] =	stream.indirect_vreg.gather [hbm4b:s6+s3], $0x80, v4, vm0, $0xb8;
	[tilespmem:$0x18200] =	vst v63  }
0x369: {  	s21 =	simm.s32 $0x15A00  }
0x36a: {  	[tilespmem:s21], [sflag:$0x6] =	stream.indirect_vreg.gather [hbm4b:s7+s3], $0x80, v4, vm0, $0xb8;
	[tilespmem:$0x18200] =	vst v63  }
0x36b: {  	s21 =	simm.s32 $0x16200  }
0x36c: {  	[tilespmem:s21], [sflag:$0x6] =	stream.indirect_vreg.gather [hbm4b:s2+s3], $0x80, v3, vm0, $0xb8;
	[tilespmem:$0x18200] =	vst v63  }
0x36d: {  	s21 =	simm.s32 $0x16A00  }
0x36e: {  	[tilespmem:s21], [sflag:$0x6] =	stream.indirect_vreg.gather [hbm4b:s5+s3], $0x80, v3, vm0, $0xb8;
	[tilespmem:$0x18200] =	vst v63  }
0x36f: {  	s21 =	simm.s32 $0x17200  }
0x370: {  	[tilespmem:s21], [sflag:$0x6] =	stream.indirect_vreg.gather [hbm4b:s6+s3], $0x80, v3, vm0, $0xb8;
	[tilespmem:$0x18200] =	vst v63  }
0x371: {  	s21 =	simm.s32 $0x17A00  }
0x372: {  	[tilespmem:s21], [sflag:$0x6] =	stream.indirect_vreg.gather [hbm4b:s7+s3], $0x80, v3, vm0, $0xb8;
	[tilespmem:$0x18200] =	vst v63  }
0x373: {  	s19 =	rddreg [dreg:$0x1c]  }
0x374: {  	[hbm4b:s19+s3] =	stream.linear.scatter [tilespmem:s24], [sflag:$0x7], $0x4000, $0x38;
	[tilespmem:$0x18200] =	vst v63  }
0x375: {  	_ =	swait.ge [sflag:s29], $0x4000  }
0x376: {  	[sflag:s29] =	ssyncset.done $0x0  }
0x377: {  	[sflag:s29] =	ssyncadd.s32 $0xFFFFC000  }
0x378: {  	_ =	swait.ge [sflag:s0], $0x4000  }
0x379: {  	[sflag:s0] =	ssyncset.done $0x0  }
0x37a: {  	[sflag:s0] =	ssyncadd.s32 $0xFFFFC000  }
0x37b: {  	v3 =	vld [tilespmem:$0x1E0];
	_ =	sdelay $0x4  }
0x37c: {  	v62 =	vshll.u32 v3, $0x3  }
0x37d: {  	v3 =	vand.u32 $0x7, v3;
	v4 =	vand.u32 $0xFFFFFFC0, v62  }
0x37e: {  	v3 =	vor.u32 v3, v4  }
0x37f: {  	v4 =	vperm.xlane v3, v0;
	_ =	sdelay $0x1  }
0x380: {  	v4 =	vadd.s32 v1, v4;
	_ =	sdelay $0x4  }
0x381: {  	[tilespmem:s24], [sflag:$0x1] =	stream.indirect_vreg.gather [hbm4b:s2+s3], $0x80, v4, vm0, $0xb8;
	[tilespmem:$0x18200] =	vst v63  }
0x382: {  	s21 =	simm.s32 $0xA00;
	v3 =	vperm.xlane v3, v2  }
0x383: {  	[tilespmem:s21], [sflag:$0x1] =	stream.indirect_vreg.gather [hbm4b:s5+s3], $0x80, v4, vm0, $0xb8;
	[tilespmem:$0x18200] =	vst v63  }
0x384: {  	v3 =	vadd.s32 v1, v3;
	s21 =	simm.s32 $0x1200  }
0x385: {  	[tilespmem:s21], [sflag:$0x1] =	stream.indirect_vreg.gather [hbm4b:s6+s3], $0x80, v4, vm0, $0xb8;
	[tilespmem:$0x18200] =	vst v63  }
0x386: {  	s21 =	simm.s32 $0x1A00  }
0x387: {  	[tilespmem:s21], [sflag:$0x1] =	stream.indirect_vreg.gather [hbm4b:s7+s3], $0x80, v4, vm0, $0xb8;
	[tilespmem:$0x18200] =	vst v63  }
0x388: {  	s21 =	simm.s32 $0x2200  }
0x389: {  	[tilespmem:s21], [sflag:$0x1] =	stream.indirect_vreg.gather [hbm4b:s2+s3], $0x80, v3, vm0, $0xb8;
	[tilespmem:$0x18200] =	vst v63  }
0x38a: {  	s21 =	simm.s32 $0x2A00  }
0x38b: {  	[tilespmem:s21], [sflag:$0x1] =	stream.indirect_vreg.gather [hbm4b:s5+s3], $0x80, v3, vm0, $0xb8;
	[tilespmem:$0x18200] =	vst v63  }
0x38c: {  	s21 =	simm.s32 $0x3200  }
0x38d: {  	[tilespmem:s21], [sflag:$0x1] =	stream.indirect_vreg.gather [hbm4b:s6+s3], $0x80, v3, vm0, $0xb8;
	[tilespmem:$0x18200] =	vst v63  }
0x38e: {  	s31 =	simm.s32 $0x3A00  }
0x38f: {  	[tilespmem:s31], [sflag:$0x1] =	stream.indirect_vreg.gather [hbm4b:s7+s3], $0x80, v3, vm0, $0xb8;
	[tilespmem:$0x18200] =	vst v63  }
0x390: {  	s8 =	simm.s32 $0x4200;
	s21 =	rddreg [dreg:$0x1d]  }
0x391: {  	[hbm4b:s21+s3] =	stream.linear.scatter [tilespmem:s8], [sflag:$0x8], $0x4000, $0x38;
	[tilespmem:$0x18200] =	vst v63  }
0x392: {  	_ =	swait.ge [sflag:s23], $0x4000  }
0x393: {  	[sflag:s23] =	ssyncset.done $0x0  }
0x394: {  	[sflag:s23] =	ssyncadd.s32 $0xFFFFC000  }
0x395: {  	_ =	swait.ge [sflag:s10], $0x4000  }
0x396: {  	[sflag:s10] =	ssyncset.done $0x0  }
0x397: {  	[sflag:s10] =	ssyncadd.s32 $0xFFFFC000  }
0x398: {  	v3 =	vld [tilespmem:$0x1F0];
	_ =	sdelay $0x4  }
0x399: {  	v63 =	vshll.u32 v3, $0x3  }
0x39a: {  	v3 =	vand.u32 $0x7, v3;
	v4 =	vand.u32 $0xFFFFFFC0, v63  }
0x39b: {  	v3 =	vor.u32 v3, v4  }
0x39c: {  	v4 =	vperm.xlane v3, v0;
	_ =	sdelay $0x1  }
0x39d: {  	v4 =	vadd.s32 v1, v4;
	_ =	sdelay $0x4  }
0x39e: {  	[tilespmem:s8], [sflag:$0x2] =	stream.indirect_vreg.gather [hbm4b:s2+s3], $0x80, v4, vm0, $0xb8;
	[tilespmem:$0x18200] =	vst v63  }
0x39f: {  	s28 =	simm.s32 $0x4A00;
	v3 =	vperm.xlane v3, v2  }
0x3a0: {  	[tilespmem:s28], [sflag:$0x2] =	stream.indirect_vreg.gather [hbm4b:s5+s3], $0x80, v4, vm0, $0xb8;
	[tilespmem:$0x18200] =	vst v63  }
0x3a1: {  	s21 =	simm.s32 $0x5200;
	v3 =	vadd.s32 v1, v3  }
0x3a2: {  	[tilespmem:s21], [sflag:$0x2] =	stream.indirect_vreg.gather [hbm4b:s6+s3], $0x80, v4, vm0, $0xb8;
	[tilespmem:$0x18200] =	vst v63  }
0x3a3: {  	s22 =	simm.s32 $0x5A00  }
0x3a4: {  	[tilespmem:s22], [sflag:$0x2] =	stream.indirect_vreg.gather [hbm4b:s7+s3], $0x80, v4, vm0, $0xb8;
	[tilespmem:$0x18200] =	vst v63  }
0x3a5: {  	s22 =	simm.s32 $0x6200  }
0x3a6: {  	[tilespmem:s22], [sflag:$0x2] =	stream.indirect_vreg.gather [hbm4b:s2+s3], $0x80, v3, vm0, $0xb8;
	[tilespmem:$0x18200] =	vst v63  }
0x3a7: {  	s25 =	simm.s32 $0x6A00  }
0x3a8: {  	[tilespmem:s25], [sflag:$0x2] =	stream.indirect_vreg.gather [hbm4b:s5+s3], $0x80, v3, vm0, $0xb8;
	[tilespmem:$0x18200] =	vst v63  }
0x3a9: {  	s26 =	simm.s32 $0x7200  }
0x3aa: {  	[tilespmem:s26], [sflag:$0x2] =	stream.indirect_vreg.gather [hbm4b:s6+s3], $0x80, v3, vm0, $0xb8;
	[tilespmem:$0x18200] =	vst v63  }
0x3ab: {  	s31 =	simm.s32 $0x7A00  }
0x3ac: {  	[tilespmem:s31], [sflag:$0x2] =	stream.indirect_vreg.gather [hbm4b:s7+s3], $0x80, v3, vm0, $0xb8;
	[tilespmem:$0x18200] =	vst v63  }
0x3ad: {  	s9 =	simm.s32 $0x8200;
	s28 =	rddreg [dreg:$0x1e]  }
0x3ae: {  	[hbm4b:s28+s3] =	stream.linear.scatter [tilespmem:s9], [sflag:$0x9], $0x4000, $0x38;
	[tilespmem:$0x18200] =	vst v63  }
0x3af: {  	_ =	swait.ge [sflag:s11], $0x4000  }
0x3b0: {  	[sflag:s11] =	ssyncset.done $0x0  }
0x3b1: {  	s20 =	simm.s32 $0xC200;
	s22 =	rddreg [dreg:$0x1f];
	[sflag:s11] =	ssyncadd.s32 $0xFFFFC000  }
0x3b2: {  	[hbm4b:s22+s3] =	stream.linear.scatter [tilespmem:s20], [sflag:$0xA], $0x4000, $0x38;
	[tilespmem:$0x18200] =	vst v63  }
0x3b3: {  	_ =	swait.ge [sflag:s13], $0x4000  }
0x3b4: {  	s25 =	sld [smem:$0x7F8]  }
0x3b5: {  	[sflag:s13] =	ssyncset.done $0x0  }
0x3b6: {  	s1 =	simm.s32 $0x10200;
	[sflag:s13] =	ssyncadd.s32 $0xFFFFC000  }
0x3b7: {  	[hbm4b:s25+s3] =	stream.linear.scatter [tilespmem:s1], [sflag:$0xB], $0x4000, $0x38;
	[tilespmem:$0x18200] =	vst v63  }
0x3b8: {  	_ =	swait.ge [sflag:s15], $0x4000  }
0x3b9: {  	s26 =	sld [smem:$0x7F9]  }
0x3ba: {  	[sflag:s15] =	ssyncset.done $0x0  }
0x3bb: {  	[sflag:s15] =	ssyncadd.s32 $0xFFFFC000  }
0x3bc: {  	[hbm4b:s26+s3] =	stream.linear.scatter [tilespmem:s18], [sflag:$0xC], $0x4000, $0x38;
	[tilespmem:$0x18200] =	vst v63  }
0x3bd: {  	_ =	swait.ge [sflag:s30], $0x4000  }
0x3be: {  	s28 =	sld [smem:$0x7FA]  }
0x3bf: {  	[sflag:s30] =	ssyncset.done $0x0  }
0x3c0: {  	[sflag:s30] =	ssyncadd.s32 $0xFFFFC000  }
0x3c1: {  	[hbm4b:s28+s3] =	stream.linear.scatter [tilespmem:s24], [sflag:$0x7], $0x4000, $0x38;
	[tilespmem:$0x18200] =	vst v63  }
0x3c2: {  	_ =	swait.ge [sflag:s29], $0x4000  }
0x3c3: {  	s31 =	sld [smem:$0x7FC]  }
0x3c4: {  	[sflag:s29] =	ssyncset.done $0x0  }
0x3c5: {  	[sflag:s29] =	ssyncadd.s32 $0xFFFFC000  }
0x3c6: {  	[hbm4b:s31+s3] =	stream.linear.scatter [tilespmem:s8], [sflag:$0x8], $0x4000, $0x38;
	[tilespmem:$0x18200] =	vst v63  }
0x3c7: {  	_ =	swait.ge [sflag:s12], $0x4000  }
0x3c8: {  	[sflag:s12] =	ssyncset.done $0x0  }
0x3c9: {  	[sflag:s12] =	ssyncadd.s32 $0xFFFFC000  }
0x3ca: {  	_ =	swait.ge [sflag:s14], $0x4000  }
0x3cb: {  	[sflag:s14] =	ssyncset.done $0x0  }
0x3cc: {  	[sflag:s14] =	ssyncadd.s32 $0xFFFFC000  }
0x3cd: {  	_ =	swait.ge [sflag:s16], $0x4000  }
0x3ce: {  	[sflag:s16] =	ssyncset.done $0x0  }
0x3cf: {  	[sflag:s16] =	ssyncadd.s32 $0xFFFFC000  }
0x3d0: {  	_ =	swait.ge [sflag:s17], $0x4000  }
0x3d1: {  	[sflag:s17] =	ssyncset.done $0x0  }
0x3d2: {  	[sflag:s17] =	ssyncadd.s32 $0xFFFFC000  }
0x3d3: {  	p0 =	sne.s32 s4, $0x1;
	_ =	swait.ge [sflag:s0], $0x4000  }
.Ltmp0:
0x3d4: {  	[sflag:s0] =	ssyncset.done $0x0;
	(pc) =	sbr.rel @p0 .LBB2_1-.Ltmp0, $4  }
0x3d5: {  	[sflag:s0] =	ssyncadd.s32 $0xFFFFC000  }
0x3d6: {  	_ =	swait.ge [sflag:s10], $0x4000  }
0x3d7: {  	[sflag:s10] =	ssyncset.done $0x0  }
0x3d8: {  	s4 =	sadd.s32 $0xFFFFFFFF, s4;
	[sflag:s10] =	ssyncadd.s32 $0xFFFFC000  }
0x3d9: {  	_ =	sfence.sel $0x180000  }
0x3da: {  	[bflag:$0x0] =	sbarrier.arrive $0xFFFF  }
0x3db: {  	_ =	strace $0x90000047  }
0x3dc: {  	s0 =	stileid.u32;
	[bflag:$0x2] =	sbarrier.arrive $0xFFFF  }
0x3dd: {  	p0 =	sne.s32 s0, $0x0;
	s0 =	rddreg [dreg:$0x3]  }
0x3de: {  	s0 =	sadd.s32 @!p0 $0x100000, s0  }
0x3df: {  	[sflag:s0] =	ssyncadd.tile.s32 @!p0 $0x1;
	_ =	shalt  }
.Lfunc_end2:
_tile_overlayer_lowered:
.L_overlay_start_2:
0x3e0: {  	(tag) =	ssettag $0x2  }
0x3e1: {  	s0 =	rddreg [dreg:$0x0];
	s2 =	stileid.u32  }
0x3e2: {  	s1 =	rddreg [dreg:$0x1];
	p0 =	sne.s32 s2, $0x0  }
0x3e3: {  	s3 =	rddreg [dreg:$0x2];
	[bflag:$0x3] =	sbarrier.arrive $0xFFFF;
	s2 =	simm.s32 @!p0 $0x1C0D  }
0x3e4: {  	[timem:s3], [sflag:s2] =	dma.local @!p0 [hbm:s0], s1  }
0x3e5: {  	s0 =	simm.s32 @!p0 $0xD  }
0x3e6: {  	_ =	swait.ge @!p0 [sflag:s0], s1  }
0x3e7: {  	s1 =	ssub.s32 @!p0 $0x0, s1;
	[sflag:s0] =	ssyncset.done @!p0 $0x0  }
0x3e8: {  	[sflag:s0] =	ssyncadd.s32 @!p0 s1  }
0x3e9: {  	[bflag:$0x3] =	sbarrier.arrive $0xFFFF  }
0x3ea: {  	_ =	shalt  }

</sc_bundles>
